<compile_context>
chip_gen: v7x
topology: tpu7x:2x2x1
jax: 0.10.2.dev20260603
libtpu: 0.0.44.dev20260713+nightly
codegen_flags: <defaults>
</compile_context>

<pallas_src>
import functools

import jax
import jax.numpy as jnp
from jax import lax
from jax.experimental import pallas as pl
from jax.experimental.pallas import tpu as pltpu
from jax.experimental.pallas import tpu_sc as plsc

_N = 10000
_D = 256
_DH = _D // 2
_E = 160000
_NS = 16
_K = 80
_SEG = 25
_NSEG = 5
_RPT = _N // _NS


def _sc_agg_body(xh, srcr, dstr, agg_out, cnt_out, idx_v, dst_v, gb0, gb1,
                 agg_sp, sem0, sem1, ssem0, ssem1):
    c = lax.axis_index("c")
    s = lax.axis_index("s")
    zero16 = jnp.zeros((16,), jnp.float32)
    one16 = jnp.ones((16,), jnp.float32)

    def wait_scatter(buf, ssem):
        pltpu.make_async_copy(buf, agg_sp.at[pl.ds(0, _K)], ssem).wait()

    def fill(val):
        def fz(i, _):
            for jj in range(_DH // 16):
                gb0[i, pl.ds(jj * 16, 16)] = val
            return 0
        lax.fori_loop(0, _K, fz, 0)

    def zero_my_rows():
        def fzs(i, _):
            pltpu.sync_copy(gb0, agg_sp.at[pl.ds(s * _RPT + i * _K, _K)])
            return 0
        lax.fori_loop(0, _RPT // _K, fzs, 0)
        rem = _RPT - (_RPT // _K) * _K
        pltpu.sync_copy(gb0.at[pl.ds(0, rem)],
                        agg_sp.at[pl.ds(s * _RPT + (_RPT // _K) * _K, rem)])

    fill(zero16)
    zero_my_rows()
    plsc.subcore_barrier()

    def fseg(g, _):
        pltpu.sync_copy(srcr.at[s, g], idx_v)
        pltpu.sync_copy(dstr.at[s, g], dst_v)

        def ft(i, _):
            for jj in range(_K // 16):
                v = idx_v[i, pl.ds(jj * 16, 16)]
                idx_v[i, pl.ds(jj * 16, 16)] = v * 2 + c
            return 0
        lax.fori_loop(0, _SEG, ft, 0)

        def fb(b, _):
            even = (b % 2) == 0

            @pl.when(b == 0)
            def _():
                pltpu.async_copy(xh.at[idx_v.at[b]], gb0, sem0)

            @pl.when(even)
            def _():
                pltpu.make_async_copy(xh.at[pl.ds(0, _K)], gb0, sem0).wait()
                pltpu.async_copy(gb0, agg_sp.at[dst_v.at[b]], ssem0, add=True)

                @pl.when(b + 1 < _SEG)
                def _():
                    @pl.when(b >= 1)
                    def _():
                        wait_scatter(gb1, ssem1)
                    pltpu.async_copy(xh.at[idx_v.at[b + 1]], gb1, sem1)

            @pl.when(jnp.logical_not(even))
            def _():
                pltpu.make_async_copy(xh.at[pl.ds(0, _K)], gb1, sem1).wait()
                pltpu.async_copy(gb1, agg_sp.at[dst_v.at[b]], ssem1, add=True)

                @pl.when(b + 1 < _SEG)
                def _():
                    wait_scatter(gb0, ssem0)
                    pltpu.async_copy(xh.at[idx_v.at[b + 1]], gb0, sem0)
            return 0
        lax.fori_loop(0, _SEG, fb, 0)
        wait_scatter(gb0, ssem0)
        wait_scatter(gb1, ssem1)
        return 0
    lax.fori_loop(0, _NSEG, fseg, 0)

    plsc.subcore_barrier()
    pltpu.sync_copy(agg_sp.at[pl.ds(s * _RPT, _RPT)], agg_out.at[c * _NS + s])
    plsc.subcore_barrier()

    fill(zero16)
    zero_my_rows()
    fill(one16)
    plsc.subcore_barrier()

    def cseg(g, _):
        pltpu.sync_copy(dstr.at[s, g], dst_v)

        def cb(j, _):
            b = 2 * j + c

            @pl.when(b < _SEG)
            def _():
                pltpu.async_copy(gb0, agg_sp.at[dst_v.at[b]], ssem0, add=True)
            return 0
        lax.fori_loop(0, (_SEG + 1) // 2, cb, 0)
        nw = (_SEG + 1) // 2 - c

        def cdrain(j, _):
            wait_scatter(gb0, ssem0)
            return 0
        lax.fori_loop(0, nw, cdrain, 0)
        return 0
    lax.fori_loop(0, _NSEG, cseg, 0)

    plsc.subcore_barrier()
    pltpu.sync_copy(agg_sp.at[pl.ds(s * _RPT, _RPT)], cnt_out.at[c * _NS + s])


_sc_aggregate = functools.partial(
    pl.kernel,
    out_type=(jax.ShapeDtypeStruct((2 * _NS, _RPT, _DH), jnp.float32),
              jax.ShapeDtypeStruct((2 * _NS, _RPT, _DH), jnp.float32)),
    mesh=plsc.VectorSubcoreMesh(core_axis_name="c", subcore_axis_name="s"),
    scratch_types=[
        pltpu.VMEM((_SEG, _K), jnp.int32),
        pltpu.VMEM((_SEG, _K), jnp.int32),
        pltpu.VMEM((_K, _DH), jnp.float32),
        pltpu.VMEM((_K, _DH), jnp.float32),
        pltpu.VMEM_SHARED((_N, _DH), jnp.float32),
        pltpu.SemaphoreType.DMA,
        pltpu.SemaphoreType.DMA,
        pltpu.SemaphoreType.DMA,
        pltpu.SemaphoreType.DMA,
    ],
)(_sc_agg_body)


_BM = 1000


def _tc_body(a0, a1, c0, c1, xd, wl0, wl1, wr, bias, out):
    r = 1.0 / jnp.maximum(c0[:, 0:1] + c1[:, 0:1], 1.0)
    m = jnp.dot(a0[...] * r, wl0[...], preferred_element_type=jnp.float32)
    m += jnp.dot(a1[...] * r, wl1[...], preferred_element_type=jnp.float32)
    m += jnp.dot(xd[...], wr[...], preferred_element_type=jnp.float32)
    out[...] = m + bias[...]


def _fused_update(aggflat, cntflat, x_dst, W_l, W_r, b):
    nblk = _N // _BM
    return pl.pallas_call(
        _tc_body,
        grid=(nblk,),
        in_specs=[
            pl.BlockSpec((_BM, _DH), lambda i: (i, 0)),
            pl.BlockSpec((_BM, _DH), lambda i: (i + _N // _BM, 0)),
            pl.BlockSpec((_BM, _DH), lambda i: (i, 0)),
            pl.BlockSpec((_BM, _DH), lambda i: (i + _N // _BM, 0)),
            pl.BlockSpec((_BM, _D), lambda i: (i, 0)),
            pl.BlockSpec((_DH, _D), lambda i: (0, 0)),
            pl.BlockSpec((_DH, _D), lambda i: (0, 0)),
            pl.BlockSpec((_D, _D), lambda i: (0, 0)),
            pl.BlockSpec((1, _D), lambda i: (0, 0)),
        ],
        out_specs=pl.BlockSpec((_BM, _D), lambda i: (i, 0)),
        out_shape=jax.ShapeDtypeStruct((_N, _D), jnp.float32),
    )(aggflat, aggflat, cntflat, cntflat, x_dst,
      W_l[:_DH], W_l[_DH:], W_r, b.reshape(1, _D))


def _sage(x_src, x_dst, edge_index, W_l, W_r, b):
    xh = x_src.reshape(2 * _N, _DH)
    srcr = edge_index[0].reshape(_NS, _NSEG, _SEG, _K)
    dstr = edge_index[1].reshape(_NS, _NSEG, _SEG, _K)
    agg3, cnt3 = _sc_aggregate(xh, srcr, dstr)
    aggflat = agg3.reshape(2 * _N, _DH)
    cntflat = cnt3.reshape(2 * _N, _DH)
    return _fused_update(aggflat, cntflat, x_dst, W_l, W_r, b)


def kernel(x_user, x_item, W_l_u2i, W_r_u2i, b_u2i, W_l_i2u, W_r_i2u, b_i2u,
           edge_index_u2i, edge_index_i2u):
    agg_a, cnt_a = _sc_aggregate(
        x_user.reshape(2 * _N, _DH),
        edge_index_u2i[0].reshape(_NS, _NSEG, _SEG, _K),
        edge_index_u2i[1].reshape(_NS, _NSEG, _SEG, _K))
    agg_b, cnt_b = _sc_aggregate(
        x_item.reshape(2 * _N, _DH),
        edge_index_i2u[0].reshape(_NS, _NSEG, _SEG, _K),
        edge_index_i2u[1].reshape(_NS, _NSEG, _SEG, _K))
    out_item = _fused_update(agg_a.reshape(2 * _N, _DH),
                             cnt_a.reshape(2 * _N, _DH),
                             x_item, W_l_u2i, W_r_u2i, b_u2i)
    out_user = _fused_update(agg_b.reshape(2 * _N, _DH),
                             cnt_b.reshape(2 * _N, _DH),
                             x_user, W_l_i2u, W_r_i2u, b_i2u)
    return (out_user, out_item)

# --- scband reference (transcript-rebuilt; emitter-appended) ---
"""Pipeline reference for scband-hetero-conv2-28467043238284 (READ-ONLY COPY).

The authoritative reference and input builder live on the scoring server;
editing this copy changes nothing except your own understanding.
"""

import jax, jax.numpy as jnp
import numpy as np

N_USER = 10000
N_ITEM = 10000
D = 256
E = 160000


def setup_inputs(seed: int = 0) -> dict:
    key = jax.random.key(seed)
    ks = jax.random.split(key, 12)
    s = 1.0 / np.sqrt(D)
    x_user = jax.random.normal(ks[0], (N_USER, D), dtype=jnp.float32)
    x_item = jax.random.normal(ks[1], (N_ITEM, D), dtype=jnp.float32)
    edge_index_u2i = jax.random.randint(ks[2], (2, E), 0, N_USER, dtype=jnp.int32)
    edge_index_i2u = jax.random.randint(ks[3], (2, E), 0, N_ITEM, dtype=jnp.int32)
    W_l_u2i = jax.random.normal(ks[4], (D, D), dtype=jnp.float32) * s
    W_r_u2i = jax.random.normal(ks[5], (D, D), dtype=jnp.float32) * s
    b_u2i = jnp.zeros((D,), dtype=jnp.float32)
    W_l_i2u = jax.random.normal(ks[6], (D, D), dtype=jnp.float32) * s
    W_r_i2u = jax.random.normal(ks[7], (D, D), dtype=jnp.float32) * s
    b_i2u = jnp.zeros((D,), dtype=jnp.float32)
    return {
        'x_user': x_user, 'x_item': x_item,
        'W_l_u2i': W_l_u2i, 'W_r_u2i': W_r_u2i, 'b_u2i': b_u2i,
        'W_l_i2u': W_l_i2u, 'W_r_i2u': W_r_i2u, 'b_i2u': b_i2u,
        'edge_index_u2i': edge_index_u2i, 'edge_index_i2u': edge_index_i2u,
    }


def _sage_conv(x_src, x_dst, edge_index, W_l, W_r, b, num_dst):
    # PyG SAGEConv, bipartite form: out = lin_l(mean_{j in N(i)} x_src[j]) + lin_r(x_dst[i]) + bias
    src = edge_index[0]
    dst = edge_index[1]
    msg = jnp.take(x_src, src, axis=0)                                  # gather [E, D]
    agg = jax.ops.segment_sum(msg, dst, num_segments=num_dst)           # scatter-add
    cnt = jax.ops.segment_sum(jnp.ones((msg.shape[0],), dtype=x_src.dtype), dst, num_segments=num_dst)
    mean = agg / jnp.maximum(cnt, 1.0)[:, None]                         # mean aggregation
    return mean @ W_l + x_dst @ W_r + b


def reference(x_user, x_item, W_l_u2i, W_r_u2i, b_u2i, W_l_i2u, W_r_i2u, b_i2u,
              edge_index_u2i, edge_index_i2u):
    # HeteroConv2.forward: iterate over edge types, run each conv, group per dst node type.
    # Relation ('user','to','item'): updates item representations.
    out_item = _sage_conv(x_user, x_item, edge_index_u2i, W_l_u2i, W_r_u2i, b_u2i, N_ITEM)
    # Relation ('item','rev_to','user'): updates user representations.
    out_user = _sage_conv(x_item, x_user, edge_index_i2u, W_l_i2u, W_r_i2u, b_i2u, N_USER)
    # group(): single conv per dst type -> returns xs[0] regardless of aggr='sum'.
    # att_w_dict is empty since no GATv2Conv modules are used.
    return (out_user, out_item)

if __name__ == "__main__":
    import jax
    _d = setup_inputs()
    print(jax.jit(kernel)(*tuple(_d.values())))

</pallas_src>

<mosaic_0001>
#map = affine_map<(d0, d1) -> (0, 0)>
#map1 = affine_map<(d0, d1) -> (0, 0, 0, 0)>
#map2 = affine_map<(d0, d1) -> (0, 0, 0)>
module attributes {stable_mosaic.version = 14 : i64} {
  func.func @_sc_agg_body(%arg0: i32, %arg1: i32, %arg2: memref<20000x128xf32, #tpu.memory_space<hbm>>, %arg3: memref<16x5x25x80xi32, #tpu.memory_space<hbm>>, %arg4: memref<16x5x25x80xi32, #tpu.memory_space<hbm>>, %arg5: memref<32x625x128xf32, #tpu.memory_space<hbm>>, %arg6: memref<32x625x128xf32, #tpu.memory_space<hbm>>, %arg7: memref<25x80xi32, #tpu.memory_space<vmem>>, %arg8: memref<25x80xi32, #tpu.memory_space<vmem>>, %arg9: memref<80x128xf32, #tpu.memory_space<vmem>>, %arg10: memref<80x128xf32, #tpu.memory_space<vmem>>, %arg11: memref<10000x128xf32, #tpu.memory_space<vmem_shared>>, %arg12: memref<!tpu.dma_semaphore, #tpu.memory_space<semaphore_mem>>, %arg13: memref<!tpu.dma_semaphore, #tpu.memory_space<semaphore_mem>>, %arg14: memref<!tpu.dma_semaphore, #tpu.memory_space<semaphore_mem>>, %arg15: memref<!tpu.dma_semaphore, #tpu.memory_space<semaphore_mem>>) attributes {dimension_semantics = [#tpu.dimension_semantics<core_parallel>, #tpu.dimension_semantics<subcore_parallel>], iteration_bounds = array<i64: 2, 16>, scalar_prefetch = 0 : i64, scratch_operands = 9 : i64, tpu.core_type = #tpu.core_type<sc_vector_subcore>, window_params = [{transform_indices = #map}, {transform_indices = #map1}, {transform_indices = #map1}, {transform_indices = #map2}, {transform_indices = #map2}]} {
    %broadcast_in_dim3A = arith.constant 0.000000e+00 : f32
    %broadcast_in_dim3A_0 = vector.broadcast %broadcast_in_dim3A : f32 to vector<16xf32>
    %broadcast_in_dim3A_1 = arith.constant 1.000000e+00 : f32
    %broadcast_in_dim3A_2 = vector.broadcast %broadcast_in_dim3A_1 : f32 to vector<16xf32>
    %scan3A = arith.constant 0 : i32
    %scan3A_3 = arith.constant 0 : i32
    %scan3A_4 = arith.constant 80 : i32
    %scan3A_5 = arith.addi %scan3A_3, %scan3A_4 : i32
    %scan3A_6 = arith.constant 1 : i32
    %scan3A_7 = scf.for %scan3A_71 = %scan3A_3 to %scan3A_5 step %scan3A_6 iter_args(%scan3A_72 = %scan3A) -> (i32)  : i32 {
      %swap3A = arith.index_cast %scan3A_71 : i32 to index
      %swap3A_73 = arith.constant 0 : index
      %swap3A_74 = tpu.vector_load %arg9[%swap3A, %swap3A_73] {strides = array<i32>} : memref<80x128xf32, #tpu.memory_space<vmem>>, vector<1x16xf32>,
      %swap3A_75 = vector.shape_cast %swap3A_74 : vector<1x16xf32> to vector<16xf32>
      %swap3A_76 = vector.shape_cast %broadcast_in_dim3A_0 : vector<16xf32> to vector<1x16xf32>
      tpu.vector_store %arg9[%swap3A, %swap3A_73], %swap3A_76 {strides = array<i32>} : memref<80x128xf32, #tpu.memory_space<vmem>>, vector<1x16xf32>,
      %swap3A_77 = arith.index_cast %scan3A_71 : i32 to index
      %swap3A_78 = arith.constant 16 : index
      %swap3A_79 = tpu.vector_load %arg9[%swap3A_77, %swap3A_78] {strides = array<i32>} : memref<80x128xf32, #tpu.memory_space<vmem>>, vector<1x16xf32>,
      %swap3A_80 = vector.shape_cast %swap3A_79 : vector<1x16xf32> to vector<16xf32>
      %swap3A_81 = vector.shape_cast %broadcast_in_dim3A_0 : vector<16xf32> to vector<1x16xf32>
      tpu.vector_store %arg9[%swap3A_77, %swap3A_78], %swap3A_81 {strides = array<i32>} : memref<80x128xf32, #tpu.memory_space<vmem>>, vector<1x16xf32>,
      %swap3A_82 = arith.index_cast %scan3A_71 : i32 to index
      %swap3A_83 = arith.constant 32 : index
      %swap3A_84 = tpu.vector_load %arg9[%swap3A_82, %swap3A_83] {strides = array<i32>} : memref<80x128xf32, #tpu.memory_space<vmem>>, vector<1x16xf32>,
      %swap3A_85 = vector.shape_cast %swap3A_84 : vector<1x16xf32> to vector<16xf32>
      %swap3A_86 = vector.shape_cast %broadcast_in_dim3A_0 : vector<16xf32> to vector<1x16xf32>
      tpu.vector_store %arg9[%swap3A_82, %swap3A_83], %swap3A_86 {strides = array<i32>} : memref<80x128xf32, #tpu.memory_space<vmem>>, vector<1x16xf32>,
      %swap3A_87 = arith.index_cast %scan3A_71 : i32 to index
      %swap3A_88 = arith.constant 48 : index
      %swap3A_89 = tpu.vector_load %arg9[%swap3A_87, %swap3A_88] {strides = array<i32>} : memref<80x128xf32, #tpu.memory_space<vmem>>, vector<1x16xf32>,
      %swap3A_90 = vector.shape_cast %swap3A_89 : vector<1x16xf32> to vector<16xf32>
      %swap3A_91 = vector.shape_cast %broadcast_in_dim3A_0 : vector<16xf32> to vector<1x16xf32>
      tpu.vector_store %arg9[%swap3A_87, %swap3A_88], %swap3A_91 {strides = array<i32>} : memref<80x128xf32, #tpu.memory_space<vmem>>, vector<1x16xf32>,
      %swap3A_92 = arith.index_cast %scan3A_71 : i32 to index
      %swap3A_93 = arith.constant 64 : index
      %swap3A_94 = tpu.vector_load %arg9[%swap3A_92, %swap3A_93] {strides = array<i32>} : memref<80x128xf32, #tpu.memory_space<vmem>>, vector<1x16xf32>,
      %swap3A_95 = vector.shape_cast %swap3A_94 : vector<1x16xf32> to vector<16xf32>
      %swap3A_96 = vector.shape_cast %broadcast_in_dim3A_0 : vector<16xf32> to vector<1x16xf32>
      tpu.vector_store %arg9[%swap3A_92, %swap3A_93], %swap3A_96 {strides = array<i32>} : memref<80x128xf32, #tpu.memory_space<vmem>>, vector<1x16xf32>,
      %swap3A_97 = arith.index_cast %scan3A_71 : i32 to index
      %swap3A_98 = arith.constant 80 : index
      %swap3A_99 = tpu.vector_load %arg9[%swap3A_97, %swap3A_98] {strides = array<i32>} : memref<80x128xf32, #tpu.memory_space<vmem>>, vector<1x16xf32>,
      %swap3A_100 = vector.shape_cast %swap3A_99 : vector<1x16xf32> to vector<16xf32>
      %swap3A_101 = vector.shape_cast %broadcast_in_dim3A_0 : vector<16xf32> to vector<1x16xf32>
      tpu.vector_store %arg9[%swap3A_97, %swap3A_98], %swap3A_101 {strides = array<i32>} : memref<80x128xf32, #tpu.memory_space<vmem>>, vector<1x16xf32>,
      %swap3A_102 = arith.index_cast %scan3A_71 : i32 to index
      %swap3A_103 = arith.constant 96 : index
      %swap3A_104 = tpu.vector_load %arg9[%swap3A_102, %swap3A_103] {strides = array<i32>} : memref<80x128xf32, #tpu.memory_space<vmem>>, vector<1x16xf32>,
      %swap3A_105 = vector.shape_cast %swap3A_104 : vector<1x16xf32> to vector<16xf32>
      %swap3A_106 = vector.shape_cast %broadcast_in_dim3A_0 : vector<16xf32> to vector<1x16xf32>
      tpu.vector_store %arg9[%swap3A_102, %swap3A_103], %swap3A_106 {strides = array<i32>} : memref<80x128xf32, #tpu.memory_space<vmem>>, vector<1x16xf32>,
      %swap3A_107 = arith.index_cast %scan3A_71 : i32 to index
      %swap3A_108 = arith.constant 112 : index
      %swap3A_109 = tpu.vector_load %arg9[%swap3A_107, %swap3A_108] {strides = array<i32>} : memref<80x128xf32, #tpu.memory_space<vmem>>, vector<1x16xf32>,
      %swap3A_110 = vector.shape_cast %swap3A_109 : vector<1x16xf32> to vector<16xf32>
      %swap3A_111 = vector.shape_cast %broadcast_in_dim3A_0 : vector<16xf32> to vector<1x16xf32>
      tpu.vector_store %arg9[%swap3A_107, %swap3A_108], %swap3A_111 {strides = array<i32>} : memref<80x128xf32, #tpu.memory_space<vmem>>, vector<1x16xf32>,
      %scan3A_112 = arith.constant 0 : i32
      scf.yield %scan3A_112 : i32
    }
    %scan3A_8 = arith.constant 80 : i32
    %scan3A_9 = arith.constant 0 : i32
    %scan3A_10 = arith.constant 0 : i32
    %scan3A_11 = arith.constant 7 : i32
    %scan3A_12 = arith.addi %scan3A_10, %scan3A_11 : i32
    %scan3A_13 = arith.constant 1 : i32
    %scan3A_14 = scf.for %scan3A_71 = %scan3A_10 to %scan3A_12 step %scan3A_13 iter_args(%scan3A_72 = %scan3A_9) -> (i32)  : i32 {
      %mul3A_73 = arith.constant 625 : i32
      %mul3A_74 = arith.muli %arg1, %mul3A_73 : i32
      %mul3A_75 = arith.constant 80 : i32
      %mul3A_76 = arith.muli %scan3A_71, %mul3A_75 : i32
      %add3A_77 = arith.addi %mul3A_74, %mul3A_76 : i32
      "tpu.region"() ({
        %run_scoped3A = tpu.sem_alloc : memref<!tpu.dma_semaphore, #tpu.memory_space<semaphore_mem>>
        %dma_start3A = arith.constant 0 : i32
        %dma_start3A_79 = tpu.memref_slice %arg11[%add3A_77, %dma_start3A] : memref<10000x128xf32, #tpu.memory_space<vmem_shared>> -> memref<80x128xf32, #tpu.memory_space<vmem_shared>>
        %dma_start3A_80 = arith.constant 0 : i32
        %dma_start3A_81 = tpu.memref_slice %arg11[%add3A_77, %dma_start3A_80] : memref<10000x128xf32, #tpu.memory_space<vmem_shared>> -> memref<80x128xf32, #tpu.memory_space<vmem_shared>>
        tpu.enqueue_dma source(%arg9 : memref<80x128xf32, #tpu.memory_space<vmem>>) target(%dma_start3A_81 : memref<80x128xf32, #tpu.memory_space<vmem_shared>>) target_semaphore(%run_scoped3A : memref<!tpu.dma_semaphore, #tpu.memory_space<semaphore_mem>>)
        %dma_wait3A = arith.constant 0 : i32
        %dma_wait3A_82 = tpu.memref_slice %arg11[%add3A_77, %dma_wait3A] : memref<10000x128xf32, #tpu.memory_space<vmem_shared>> -> memref<80x128xf32, #tpu.memory_space<vmem_shared>>
        %dma_wait3A_83 = arith.constant 0 : i32
        %dma_wait3A_84 = tpu.memref_slice %arg11[%add3A_77, %dma_wait3A_83] : memref<10000x128xf32, #tpu.memory_space<vmem_shared>> -> memref<80x128xf32, #tpu.memory_space<vmem_shared>>
        tpu.wait_dma2 semaphore(%run_scoped3A : memref<!tpu.dma_semaphore, #tpu.memory_space<semaphore_mem>>) src(%arg9 : memref<80x128xf32, #tpu.memory_space<vmem>>) dst(%dma_wait3A_84 : memref<80x128xf32, #tpu.memory_space<vmem_shared>>)
        tpu.yield
      }) : () -> ()
      %scan3A_78 = arith.constant 0 : i32
      scf.yield %scan3A_78 : i32
    }
    %scan3A_15 = arith.constant 7 : i32
    %mul3A = arith.constant 625 : i32
    %mul3A_16 = arith.muli %arg1, %mul3A : i32
    %add3A = arith.constant 560 : i32
    %add3A_17 = arith.addi %mul3A_16, %add3A : i32
    "tpu.region"() ({
      %run_scoped3A = tpu.sem_alloc : memref<!tpu.dma_semaphore, #tpu.memory_space<semaphore_mem>>
      %dma_start3A = arith.constant 0 : i32
      %dma_start3A_71 = arith.constant 0 : i32
      %dma_start3A_72 = tpu.memref_slice %arg9[%dma_start3A, %dma_start3A_71] : memref<80x128xf32, #tpu.memory_space<vmem>> -> memref<65x128xf32, #tpu.memory_space<vmem>>
      %dma_start3A_73 = arith.constant 0 : i32
      %dma_start3A_74 = tpu.memref_slice %arg11[%add3A_17, %dma_start3A_73] : memref<10000x128xf32, #tpu.memory_space<vmem_shared>> -> memref<65x128xf32, #tpu.memory_space<vmem_shared>>
      %dma_start3A_75 = arith.constant 0 : i32
      %dma_start3A_76 = tpu.memref_slice %arg11[%add3A_17, %dma_start3A_75] : memref<10000x128xf32, #tpu.memory_space<vmem_shared>> -> memref<65x128xf32, #tpu.memory_space<vmem_shared>>
      %dma_start3A_77 = arith.constant 0 : i32
      %dma_start3A_78 = arith.constant 0 : i32
      %dma_start3A_79 = tpu.memref_slice %arg9[%dma_start3A_77, %dma_start3A_78] : memref<80x128xf32, #tpu.memory_space<vmem>> -> memref<65x128xf32, #tpu.memory_space<vmem>>
      tpu.enqueue_dma source(%dma_start3A_79 : memref<65x128xf32, #tpu.memory_space<vmem>>) target(%dma_start3A_76 : memref<65x128xf32, #tpu.memory_space<vmem_shared>>) target_semaphore(%run_scoped3A : memref<!tpu.dma_semaphore, #tpu.memory_space<semaphore_mem>>)
      %dma_wait3A = arith.constant 0 : i32
      %dma_wait3A_80 = arith.constant 0 : i32
      %dma_wait3A_81 = tpu.memref_slice %arg9[%dma_wait3A, %dma_wait3A_80] : memref<80x128xf32, #tpu.memory_space<vmem>> -> memref<65x128xf32, #tpu.memory_space<vmem>>
      %dma_wait3A_82 = arith.constant 0 : i32
      %dma_wait3A_83 = tpu.memref_slice %arg11[%add3A_17, %dma_wait3A_82] : memref<10000x128xf32, #tpu.memory_space<vmem_shared>> -> memref<65x128xf32, #tpu.memory_space<vmem_shared>>
      %dma_wait3A_84 = arith.constant 0 : i32
      %dma_wait3A_85 = tpu.memref_slice %arg11[%add3A_17, %dma_wait3A_84] : memref<10000x128xf32, #tpu.memory_space<vmem_shared>> -> memref<65x128xf32, #tpu.memory_space<vmem_shared>>
      %dma_wait3A_86 = arith.constant 0 : i32
      %dma_wait3A_87 = arith.constant 0 : i32
      %dma_wait3A_88 = tpu.memref_slice %arg9[%dma_wait3A_86, %dma_wait3A_87] : memref<80x128xf32, #tpu.memory_space<vmem>> -> memref<65x128xf32, #tpu.memory_space<vmem>>
      tpu.wait_dma2 semaphore(%run_scoped3A : memref<!tpu.dma_semaphore, #tpu.memory_space<semaphore_mem>>) src(%dma_wait3A_88 : memref<65x128xf32, #tpu.memory_space<vmem>>) dst(%dma_wait3A_85 : memref<65x128xf32, #tpu.memory_space<vmem_shared>>)
      tpu.yield
    }) : () -> ()
    %barrier3A = arith.constant 0 : index
    tpu.barrier barrier_id(%barrier3A)
    %scan3A_18 = arith.constant 0 : i32
    %scan3A_19 = arith.constant 0 : i32
    %scan3A_20 = arith.constant 5 : i32
    %scan3A_21 = arith.addi %scan3A_19, %scan3A_20 : i32
    %scan3A_22 = arith.constant 1 : i32
    %scan3A_23 = scf.for %scan3A_71 = %scan3A_19 to %scan3A_21 step %scan3A_22 iter_args(%scan3A_72 = %scan3A_18) -> (i32)  : i32 {
      "tpu.region"() ({
        %run_scoped3A = tpu.sem_alloc : memref<!tpu.dma_semaphore, #tpu.memory_space<semaphore_mem>>
        %dma_start3A = arith.constant 0 : i32
        %dma_start3A_99 = arith.constant 0 : i32
        %dma_start3A_100 = tpu.memref_slice %arg3[%arg1, %scan3A_71, %dma_start3A, %dma_start3A_99] : memref<16x5x25x80xi32, #tpu.memory_space<hbm>> -> memref<1x1x25x80xi32, #tpu.memory_space<hbm>>
        %dma_start3A_101 = tpu.memref_squeeze %dma_start3A_100 : memref<1x1x25x80xi32, #tpu.memory_space<hbm>> -> memref<25x80xi32, #tpu.memory_space<hbm>>
        %dma_start3A_102 = arith.constant 0 : i32
        %dma_start3A_103 = arith.constant 0 : i32
        %dma_start3A_104 = tpu.memref_slice %arg3[%arg1, %scan3A_71, %dma_start3A_102, %dma_start3A_103] : memref<16x5x25x80xi32, #tpu.memory_space<hbm>> -> memref<1x1x25x80xi32, #tpu.memory_space<hbm>>
        %dma_start3A_105 = tpu.memref_squeeze %dma_start3A_104 : memref<1x1x25x80xi32, #tpu.memory_space<hbm>> -> memref<25x80xi32, #tpu.memory_space<hbm>>
        tpu.enqueue_dma source(%dma_start3A_105 : memref<25x80xi32, #tpu.memory_space<hbm>>) target(%arg7 : memref<25x80xi32, #tpu.memory_space<vmem>>) target_semaphore(%run_scoped3A : memref<!tpu.dma_semaphore, #tpu.memory_space<semaphore_mem>>)
        %dma_wait3A_106 = arith.constant 0 : i32
        %dma_wait3A_107 = arith.constant 0 : i32
        %dma_wait3A_108 = tpu.memref_slice %arg3[%arg1, %scan3A_71, %dma_wait3A_106, %dma_wait3A_107] : memref<16x5x25x80xi32, #tpu.memory_space<hbm>> -> memref<1x1x25x80xi32, #tpu.memory_space<hbm>>
        %dma_wait3A_109 = tpu.memref_squeeze %dma_wait3A_108 : memref<1x1x25x80xi32, #tpu.memory_space<hbm>> -> memref<25x80xi32, #tpu.memory_space<hbm>>
        %dma_wait3A_110 = arith.constant 0 : i32
        %dma_wait3A_111 = arith.constant 0 : i32
        %dma_wait3A_112 = tpu.memref_slice %arg3[%arg1, %scan3A_71, %dma_wait3A_110, %dma_wait3A_111] : memref<16x5x25x80xi32, #tpu.memory_space<hbm>> -> memref<1x1x25x80xi32, #tpu.memory_space<hbm>>
        %dma_wait3A_113 = tpu.memref_squeeze %dma_wait3A_112 : memref<1x1x25x80xi32, #tpu.memory_space<hbm>> -> memref<25x80xi32, #tpu.memory_space<hbm>>
        tpu.wait_dma2 semaphore(%run_scoped3A : memref<!tpu.dma_semaphore, #tpu.memory_space<semaphore_mem>>) src(%dma_wait3A_113 : memref<25x80xi32, #tpu.memory_space<hbm>>) dst(%arg7 : memref<25x80xi32, #tpu.memory_space<vmem>>)
        tpu.yield
      }) : () -> ()
      "tpu.region"() ({
        %run_scoped3A = tpu.sem_alloc : memref<!tpu.dma_semaphore, #tpu.memory_space<semaphore_mem>>
        %dma_start3A = arith.constant 0 : i32
        %dma_start3A_99 = arith.constant 0 : i32
        %dma_start3A_100 = tpu.memref_slice %arg4[%arg1, %scan3A_71, %dma_start3A, %dma_start3A_99] : memref<16x5x25x80xi32, #tpu.memory_space<hbm>> -> memref<1x1x25x80xi32, #tpu.memory_space<hbm>>
        %dma_start3A_101 = tpu.memref_squeeze %dma_start3A_100 : memref<1x1x25x80xi32, #tpu.memory_space<hbm>> -> memref<25x80xi32, #tpu.memory_space<hbm>>
        %dma_start3A_102 = arith.constant 0 : i32
        %dma_start3A_103 = arith.constant 0 : i32
        %dma_start3A_104 = tpu.memref_slice %arg4[%arg1, %scan3A_71, %dma_start3A_102, %dma_start3A_103] : memref<16x5x25x80xi32, #tpu.memory_space<hbm>> -> memref<1x1x25x80xi32, #tpu.memory_space<hbm>>
        %dma_start3A_105 = tpu.memref_squeeze %dma_start3A_104 : memref<1x1x25x80xi32, #tpu.memory_space<hbm>> -> memref<25x80xi32, #tpu.memory_space<hbm>>
        tpu.enqueue_dma source(%dma_start3A_105 : memref<25x80xi32, #tpu.memory_space<hbm>>) target(%arg8 : memref<25x80xi32, #tpu.memory_space<vmem>>) target_semaphore(%run_scoped3A : memref<!tpu.dma_semaphore, #tpu.memory_space<semaphore_mem>>)
        %dma_wait3A_106 = arith.constant 0 : i32
        %dma_wait3A_107 = arith.constant 0 : i32
        %dma_wait3A_108 = tpu.memref_slice %arg4[%arg1, %scan3A_71, %dma_wait3A_106, %dma_wait3A_107] : memref<16x5x25x80xi32, #tpu.memory_space<hbm>> -> memref<1x1x25x80xi32, #tpu.memory_space<hbm>>
        %dma_wait3A_109 = tpu.memref_squeeze %dma_wait3A_108 : memref<1x1x25x80xi32, #tpu.memory_space<hbm>> -> memref<25x80xi32, #tpu.memory_space<hbm>>
        %dma_wait3A_110 = arith.constant 0 : i32
        %dma_wait3A_111 = arith.constant 0 : i32
        %dma_wait3A_112 = tpu.memref_slice %arg4[%arg1, %scan3A_71, %dma_wait3A_110, %dma_wait3A_111] : memref<16x5x25x80xi32, #tpu.memory_space<hbm>> -> memref<1x1x25x80xi32, #tpu.memory_space<hbm>>
        %dma_wait3A_113 = tpu.memref_squeeze %dma_wait3A_112 : memref<1x1x25x80xi32, #tpu.memory_space<hbm>> -> memref<25x80xi32, #tpu.memory_space<hbm>>
        tpu.wait_dma2 semaphore(%run_scoped3A : memref<!tpu.dma_semaphore, #tpu.memory_space<semaphore_mem>>) src(%dma_wait3A_113 : memref<25x80xi32, #tpu.memory_space<hbm>>) dst(%arg8 : memref<25x80xi32, #tpu.memory_space<vmem>>)
        tpu.yield
      }) : () -> ()
      %scan3A_73 = arith.constant 0 : i32
      %scan3A_74 = arith.constant 0 : i32
      %scan3A_75 = arith.constant 25 : i32
      %scan3A_76 = arith.addi %scan3A_74, %scan3A_75 : i32
      %scan3A_77 = arith.constant 1 : i32
      %scan3A_78 = scf.for %scan3A_99 = %scan3A_74 to %scan3A_76 step %scan3A_77 iter_args(%scan3A_100 = %scan3A_73) -> (i32)  : i32 {
        %get3A = arith.index_cast %scan3A_99 : i32 to index
        %get3A_101 = arith.constant 0 : index
        %get3A_102 = tpu.vector_load %arg7[%get3A, %get3A_101] {strides = array<i32>} : memref<25x80xi32, #tpu.memory_space<vmem>>, vector<1x16xi32>,
        %get3A_103 = vector.shape_cast %get3A_102 : vector<1x16xi32> to vector<16xi32>
        %mul3A_104 = arith.constant 2 : i32
        %mul3A_105 = vector.broadcast %mul3A_104 : i32 to vector<16xi32>
        %mul3A_106 = arith.muli %get3A_103, %mul3A_105 : vector<16xi32>
        %add3A_107 = vector.broadcast %arg0 : i32 to vector<16xi32>
        %add3A_108 = arith.addi %mul3A_106, %add3A_107 : vector<16xi32>
        %swap3A = arith.index_cast %scan3A_99 : i32 to index
        %swap3A_109 = arith.constant 0 : index
        %swap3A_110 = tpu.vector_load %arg7[%swap3A, %swap3A_109] {strides = array<i32>} : memref<25x80xi32, #tpu.memory_space<vmem>>, vector<1x16xi32>,
        %swap3A_111 = vector.shape_cast %swap3A_110 : vector<1x16xi32> to vector<16xi32>
        %swap3A_112 = vector.shape_cast %add3A_108 : vector<16xi32> to vector<1x16xi32>
        tpu.vector_store %arg7[%swap3A, %swap3A_109], %swap3A_112 {strides = array<i32>} : memref<25x80xi32, #tpu.memory_space<vmem>>, vector<1x16xi32>,
        %get3A_113 = arith.index_cast %scan3A_99 : i32 to index
        %get3A_114 = arith.constant 16 : index
        %get3A_115 = tpu.vector_load %arg7[%get3A_113, %get3A_114] {strides = array<i32>} : memref<25x80xi32, #tpu.memory_space<vmem>>, vector<1x16xi32>,
        %get3A_116 = vector.shape_cast %get3A_115 : vector<1x16xi32> to vector<16xi32>
        %mul3A_117 = arith.constant 2 : i32
        %mul3A_118 = vector.broadcast %mul3A_117 : i32 to vector<16xi32>
        %mul3A_119 = arith.muli %get3A_116, %mul3A_118 : vector<16xi32>
        %add3A_120 = vector.broadcast %arg0 : i32 to vector<16xi32>
        %add3A_121 = arith.addi %mul3A_119, %add3A_120 : vector<16xi32>
        %swap3A_122 = arith.index_cast %scan3A_99 : i32 to index
        %swap3A_123 = arith.constant 16 : index
        %swap3A_124 = tpu.vector_load %arg7[%swap3A_122, %swap3A_123] {strides = array<i32>} : memref<25x80xi32, #tpu.memory_space<vmem>>, vector<1x16xi32>,
        %swap3A_125 = vector.shape_cast %swap3A_124 : vector<1x16xi32> to vector<16xi32>
        %swap3A_126 = vector.shape_cast %add3A_121 : vector<16xi32> to vector<1x16xi32>
        tpu.vector_store %arg7[%swap3A_122, %swap3A_123], %swap3A_126 {strides = array<i32>} : memref<25x80xi32, #tpu.memory_space<vmem>>, vector<1x16xi32>,
        %get3A_127 = arith.index_cast %scan3A_99 : i32 to index
        %get3A_128 = arith.constant 32 : index
        %get3A_129 = tpu.vector_load %arg7[%get3A_127, %get3A_128] {strides = array<i32>} : memref<25x80xi32, #tpu.memory_space<vmem>>, vector<1x16xi32>,
        %get3A_130 = vector.shape_cast %get3A_129 : vector<1x16xi32> to vector<16xi32>
        %mul3A_131 = arith.constant 2 : i32
        %mul3A_132 = vector.broadcast %mul3A_131 : i32 to vector<16xi32>
        %mul3A_133 = arith.muli %get3A_130, %mul3A_132 : vector<16xi32>
        %add3A_134 = vector.broadcast %arg0 : i32 to vector<16xi32>
        %add3A_135 = arith.addi %mul3A_133, %add3A_134 : vector<16xi32>
        %swap3A_136 = arith.index_cast %scan3A_99 : i32 to index
        %swap3A_137 = arith.constant 32 : index
        %swap3A_138 = tpu.vector_load %arg7[%swap3A_136, %swap3A_137] {strides = array<i32>} : memref<25x80xi32, #tpu.memory_space<vmem>>, vector<1x16xi32>,
        %swap3A_139 = vector.shape_cast %swap3A_138 : vector<1x16xi32> to vector<16xi32>
        %swap3A_140 = vector.shape_cast %add3A_135 : vector<16xi32> to vector<1x16xi32>
        tpu.vector_store %arg7[%swap3A_136, %swap3A_137], %swap3A_140 {strides = array<i32>} : memref<25x80xi32, #tpu.memory_space<vmem>>, vector<1x16xi32>,
        %get3A_141 = arith.index_cast %scan3A_99 : i32 to index
        %get3A_142 = arith.constant 48 : index
        %get3A_143 = tpu.vector_load %arg7[%get3A_141, %get3A_142] {strides = array<i32>} : memref<25x80xi32, #tpu.memory_space<vmem>>, vector<1x16xi32>,
        %get3A_144 = vector.shape_cast %get3A_143 : vector<1x16xi32> to vector<16xi32>
        %mul3A_145 = arith.constant 2 : i32
        %mul3A_146 = vector.broadcast %mul3A_145 : i32 to vector<16xi32>
        %mul3A_147 = arith.muli %get3A_144, %mul3A_146 : vector<16xi32>
        %add3A_148 = vector.broadcast %arg0 : i32 to vector<16xi32>
        %add3A_149 = arith.addi %mul3A_147, %add3A_148 : vector<16xi32>
        %swap3A_150 = arith.index_cast %scan3A_99 : i32 to index
        %swap3A_151 = arith.constant 48 : index
        %swap3A_152 = tpu.vector_load %arg7[%swap3A_150, %swap3A_151] {strides = array<i32>} : memref<25x80xi32, #tpu.memory_space<vmem>>, vector<1x16xi32>,
        %swap3A_153 = vector.shape_cast %swap3A_152 : vector<1x16xi32> to vector<16xi32>
        %swap3A_154 = vector.shape_cast %add3A_149 : vector<16xi32> to vector<1x16xi32>
        tpu.vector_store %arg7[%swap3A_150, %swap3A_151], %swap3A_154 {strides = array<i32>} : memref<25x80xi32, #tpu.memory_space<vmem>>, vector<1x16xi32>,
        %get3A_155 = arith.index_cast %scan3A_99 : i32 to index
        %get3A_156 = arith.constant 64 : index
        %get3A_157 = tpu.vector_load %arg7[%get3A_155, %get3A_156] {strides = array<i32>} : memref<25x80xi32, #tpu.memory_space<vmem>>, vector<1x16xi32>,
        %get3A_158 = vector.shape_cast %get3A_157 : vector<1x16xi32> to vector<16xi32>
        %mul3A_159 = arith.constant 2 : i32
        %mul3A_160 = vector.broadcast %mul3A_159 : i32 to vector<16xi32>
        %mul3A_161 = arith.muli %get3A_158, %mul3A_160 : vector<16xi32>
        %add3A_162 = vector.broadcast %arg0 : i32 to vector<16xi32>
        %add3A_163 = arith.addi %mul3A_161, %add3A_162 : vector<16xi32>
        %swap3A_164 = arith.index_cast %scan3A_99 : i32 to index
        %swap3A_165 = arith.constant 64 : index
        %swap3A_166 = tpu.vector_load %arg7[%swap3A_164, %swap3A_165] {strides = array<i32>} : memref<25x80xi32, #tpu.memory_space<vmem>>, vector<1x16xi32>,
        %swap3A_167 = vector.shape_cast %swap3A_166 : vector<1x16xi32> to vector<16xi32>
        %swap3A_168 = vector.shape_cast %add3A_163 : vector<16xi32> to vector<1x16xi32>
        tpu.vector_store %arg7[%swap3A_164, %swap3A_165], %swap3A_168 {strides = array<i32>} : memref<25x80xi32, #tpu.memory_space<vmem>>, vector<1x16xi32>,
        %scan3A_169 = arith.constant 0 : i32
        scf.yield %scan3A_169 : i32
      }
      %scan3A_79 = arith.constant 25 : i32
      %scan3A_80 = arith.constant 0 : i32
      %scan3A_81 = arith.constant 0 : i32
      %scan3A_82 = arith.constant 25 : i32
      %scan3A_83 = arith.addi %scan3A_81, %scan3A_82 : i32
      %scan3A_84 = arith.constant 1 : i32
      %scan3A_85 = scf.for %scan3A_99 = %scan3A_81 to %scan3A_83 step %scan3A_84 iter_args(%scan3A_100 = %scan3A_80) -> (i32)  : i32 {
        %jit3A = arith.constant 2 : i32
        %eq3A = arith.constant 0 : i32
        %eq3A_101 = arith.cmpi eq, %jit3A, %eq3A : i32
        %jit3A_102 = arith.constant 1 : i32
        %select_n3A = arith.select %eq3A_101, %jit3A_102, %jit3A : i32
        %rem3A = arith.remsi %scan3A_99, %select_n3A : i32
        %ne3A = arith.constant 0 : i32
        %ne3A_103 = arith.cmpi ne, %rem3A, %ne3A : i32
        %lt3A = arith.constant 0 : i32
        %lt3A_104 = arith.cmpi slt, %rem3A, %lt3A : i32
        %lt3A_105 = arith.constant 0 : i32
        %lt3A_106 = arith.cmpi slt, %select_n3A, %lt3A_105 : i32
        %ne3A_107 = arith.xori %lt3A_104, %lt3A_106 : i1
        %and3A = arith.andi %ne3A_107, %ne3A_103 : i1
        %add3A_108 = arith.addi %rem3A, %select_n3A : i32
        %select_n3A_109 = arith.select %and3A, %add3A_108, %rem3A : i32
        %eq3A_110 = arith.constant 0 : i32
        %eq3A_111 = arith.cmpi eq, %select_n3A_109, %eq3A_110 : i32
        %eq3A_112 = arith.constant 0 : i32
        %eq3A_113 = arith.cmpi eq, %scan3A_99, %eq3A_112 : i32
        %convert_element_type3A = arith.extui %eq3A_113 : i1 to i32
        %cond3A = arith.constant 0 : i32
        %cond3A_114 = arith.cmpi ne, %convert_element_type3A, %cond3A : i32
        scf.if %cond3A_114 {
          %dma_start3A = arith.constant 0 : i32
          %dma_start3A_123 = tpu.memref_slice %arg7[%scan3A_99, %dma_start3A] : memref<25x80xi32, #tpu.memory_space<vmem>> -> memref<1x80xi32, #tpu.memory_space<vmem>>
          %dma_start3A_124 = tpu.memref_squeeze %dma_start3A_123 : memref<1x80xi32, #tpu.memory_space<vmem>> -> memref<80xi32, #tpu.memory_space<vmem>>
          %dma_start3A_125 = arith.constant 0 : i32
          %dma_start3A_126 = arith.constant 0 : i32
          %dma_start3A_127 = tpu.memref_slice %arg2[%dma_start3A_125, %dma_start3A_126] : memref<20000x128xf32, #tpu.memory_space<hbm>> -> memref<20000x128xf32, #tpu.memory_space<hbm>>
          tpu.enqueue_indirect_dma source(%dma_start3A_127 : memref<20000x128xf32, #tpu.memory_space<hbm>>) target(%arg9 : memref<80x128xf32, #tpu.memory_space<vmem>>) offsets(%dma_start3A_124 : memref<80xi32, #tpu.memory_space<vmem>>) semaphore(%arg12 : memref<!tpu.dma_semaphore, #tpu.memory_space<semaphore_mem>>)
        } else {
        }
        %convert_element_type3A_115 = arith.extui %eq3A_111 : i1 to i32
        %cond3A_116 = arith.constant 0 : i32
        %cond3A_117 = arith.cmpi ne, %convert_element_type3A_115, %cond3A_116 : i32
        scf.if %cond3A_117 {
          %dma_wait3A_123 = arith.constant 0 : i32
          %dma_wait3A_124 = arith.constant 0 : i32
          %dma_wait3A_125 = tpu.memref_slice %arg2[%dma_wait3A_123, %dma_wait3A_124] : memref<20000x128xf32, #tpu.memory_space<hbm>> -> memref<80x128xf32, #tpu.memory_space<hbm>>
          %dma_wait3A_126 = arith.constant 0 : i32
          %dma_wait3A_127 = arith.constant 0 : i32
          %dma_wait3A_128 = tpu.memref_slice %arg2[%dma_wait3A_126, %dma_wait3A_127] : memref<20000x128xf32, #tpu.memory_space<hbm>> -> memref<80x128xf32, #tpu.memory_space<hbm>>
          tpu.wait_dma2 semaphore(%arg12 : memref<!tpu.dma_semaphore, #tpu.memory_space<semaphore_mem>>) src(%dma_wait3A_128 : memref<80x128xf32, #tpu.memory_space<hbm>>) dst(%arg9 : memref<80x128xf32, #tpu.memory_space<vmem>>)
          %dma_start3A = arith.constant 0 : i32
          %dma_start3A_129 = tpu.memref_slice %arg8[%scan3A_99, %dma_start3A] : memref<25x80xi32, #tpu.memory_space<vmem>> -> memref<1x80xi32, #tpu.memory_space<vmem>>
          %dma_start3A_130 = tpu.memref_squeeze %dma_start3A_129 : memref<1x80xi32, #tpu.memory_space<vmem>> -> memref<80xi32, #tpu.memory_space<vmem>>
          %dma_start3A_131 = arith.constant 0 : i32
          %dma_start3A_132 = arith.constant 0 : i32
          %dma_start3A_133 = tpu.memref_slice %arg11[%dma_start3A_131, %dma_start3A_132] : memref<10000x128xf32, #tpu.memory_space<vmem_shared>> -> memref<10000x128xf32, #tpu.memory_space<vmem_shared>>
          tpu.enqueue_indirect_dma source(%arg9 : memref<80x128xf32, #tpu.memory_space<vmem>>) target(%dma_start3A_133 : memref<10000x128xf32, #tpu.memory_space<vmem_shared>>) offsets(%dma_start3A_130 : memref<80xi32, #tpu.memory_space<vmem>>) semaphore(%arg14 : memref<!tpu.dma_semaphore, #tpu.memory_space<semaphore_mem>>) {add = true}
          %add3A_134 = arith.constant 1 : i32
          %add3A_135 = arith.addi %scan3A_99, %add3A_134 : i32
          %lt3A_136 = arith.constant 25 : i32
          %lt3A_137 = arith.cmpi slt, %add3A_135, %lt3A_136 : i32
          %convert_element_type3A_138 = arith.extui %lt3A_137 : i1 to i32
          %cond3A_139 = arith.constant 0 : i32
          %cond3A_140 = arith.cmpi ne, %convert_element_type3A_138, %cond3A_139 : i32
          scf.if %cond3A_140 {
            %ge3A = arith.constant 1 : i32
            %ge3A_141 = arith.cmpi sge, %scan3A_99, %ge3A : i32
            %convert_element_type3A_142 = arith.extui %ge3A_141 : i1 to i32
            %cond3A_143 = arith.constant 0 : i32
            %cond3A_144 = arith.cmpi ne, %convert_element_type3A_142, %cond3A_143 : i32
            scf.if %cond3A_144 {
              %dma_wait3A_153 = arith.constant 0 : i32
              %dma_wait3A_154 = arith.constant 0 : i32
              %dma_wait3A_155 = tpu.memref_slice %arg11[%dma_wait3A_153, %dma_wait3A_154] : memref<10000x128xf32, #tpu.memory_space<vmem_shared>> -> memref<80x128xf32, #tpu.memory_space<vmem_shared>>
              %dma_wait3A_156 = arith.constant 0 : i32
              %dma_wait3A_157 = arith.constant 0 : i32
              %dma_wait3A_158 = tpu.memref_slice %arg11[%dma_wait3A_156, %dma_wait3A_157] : memref<10000x128xf32, #tpu.memory_space<vmem_shared>> -> memref<80x128xf32, #tpu.memory_space<vmem_shared>>
              tpu.wait_dma2 semaphore(%arg15 : memref<!tpu.dma_semaphore, #tpu.memory_space<semaphore_mem>>) src(%arg10 : memref<80x128xf32, #tpu.memory_space<vmem>>) dst(%dma_wait3A_158 : memref<80x128xf32, #tpu.memory_space<vmem_shared>>)
            } else {
            }
            %add3A_145 = arith.constant 1 : i32
            %add3A_146 = arith.addi %scan3A_99, %add3A_145 : i32
            %dma_start3A_147 = arith.constant 0 : i32
            %dma_start3A_148 = tpu.memref_slice %arg7[%add3A_146, %dma_start3A_147] : memref<25x80xi32, #tpu.memory_space<vmem>> -> memref<1x80xi32, #tpu.memory_space<vmem>>
            %dma_start3A_149 = tpu.memref_squeeze %dma_start3A_148 : memref<1x80xi32, #tpu.memory_space<vmem>> -> memref<80xi32, #tpu.memory_space<vmem>>
            %dma_start3A_150 = arith.constant 0 : i32
            %dma_start3A_151 = arith.constant 0 : i32
            %dma_start3A_152 = tpu.memref_slice %arg2[%dma_start3A_150, %dma_start3A_151] : memref<20000x128xf32, #tpu.memory_space<hbm>> -> memref<20000x128xf32, #tpu.memory_space<hbm>>
            tpu.enqueue_indirect_dma source(%dma_start3A_152 : memref<20000x128xf32, #tpu.memory_space<hbm>>) target(%arg10 : memref<80x128xf32, #tpu.memory_space<vmem>>) offsets(%dma_start3A_149 : memref<80xi32, #tpu.memory_space<vmem>>) semaphore(%arg13 : memref<!tpu.dma_semaphore, #tpu.memory_space<semaphore_mem>>)
          } else {
          }
        } else {
        }
        %not3A = arith.constant true
        %not3A_118 = arith.xori %eq3A_111, %not3A : i1
        %convert_element_type3A_119 = arith.extui %not3A_118 : i1 to i32
        %cond3A_120 = arith.constant 0 : i32
        %cond3A_121 = arith.cmpi ne, %convert_element_type3A_119, %cond3A_120 : i32
        scf.if %cond3A_121 {
          %dma_wait3A_123 = arith.constant 0 : i32
          %dma_wait3A_124 = arith.constant 0 : i32
          %dma_wait3A_125 = tpu.memref_slice %arg2[%dma_wait3A_123, %dma_wait3A_124] : memref<20000x128xf32, #tpu.memory_space<hbm>> -> memref<80x128xf32, #tpu.memory_space<hbm>>
          %dma_wait3A_126 = arith.constant 0 : i32
          %dma_wait3A_127 = arith.constant 0 : i32
          %dma_wait3A_128 = tpu.memref_slice %arg2[%dma_wait3A_126, %dma_wait3A_127] : memref<20000x128xf32, #tpu.memory_space<hbm>> -> memref<80x128xf32, #tpu.memory_space<hbm>>
          tpu.wait_dma2 semaphore(%arg13 : memref<!tpu.dma_semaphore, #tpu.memory_space<semaphore_mem>>) src(%dma_wait3A_128 : memref<80x128xf32, #tpu.memory_space<hbm>>) dst(%arg10 : memref<80x128xf32, #tpu.memory_space<vmem>>)
          %dma_start3A = arith.constant 0 : i32
          %dma_start3A_129 = tpu.memref_slice %arg8[%scan3A_99, %dma_start3A] : memref<25x80xi32, #tpu.memory_space<vmem>> -> memref<1x80xi32, #tpu.memory_space<vmem>>
          %dma_start3A_130 = tpu.memref_squeeze %dma_start3A_129 : memref<1x80xi32, #tpu.memory_space<vmem>> -> memref<80xi32, #tpu.memory_space<vmem>>
          %dma_start3A_131 = arith.constant 0 : i32
          %dma_start3A_132 = arith.constant 0 : i32
          %dma_start3A_133 = tpu.memref_slice %arg11[%dma_start3A_131, %dma_start3A_132] : memref<10000x128xf32, #tpu.memory_space<vmem_shared>> -> memref<10000x128xf32, #tpu.memory_space<vmem_shared>>
          tpu.enqueue_indirect_dma source(%arg10 : memref<80x128xf32, #tpu.memory_space<vmem>>) target(%dma_start3A_133 : memref<10000x128xf32, #tpu.memory_space<vmem_shared>>) offsets(%dma_start3A_130 : memref<80xi32, #tpu.memory_space<vmem>>) semaphore(%arg15 : memref<!tpu.dma_semaphore, #tpu.memory_space<semaphore_mem>>) {add = true}
          %add3A_134 = arith.constant 1 : i32
          %add3A_135 = arith.addi %scan3A_99, %add3A_134 : i32
          %lt3A_136 = arith.constant 25 : i32
          %lt3A_137 = arith.cmpi slt, %add3A_135, %lt3A_136 : i32
          %convert_element_type3A_138 = arith.extui %lt3A_137 : i1 to i32
          %cond3A_139 = arith.constant 0 : i32
          %cond3A_140 = arith.cmpi ne, %convert_element_type3A_138, %cond3A_139 : i32
          scf.if %cond3A_140 {
            %dma_wait3A_141 = arith.constant 0 : i32
            %dma_wait3A_142 = arith.constant 0 : i32
            %dma_wait3A_143 = tpu.memref_slice %arg11[%dma_wait3A_141, %dma_wait3A_142] : memref<10000x128xf32, #tpu.memory_space<vmem_shared>> -> memref<80x128xf32, #tpu.memory_space<vmem_shared>>
            %dma_wait3A_144 = arith.constant 0 : i32
            %dma_wait3A_145 = arith.constant 0 : i32
            %dma_wait3A_146 = tpu.memref_slice %arg11[%dma_wait3A_144, %dma_wait3A_145] : memref<10000x128xf32, #tpu.memory_space<vmem_shared>> -> memref<80x128xf32, #tpu.memory_space<vmem_shared>>
            tpu.wait_dma2 semaphore(%arg14 : memref<!tpu.dma_semaphore, #tpu.memory_space<semaphore_mem>>) src(%arg9 : memref<80x128xf32, #tpu.memory_space<vmem>>) dst(%dma_wait3A_146 : memref<80x128xf32, #tpu.memory_space<vmem_shared>>)
            %add3A_147 = arith.constant 1 : i32
            %add3A_148 = arith.addi %scan3A_99, %add3A_147 : i32
            %dma_start3A_149 = arith.constant 0 : i32
            %dma_start3A_150 = tpu.memref_slice %arg7[%add3A_148, %dma_start3A_149] : memref<25x80xi32, #tpu.memory_space<vmem>> -> memref<1x80xi32, #tpu.memory_space<vmem>>
            %dma_start3A_151 = tpu.memref_squeeze %dma_start3A_150 : memref<1x80xi32, #tpu.memory_space<vmem>> -> memref<80xi32, #tpu.memory_space<vmem>>
            %dma_start3A_152 = arith.constant 0 : i32
            %dma_start3A_153 = arith.constant 0 : i32
            %dma_start3A_154 = tpu.memref_slice %arg2[%dma_start3A_152, %dma_start3A_153] : memref<20000x128xf32, #tpu.memory_space<hbm>> -> memref<20000x128xf32, #tpu.memory_space<hbm>>
            tpu.enqueue_indirect_dma source(%dma_start3A_154 : memref<20000x128xf32, #tpu.memory_space<hbm>>) target(%arg9 : memref<80x128xf32, #tpu.memory_space<vmem>>) offsets(%dma_start3A_151 : memref<80xi32, #tpu.memory_space<vmem>>) semaphore(%arg12 : memref<!tpu.dma_semaphore, #tpu.memory_space<semaphore_mem>>)
          } else {
          }
        } else {
        }
        %scan3A_122 = arith.constant 0 : i32
        scf.yield %scan3A_122 : i32
      }
      %scan3A_86 = arith.constant 25 : i32
      %dma_wait3A = arith.constant 0 : i32
      %dma_wait3A_87 = arith.constant 0 : i32
      %dma_wait3A_88 = tpu.memref_slice %arg11[%dma_wait3A, %dma_wait3A_87] : memref<10000x128xf32, #tpu.memory_space<vmem_shared>> -> memref<80x128xf32, #tpu.memory_space<vmem_shared>>
      %dma_wait3A_89 = arith.constant 0 : i32
      %dma_wait3A_90 = arith.constant 0 : i32
      %dma_wait3A_91 = tpu.memref_slice %arg11[%dma_wait3A_89, %dma_wait3A_90] : memref<10000x128xf32, #tpu.memory_space<vmem_shared>> -> memref<80x128xf32, #tpu.memory_space<vmem_shared>>
      tpu.wait_dma2 semaphore(%arg14 : memref<!tpu.dma_semaphore, #tpu.memory_space<semaphore_mem>>) src(%arg9 : memref<80x128xf32, #tpu.memory_space<vmem>>) dst(%dma_wait3A_91 : memref<80x128xf32, #tpu.memory_space<vmem_shared>>)
      %dma_wait3A_92 = arith.constant 0 : i32
      %dma_wait3A_93 = arith.constant 0 : i32
      %dma_wait3A_94 = tpu.memref_slice %arg11[%dma_wait3A_92, %dma_wait3A_93] : memref<10000x128xf32, #tpu.memory_space<vmem_shared>> -> memref<80x128xf32, #tpu.memory_space<vmem_shared>>
      %dma_wait3A_95 = arith.constant 0 : i32
      %dma_wait3A_96 = arith.constant 0 : i32
      %dma_wait3A_97 = tpu.memref_slice %arg11[%dma_wait3A_95, %dma_wait3A_96] : memref<10000x128xf32, #tpu.memory_space<vmem_shared>> -> memref<80x128xf32, #tpu.memory_space<vmem_shared>>
      tpu.wait_dma2 semaphore(%arg15 : memref<!tpu.dma_semaphore, #tpu.memory_space<semaphore_mem>>) src(%arg10 : memref<80x128xf32, #tpu.memory_space<vmem>>) dst(%dma_wait3A_97 : memref<80x128xf32, #tpu.memory_space<vmem_shared>>)
      %scan3A_98 = arith.constant 0 : i32
      scf.yield %scan3A_98 : i32
    }
    %scan3A_24 = arith.constant 5 : i32
    %barrier3A_25 = arith.constant 0 : index
    tpu.barrier barrier_id(%barrier3A_25)
    %mul3A_26 = arith.constant 625 : i32
    %mul3A_27 = arith.muli %arg1, %mul3A_26 : i32
    %mul3A_28 = arith.constant 16 : i32
    %mul3A_29 = arith.muli %arg0, %mul3A_28 : i32
    %add3A_30 = arith.addi %mul3A_29, %arg1 : i32
    "tpu.region"() ({
      %run_scoped3A = tpu.sem_alloc : memref<!tpu.dma_semaphore, #tpu.memory_space<semaphore_mem>>
      %dma_start3A = arith.constant 0 : i32
      %dma_start3A_71 = arith.constant 0 : i32
      %dma_start3A_72 = tpu.memref_slice %arg5[%add3A_30, %dma_start3A, %dma_start3A_71] : memref<32x625x128xf32, #tpu.memory_space<hbm>> -> memref<1x625x128xf32, #tpu.memory_space<hbm>>
      %dma_start3A_73 = tpu.memref_squeeze %dma_start3A_72 : memref<1x625x128xf32, #tpu.memory_space<hbm>> -> memref<625x128xf32, #tpu.memory_space<hbm>>
      %dma_start3A_74 = arith.constant 0 : i32
      %dma_start3A_75 = tpu.memref_slice %arg11[%mul3A_27, %dma_start3A_74] : memref<10000x128xf32, #tpu.memory_space<vmem_shared>> -> memref<625x128xf32, #tpu.memory_space<vmem_shared>>
      tpu.enqueue_dma source(%dma_start3A_75 : memref<625x128xf32, #tpu.memory_space<vmem_shared>>) target(%dma_start3A_73 : memref<625x128xf32, #tpu.memory_space<hbm>>) target_semaphore(%run_scoped3A : memref<!tpu.dma_semaphore, #tpu.memory_space<semaphore_mem>>)
      %dma_wait3A = arith.constant 0 : i32
      %dma_wait3A_76 = arith.constant 0 : i32
      %dma_wait3A_77 = tpu.memref_slice %arg5[%add3A_30, %dma_wait3A, %dma_wait3A_76] : memref<32x625x128xf32, #tpu.memory_space<hbm>> -> memref<1x625x128xf32, #tpu.memory_space<hbm>>
      %dma_wait3A_78 = tpu.memref_squeeze %dma_wait3A_77 : memref<1x625x128xf32, #tpu.memory_space<hbm>> -> memref<625x128xf32, #tpu.memory_space<hbm>>
      %dma_wait3A_79 = arith.constant 0 : i32
      %dma_wait3A_80 = tpu.memref_slice %arg11[%mul3A_27, %dma_wait3A_79] : memref<10000x128xf32, #tpu.memory_space<vmem_shared>> -> memref<625x128xf32, #tpu.memory_space<vmem_shared>>
      tpu.wait_dma2 semaphore(%run_scoped3A : memref<!tpu.dma_semaphore, #tpu.memory_space<semaphore_mem>>) src(%dma_wait3A_80 : memref<625x128xf32, #tpu.memory_space<vmem_shared>>) dst(%dma_wait3A_78 : memref<625x128xf32, #tpu.memory_space<hbm>>)
      tpu.yield
    }) : () -> ()
    %barrier3A_31 = arith.constant 0 : index
    tpu.barrier barrier_id(%barrier3A_31)
    %scan3A_32 = arith.constant 0 : i32
    %scan3A_33 = arith.constant 0 : i32
    %scan3A_34 = arith.constant 80 : i32
    %scan3A_35 = arith.addi %scan3A_33, %scan3A_34 : i32
    %scan3A_36 = arith.constant 1 : i32
    %scan3A_37 = scf.for %scan3A_71 = %scan3A_33 to %scan3A_35 step %scan3A_36 iter_args(%scan3A_72 = %scan3A_32) -> (i32)  : i32 {
      %swap3A = arith.index_cast %scan3A_71 : i32 to index
      %swap3A_73 = arith.constant 0 : index
      %swap3A_74 = tpu.vector_load %arg9[%swap3A, %swap3A_73] {strides = array<i32>} : memref<80x128xf32, #tpu.memory_space<vmem>>, vector<1x16xf32>,
      %swap3A_75 = vector.shape_cast %swap3A_74 : vector<1x16xf32> to vector<16xf32>
      %swap3A_76 = vector.shape_cast %broadcast_in_dim3A_0 : vector<16xf32> to vector<1x16xf32>
      tpu.vector_store %arg9[%swap3A, %swap3A_73], %swap3A_76 {strides = array<i32>} : memref<80x128xf32, #tpu.memory_space<vmem>>, vector<1x16xf32>,
      %swap3A_77 = arith.index_cast %scan3A_71 : i32 to index
      %swap3A_78 = arith.constant 16 : index
      %swap3A_79 = tpu.vector_load %arg9[%swap3A_77, %swap3A_78] {strides = array<i32>} : memref<80x128xf32, #tpu.memory_space<vmem>>, vector<1x16xf32>,
      %swap3A_80 = vector.shape_cast %swap3A_79 : vector<1x16xf32> to vector<16xf32>
      %swap3A_81 = vector.shape_cast %broadcast_in_dim3A_0 : vector<16xf32> to vector<1x16xf32>
      tpu.vector_store %arg9[%swap3A_77, %swap3A_78], %swap3A_81 {strides = array<i32>} : memref<80x128xf32, #tpu.memory_space<vmem>>, vector<1x16xf32>,
      %swap3A_82 = arith.index_cast %scan3A_71 : i32 to index
      %swap3A_83 = arith.constant 32 : index
      %swap3A_84 = tpu.vector_load %arg9[%swap3A_82, %swap3A_83] {strides = array<i32>} : memref<80x128xf32, #tpu.memory_space<vmem>>, vector<1x16xf32>,
      %swap3A_85 = vector.shape_cast %swap3A_84 : vector<1x16xf32> to vector<16xf32>
      %swap3A_86 = vector.shape_cast %broadcast_in_dim3A_0 : vector<16xf32> to vector<1x16xf32>
      tpu.vector_store %arg9[%swap3A_82, %swap3A_83], %swap3A_86 {strides = array<i32>} : memref<80x128xf32, #tpu.memory_space<vmem>>, vector<1x16xf32>,
      %swap3A_87 = arith.index_cast %scan3A_71 : i32 to index
      %swap3A_88 = arith.constant 48 : index
      %swap3A_89 = tpu.vector_load %arg9[%swap3A_87, %swap3A_88] {strides = array<i32>} : memref<80x128xf32, #tpu.memory_space<vmem>>, vector<1x16xf32>,
      %swap3A_90 = vector.shape_cast %swap3A_89 : vector<1x16xf32> to vector<16xf32>
      %swap3A_91 = vector.shape_cast %broadcast_in_dim3A_0 : vector<16xf32> to vector<1x16xf32>
      tpu.vector_store %arg9[%swap3A_87, %swap3A_88], %swap3A_91 {strides = array<i32>} : memref<80x128xf32, #tpu.memory_space<vmem>>, vector<1x16xf32>,
      %swap3A_92 = arith.index_cast %scan3A_71 : i32 to index
      %swap3A_93 = arith.constant 64 : index
      %swap3A_94 = tpu.vector_load %arg9[%swap3A_92, %swap3A_93] {strides = array<i32>} : memref<80x128xf32, #tpu.memory_space<vmem>>, vector<1x16xf32>,
      %swap3A_95 = vector.shape_cast %swap3A_94 : vector<1x16xf32> to vector<16xf32>
      %swap3A_96 = vector.shape_cast %broadcast_in_dim3A_0 : vector<16xf32> to vector<1x16xf32>
      tpu.vector_store %arg9[%swap3A_92, %swap3A_93], %swap3A_96 {strides = array<i32>} : memref<80x128xf32, #tpu.memory_space<vmem>>, vector<1x16xf32>,
      %swap3A_97 = arith.index_cast %scan3A_71 : i32 to index
      %swap3A_98 = arith.constant 80 : index
      %swap3A_99 = tpu.vector_load %arg9[%swap3A_97, %swap3A_98] {strides = array<i32>} : memref<80x128xf32, #tpu.memory_space<vmem>>, vector<1x16xf32>,
      %swap3A_100 = vector.shape_cast %swap3A_99 : vector<1x16xf32> to vector<16xf32>
      %swap3A_101 = vector.shape_cast %broadcast_in_dim3A_0 : vector<16xf32> to vector<1x16xf32>
      tpu.vector_store %arg9[%swap3A_97, %swap3A_98], %swap3A_101 {strides = array<i32>} : memref<80x128xf32, #tpu.memory_space<vmem>>, vector<1x16xf32>,
      %swap3A_102 = arith.index_cast %scan3A_71 : i32 to index
      %swap3A_103 = arith.constant 96 : index
      %swap3A_104 = tpu.vector_load %arg9[%swap3A_102, %swap3A_103] {strides = array<i32>} : memref<80x128xf32, #tpu.memory_space<vmem>>, vector<1x16xf32>,
      %swap3A_105 = vector.shape_cast %swap3A_104 : vector<1x16xf32> to vector<16xf32>
      %swap3A_106 = vector.shape_cast %broadcast_in_dim3A_0 : vector<16xf32> to vector<1x16xf32>
      tpu.vector_store %arg9[%swap3A_102, %swap3A_103], %swap3A_106 {strides = array<i32>} : memref<80x128xf32, #tpu.memory_space<vmem>>, vector<1x16xf32>,
      %swap3A_107 = arith.index_cast %scan3A_71 : i32 to index
      %swap3A_108 = arith.constant 112 : index
      %swap3A_109 = tpu.vector_load %arg9[%swap3A_107, %swap3A_108] {strides = array<i32>} : memref<80x128xf32, #tpu.memory_space<vmem>>, vector<1x16xf32>,
      %swap3A_110 = vector.shape_cast %swap3A_109 : vector<1x16xf32> to vector<16xf32>
      %swap3A_111 = vector.shape_cast %broadcast_in_dim3A_0 : vector<16xf32> to vector<1x16xf32>
      tpu.vector_store %arg9[%swap3A_107, %swap3A_108], %swap3A_111 {strides = array<i32>} : memref<80x128xf32, #tpu.memory_space<vmem>>, vector<1x16xf32>,
      %scan3A_112 = arith.constant 0 : i32
      scf.yield %scan3A_112 : i32
    }
    %scan3A_38 = arith.constant 80 : i32
    %scan3A_39 = arith.constant 0 : i32
    %scan3A_40 = arith.constant 0 : i32
    %scan3A_41 = arith.constant 7 : i32
    %scan3A_42 = arith.addi %scan3A_40, %scan3A_41 : i32
    %scan3A_43 = arith.constant 1 : i32
    %scan3A_44 = scf.for %scan3A_71 = %scan3A_40 to %scan3A_42 step %scan3A_43 iter_args(%scan3A_72 = %scan3A_39) -> (i32)  : i32 {
      %mul3A_73 = arith.constant 625 : i32
      %mul3A_74 = arith.muli %arg1, %mul3A_73 : i32
      %mul3A_75 = arith.constant 80 : i32
      %mul3A_76 = arith.muli %scan3A_71, %mul3A_75 : i32
      %add3A_77 = arith.addi %mul3A_74, %mul3A_76 : i32
      "tpu.region"() ({
        %run_scoped3A = tpu.sem_alloc : memref<!tpu.dma_semaphore, #tpu.memory_space<semaphore_mem>>
        %dma_start3A = arith.constant 0 : i32
        %dma_start3A_79 = tpu.memref_slice %arg11[%add3A_77, %dma_start3A] : memref<10000x128xf32, #tpu.memory_space<vmem_shared>> -> memref<80x128xf32, #tpu.memory_space<vmem_shared>>
        %dma_start3A_80 = arith.constant 0 : i32
        %dma_start3A_81 = tpu.memref_slice %arg11[%add3A_77, %dma_start3A_80] : memref<10000x128xf32, #tpu.memory_space<vmem_shared>> -> memref<80x128xf32, #tpu.memory_space<vmem_shared>>
        tpu.enqueue_dma source(%arg9 : memref<80x128xf32, #tpu.memory_space<vmem>>) target(%dma_start3A_81 : memref<80x128xf32, #tpu.memory_space<vmem_shared>>) target_semaphore(%run_scoped3A : memref<!tpu.dma_semaphore, #tpu.memory_space<semaphore_mem>>)
        %dma_wait3A = arith.constant 0 : i32
        %dma_wait3A_82 = tpu.memref_slice %arg11[%add3A_77, %dma_wait3A] : memref<10000x128xf32, #tpu.memory_space<vmem_shared>> -> memref<80x128xf32, #tpu.memory_space<vmem_shared>>
        %dma_wait3A_83 = arith.constant 0 : i32
        %dma_wait3A_84 = tpu.memref_slice %arg11[%add3A_77, %dma_wait3A_83] : memref<10000x128xf32, #tpu.memory_space<vmem_shared>> -> memref<80x128xf32, #tpu.memory_space<vmem_shared>>
        tpu.wait_dma2 semaphore(%run_scoped3A : memref<!tpu.dma_semaphore, #tpu.memory_space<semaphore_mem>>) src(%arg9 : memref<80x128xf32, #tpu.memory_space<vmem>>) dst(%dma_wait3A_84 : memref<80x128xf32, #tpu.memory_space<vmem_shared>>)
        tpu.yield
      }) : () -> ()
      %scan3A_78 = arith.constant 0 : i32
      scf.yield %scan3A_78 : i32
    }
    %scan3A_45 = arith.constant 7 : i32
    %mul3A_46 = arith.constant 625 : i32
    %mul3A_47 = arith.muli %arg1, %mul3A_46 : i32
    %add3A_48 = arith.constant 560 : i32
    %add3A_49 = arith.addi %mul3A_47, %add3A_48 : i32
    "tpu.region"() ({
      %run_scoped3A = tpu.sem_alloc : memref<!tpu.dma_semaphore, #tpu.memory_space<semaphore_mem>>
      %dma_start3A = arith.constant 0 : i32
      %dma_start3A_71 = arith.constant 0 : i32
      %dma_start3A_72 = tpu.memref_slice %arg9[%dma_start3A, %dma_start3A_71] : memref<80x128xf32, #tpu.memory_space<vmem>> -> memref<65x128xf32, #tpu.memory_space<vmem>>
      %dma_start3A_73 = arith.constant 0 : i32
      %dma_start3A_74 = tpu.memref_slice %arg11[%add3A_49, %dma_start3A_73] : memref<10000x128xf32, #tpu.memory_space<vmem_shared>> -> memref<65x128xf32, #tpu.memory_space<vmem_shared>>
      %dma_start3A_75 = arith.constant 0 : i32
      %dma_start3A_76 = tpu.memref_slice %arg11[%add3A_49, %dma_start3A_75] : memref<10000x128xf32, #tpu.memory_space<vmem_shared>> -> memref<65x128xf32, #tpu.memory_space<vmem_shared>>
      %dma_start3A_77 = arith.constant 0 : i32
      %dma_start3A_78 = arith.constant 0 : i32
      %dma_start3A_79 = tpu.memref_slice %arg9[%dma_start3A_77, %dma_start3A_78] : memref<80x128xf32, #tpu.memory_space<vmem>> -> memref<65x128xf32, #tpu.memory_space<vmem>>
      tpu.enqueue_dma source(%dma_start3A_79 : memref<65x128xf32, #tpu.memory_space<vmem>>) target(%dma_start3A_76 : memref<65x128xf32, #tpu.memory_space<vmem_shared>>) target_semaphore(%run_scoped3A : memref<!tpu.dma_semaphore, #tpu.memory_space<semaphore_mem>>)
      %dma_wait3A = arith.constant 0 : i32
      %dma_wait3A_80 = arith.constant 0 : i32
      %dma_wait3A_81 = tpu.memref_slice %arg9[%dma_wait3A, %dma_wait3A_80] : memref<80x128xf32, #tpu.memory_space<vmem>> -> memref<65x128xf32, #tpu.memory_space<vmem>>
      %dma_wait3A_82 = arith.constant 0 : i32
      %dma_wait3A_83 = tpu.memref_slice %arg11[%add3A_49, %dma_wait3A_82] : memref<10000x128xf32, #tpu.memory_space<vmem_shared>> -> memref<65x128xf32, #tpu.memory_space<vmem_shared>>
      %dma_wait3A_84 = arith.constant 0 : i32
      %dma_wait3A_85 = tpu.memref_slice %arg11[%add3A_49, %dma_wait3A_84] : memref<10000x128xf32, #tpu.memory_space<vmem_shared>> -> memref<65x128xf32, #tpu.memory_space<vmem_shared>>
      %dma_wait3A_86 = arith.constant 0 : i32
      %dma_wait3A_87 = arith.constant 0 : i32
      %dma_wait3A_88 = tpu.memref_slice %arg9[%dma_wait3A_86, %dma_wait3A_87] : memref<80x128xf32, #tpu.memory_space<vmem>> -> memref<65x128xf32, #tpu.memory_space<vmem>>
      tpu.wait_dma2 semaphore(%run_scoped3A : memref<!tpu.dma_semaphore, #tpu.memory_space<semaphore_mem>>) src(%dma_wait3A_88 : memref<65x128xf32, #tpu.memory_space<vmem>>) dst(%dma_wait3A_85 : memref<65x128xf32, #tpu.memory_space<vmem_shared>>)
      tpu.yield
    }) : () -> ()
    %scan3A_50 = arith.constant 0 : i32
    %scan3A_51 = arith.constant 0 : i32
    %scan3A_52 = arith.constant 80 : i32
    %scan3A_53 = arith.addi %scan3A_51, %scan3A_52 : i32
    %scan3A_54 = arith.constant 1 : i32
    %scan3A_55 = scf.for %scan3A_71 = %scan3A_51 to %scan3A_53 step %scan3A_54 iter_args(%scan3A_72 = %scan3A_50) -> (i32)  : i32 {
      %swap3A = arith.index_cast %scan3A_71 : i32 to index
      %swap3A_73 = arith.constant 0 : index
      %swap3A_74 = tpu.vector_load %arg9[%swap3A, %swap3A_73] {strides = array<i32>} : memref<80x128xf32, #tpu.memory_space<vmem>>, vector<1x16xf32>,
      %swap3A_75 = vector.shape_cast %swap3A_74 : vector<1x16xf32> to vector<16xf32>
      %swap3A_76 = vector.shape_cast %broadcast_in_dim3A_2 : vector<16xf32> to vector<1x16xf32>
      tpu.vector_store %arg9[%swap3A, %swap3A_73], %swap3A_76 {strides = array<i32>} : memref<80x128xf32, #tpu.memory_space<vmem>>, vector<1x16xf32>,
      %swap3A_77 = arith.index_cast %scan3A_71 : i32 to index
      %swap3A_78 = arith.constant 16 : index
      %swap3A_79 = tpu.vector_load %arg9[%swap3A_77, %swap3A_78] {strides = array<i32>} : memref<80x128xf32, #tpu.memory_space<vmem>>, vector<1x16xf32>,
      %swap3A_80 = vector.shape_cast %swap3A_79 : vector<1x16xf32> to vector<16xf32>
      %swap3A_81 = vector.shape_cast %broadcast_in_dim3A_2 : vector<16xf32> to vector<1x16xf32>
      tpu.vector_store %arg9[%swap3A_77, %swap3A_78], %swap3A_81 {strides = array<i32>} : memref<80x128xf32, #tpu.memory_space<vmem>>, vector<1x16xf32>,
      %swap3A_82 = arith.index_cast %scan3A_71 : i32 to index
      %swap3A_83 = arith.constant 32 : index
      %swap3A_84 = tpu.vector_load %arg9[%swap3A_82, %swap3A_83] {strides = array<i32>} : memref<80x128xf32, #tpu.memory_space<vmem>>, vector<1x16xf32>,
      %swap3A_85 = vector.shape_cast %swap3A_84 : vector<1x16xf32> to vector<16xf32>
      %swap3A_86 = vector.shape_cast %broadcast_in_dim3A_2 : vector<16xf32> to vector<1x16xf32>
      tpu.vector_store %arg9[%swap3A_82, %swap3A_83], %swap3A_86 {strides = array<i32>} : memref<80x128xf32, #tpu.memory_space<vmem>>, vector<1x16xf32>,
      %swap3A_87 = arith.index_cast %scan3A_71 : i32 to index
      %swap3A_88 = arith.constant 48 : index
      %swap3A_89 = tpu.vector_load %arg9[%swap3A_87, %swap3A_88] {strides = array<i32>} : memref<80x128xf32, #tpu.memory_space<vmem>>, vector<1x16xf32>,
      %swap3A_90 = vector.shape_cast %swap3A_89 : vector<1x16xf32> to vector<16xf32>
      %swap3A_91 = vector.shape_cast %broadcast_in_dim3A_2 : vector<16xf32> to vector<1x16xf32>
      tpu.vector_store %arg9[%swap3A_87, %swap3A_88], %swap3A_91 {strides = array<i32>} : memref<80x128xf32, #tpu.memory_space<vmem>>, vector<1x16xf32>,
      %swap3A_92 = arith.index_cast %scan3A_71 : i32 to index
      %swap3A_93 = arith.constant 64 : index
      %swap3A_94 = tpu.vector_load %arg9[%swap3A_92, %swap3A_93] {strides = array<i32>} : memref<80x128xf32, #tpu.memory_space<vmem>>, vector<1x16xf32>,
      %swap3A_95 = vector.shape_cast %swap3A_94 : vector<1x16xf32> to vector<16xf32>
      %swap3A_96 = vector.shape_cast %broadcast_in_dim3A_2 : vector<16xf32> to vector<1x16xf32>
      tpu.vector_store %arg9[%swap3A_92, %swap3A_93], %swap3A_96 {strides = array<i32>} : memref<80x128xf32, #tpu.memory_space<vmem>>, vector<1x16xf32>,
      %swap3A_97 = arith.index_cast %scan3A_71 : i32 to index
      %swap3A_98 = arith.constant 80 : index
      %swap3A_99 = tpu.vector_load %arg9[%swap3A_97, %swap3A_98] {strides = array<i32>} : memref<80x128xf32, #tpu.memory_space<vmem>>, vector<1x16xf32>,
      %swap3A_100 = vector.shape_cast %swap3A_99 : vector<1x16xf32> to vector<16xf32>
      %swap3A_101 = vector.shape_cast %broadcast_in_dim3A_2 : vector<16xf32> to vector<1x16xf32>
      tpu.vector_store %arg9[%swap3A_97, %swap3A_98], %swap3A_101 {strides = array<i32>} : memref<80x128xf32, #tpu.memory_space<vmem>>, vector<1x16xf32>,
      %swap3A_102 = arith.index_cast %scan3A_71 : i32 to index
      %swap3A_103 = arith.constant 96 : index
      %swap3A_104 = tpu.vector_load %arg9[%swap3A_102, %swap3A_103] {strides = array<i32>} : memref<80x128xf32, #tpu.memory_space<vmem>>, vector<1x16xf32>,
      %swap3A_105 = vector.shape_cast %swap3A_104 : vector<1x16xf32> to vector<16xf32>
      %swap3A_106 = vector.shape_cast %broadcast_in_dim3A_2 : vector<16xf32> to vector<1x16xf32>
      tpu.vector_store %arg9[%swap3A_102, %swap3A_103], %swap3A_106 {strides = array<i32>} : memref<80x128xf32, #tpu.memory_space<vmem>>, vector<1x16xf32>,
      %swap3A_107 = arith.index_cast %scan3A_71 : i32 to index
      %swap3A_108 = arith.constant 112 : index
      %swap3A_109 = tpu.vector_load %arg9[%swap3A_107, %swap3A_108] {strides = array<i32>} : memref<80x128xf32, #tpu.memory_space<vmem>>, vector<1x16xf32>,
      %swap3A_110 = vector.shape_cast %swap3A_109 : vector<1x16xf32> to vector<16xf32>
      %swap3A_111 = vector.shape_cast %broadcast_in_dim3A_2 : vector<16xf32> to vector<1x16xf32>
      tpu.vector_store %arg9[%swap3A_107, %swap3A_108], %swap3A_111 {strides = array<i32>} : memref<80x128xf32, #tpu.memory_space<vmem>>, vector<1x16xf32>,
      %scan3A_112 = arith.constant 0 : i32
      scf.yield %scan3A_112 : i32
    }
    %scan3A_56 = arith.constant 80 : i32
    %barrier3A_57 = arith.constant 0 : index
    tpu.barrier barrier_id(%barrier3A_57)
    %scan3A_58 = arith.constant 0 : i32
    %scan3A_59 = arith.constant 0 : i32
    %scan3A_60 = arith.constant 5 : i32
    %scan3A_61 = arith.addi %scan3A_59, %scan3A_60 : i32
    %scan3A_62 = arith.constant 1 : i32
    %scan3A_63 = scf.for %scan3A_71 = %scan3A_59 to %scan3A_61 step %scan3A_62 iter_args(%scan3A_72 = %scan3A_58) -> (i32)  : i32 {
      "tpu.region"() ({
        %run_scoped3A = tpu.sem_alloc : memref<!tpu.dma_semaphore, #tpu.memory_space<semaphore_mem>>
        %dma_start3A = arith.constant 0 : i32
        %dma_start3A_93 = arith.constant 0 : i32
        %dma_start3A_94 = tpu.memref_slice %arg4[%arg1, %scan3A_71, %dma_start3A, %dma_start3A_93] : memref<16x5x25x80xi32, #tpu.memory_space<hbm>> -> memref<1x1x25x80xi32, #tpu.memory_space<hbm>>
        %dma_start3A_95 = tpu.memref_squeeze %dma_start3A_94 : memref<1x1x25x80xi32, #tpu.memory_space<hbm>> -> memref<25x80xi32, #tpu.memory_space<hbm>>
        %dma_start3A_96 = arith.constant 0 : i32
        %dma_start3A_97 = arith.constant 0 : i32
        %dma_start3A_98 = tpu.memref_slice %arg4[%arg1, %scan3A_71, %dma_start3A_96, %dma_start3A_97] : memref<16x5x25x80xi32, #tpu.memory_space<hbm>> -> memref<1x1x25x80xi32, #tpu.memory_space<hbm>>
        %dma_start3A_99 = tpu.memref_squeeze %dma_start3A_98 : memref<1x1x25x80xi32, #tpu.memory_space<hbm>> -> memref<25x80xi32, #tpu.memory_space<hbm>>
        tpu.enqueue_dma source(%dma_start3A_99 : memref<25x80xi32, #tpu.memory_space<hbm>>) target(%arg8 : memref<25x80xi32, #tpu.memory_space<vmem>>) target_semaphore(%run_scoped3A : memref<!tpu.dma_semaphore, #tpu.memory_space<semaphore_mem>>)
        %dma_wait3A = arith.constant 0 : i32
        %dma_wait3A_100 = arith.constant 0 : i32
        %dma_wait3A_101 = tpu.memref_slice %arg4[%arg1, %scan3A_71, %dma_wait3A, %dma_wait3A_100] : memref<16x5x25x80xi32, #tpu.memory_space<hbm>> -> memref<1x1x25x80xi32, #tpu.memory_space<hbm>>
        %dma_wait3A_102 = tpu.memref_squeeze %dma_wait3A_101 : memref<1x1x25x80xi32, #tpu.memory_space<hbm>> -> memref<25x80xi32, #tpu.memory_space<hbm>>
        %dma_wait3A_103 = arith.constant 0 : i32
        %dma_wait3A_104 = arith.constant 0 : i32
        %dma_wait3A_105 = tpu.memref_slice %arg4[%arg1, %scan3A_71, %dma_wait3A_103, %dma_wait3A_104] : memref<16x5x25x80xi32, #tpu.memory_space<hbm>> -> memref<1x1x25x80xi32, #tpu.memory_space<hbm>>
        %dma_wait3A_106 = tpu.memref_squeeze %dma_wait3A_105 : memref<1x1x25x80xi32, #tpu.memory_space<hbm>> -> memref<25x80xi32, #tpu.memory_space<hbm>>
        tpu.wait_dma2 semaphore(%run_scoped3A : memref<!tpu.dma_semaphore, #tpu.memory_space<semaphore_mem>>) src(%dma_wait3A_106 : memref<25x80xi32, #tpu.memory_space<hbm>>) dst(%arg8 : memref<25x80xi32, #tpu.memory_space<vmem>>)
        tpu.yield
      }) : () -> ()
      %scan3A_73 = arith.constant 0 : i32
      %scan3A_74 = arith.constant 0 : i32
      %scan3A_75 = arith.constant 13 : i32
      %scan3A_76 = arith.addi %scan3A_74, %scan3A_75 : i32
      %scan3A_77 = arith.constant 1 : i32
      %scan3A_78 = scf.for %scan3A_93 = %scan3A_74 to %scan3A_76 step %scan3A_77 iter_args(%scan3A_94 = %scan3A_73) -> (i32)  : i32 {
        %mul3A_95 = arith.constant 2 : i32
        %mul3A_96 = arith.muli %mul3A_95, %scan3A_93 : i32
        %add3A_97 = arith.addi %mul3A_96, %arg0 : i32
        %lt3A = arith.constant 25 : i32
        %lt3A_98 = arith.cmpi slt, %add3A_97, %lt3A : i32
        %convert_element_type3A = arith.extui %lt3A_98 : i1 to i32
        %cond3A = arith.constant 0 : i32
        %cond3A_99 = arith.cmpi ne, %convert_element_type3A, %cond3A : i32
        scf.if %cond3A_99 {
          %dma_start3A = arith.constant 0 : i32
          %dma_start3A_101 = tpu.memref_slice %arg8[%add3A_97, %dma_start3A] : memref<25x80xi32, #tpu.memory_space<vmem>> -> memref<1x80xi32, #tpu.memory_space<vmem>>
          %dma_start3A_102 = tpu.memref_squeeze %dma_start3A_101 : memref<1x80xi32, #tpu.memory_space<vmem>> -> memref<80xi32, #tpu.memory_space<vmem>>
          %dma_start3A_103 = arith.constant 0 : i32
          %dma_start3A_104 = arith.constant 0 : i32
          %dma_start3A_105 = tpu.memref_slice %arg11[%dma_start3A_103, %dma_start3A_104] : memref<10000x128xf32, #tpu.memory_space<vmem_shared>> -> memref<10000x128xf32, #tpu.memory_space<vmem_shared>>
          tpu.enqueue_indirect_dma source(%arg9 : memref<80x128xf32, #tpu.memory_space<vmem>>) target(%dma_start3A_105 : memref<10000x128xf32, #tpu.memory_space<vmem_shared>>) offsets(%dma_start3A_102 : memref<80xi32, #tpu.memory_space<vmem>>) semaphore(%arg14 : memref<!tpu.dma_semaphore, #tpu.memory_space<semaphore_mem>>) {add = true}
        } else {
        }
        %scan3A_100 = arith.constant 0 : i32
        scf.yield %scan3A_100 : i32
      }
      %scan3A_79 = arith.constant 13 : i32
      %sub3A = arith.constant 13 : i32
      %sub3A_80 = arith.subi %sub3A, %arg0 : i32
      %while3A = arith.constant 0 : i32
      %while3A_81 = arith.constant 0 : i32
      %while3A_82 = arith.subi %sub3A_80, %while3A : i32
      %while3A_83 = arith.addi %while3A, %while3A_82 : i32
      %while3A_84 = arith.constant 1 : i32
      %while3A_85 = arith.divsi %while3A_82, %while3A_84 : i32
      %while3A_86 = arith.muli %while3A_85, %while3A_84 : i32
      %while3A_87 = arith.addi %while3A, %while3A_86 : i32
      %while3A_88 = arith.constant 1 : i32
      %while3A_89 = scf.for %while3A_93 = %while3A to %while3A_87 step %while3A_88 iter_args(%while3A_94 = %while3A_81) -> (i32)  : i32 {
        %dma_wait3A = arith.constant 0 : i32
        %dma_wait3A_95 = arith.constant 0 : i32
        %dma_wait3A_96 = tpu.memref_slice %arg11[%dma_wait3A, %dma_wait3A_95] : memref<10000x128xf32, #tpu.memory_space<vmem_shared>> -> memref<80x128xf32, #tpu.memory_space<vmem_shared>>
        %dma_wait3A_97 = arith.constant 0 : i32
        %dma_wait3A_98 = arith.constant 0 : i32
        %dma_wait3A_99 = tpu.memref_slice %arg11[%dma_wait3A_97, %dma_wait3A_98] : memref<10000x128xf32, #tpu.memory_space<vmem_shared>> -> memref<80x128xf32, #tpu.memory_space<vmem_shared>>
        tpu.wait_dma2 semaphore(%arg14 : memref<!tpu.dma_semaphore, #tpu.memory_space<semaphore_mem>>) src(%arg9 : memref<80x128xf32, #tpu.memory_space<vmem>>) dst(%dma_wait3A_99 : memref<80x128xf32, #tpu.memory_space<vmem_shared>>)
        %while3A_100 = arith.constant 0 : i32
        scf.yield %while3A_100 : i32
      }
      %while3A_90 = arith.constant 1 : i32
      %while3A_91 = scf.for %while3A_93 = %while3A_87 to %while3A_83 step %while3A_90 iter_args(%while3A_94 = %while3A_89) -> (i32)  : i32 {
        %dma_wait3A = arith.constant 0 : i32
        %dma_wait3A_95 = arith.constant 0 : i32
        %dma_wait3A_96 = tpu.memref_slice %arg11[%dma_wait3A, %dma_wait3A_95] : memref<10000x128xf32, #tpu.memory_space<vmem_shared>> -> memref<80x128xf32, #tpu.memory_space<vmem_shared>>
        %dma_wait3A_97 = arith.constant 0 : i32
        %dma_wait3A_98 = arith.constant 0 : i32
        %dma_wait3A_99 = tpu.memref_slice %arg11[%dma_wait3A_97, %dma_wait3A_98] : memref<10000x128xf32, #tpu.memory_space<vmem_shared>> -> memref<80x128xf32, #tpu.memory_space<vmem_shared>>
        tpu.wait_dma2 semaphore(%arg14 : memref<!tpu.dma_semaphore, #tpu.memory_space<semaphore_mem>>) src(%arg9 : memref<80x128xf32, #tpu.memory_space<vmem>>) dst(%dma_wait3A_99 : memref<80x128xf32, #tpu.memory_space<vmem_shared>>)
        %while3A_100 = arith.constant 0 : i32
        scf.yield %while3A_100 : i32
      }
      %scan3A_92 = arith.constant 0 : i32
      scf.yield %scan3A_92 : i32
    }
    %scan3A_64 = arith.constant 5 : i32
    %barrier3A_65 = arith.constant 0 : index
    tpu.barrier barrier_id(%barrier3A_65)
    %mul3A_66 = arith.constant 625 : i32
    %mul3A_67 = arith.muli %arg1, %mul3A_66 : i32
    %mul3A_68 = arith.constant 16 : i32
    %mul3A_69 = arith.muli %arg0, %mul3A_68 : i32
    %add3A_70 = arith.addi %mul3A_69, %arg1 : i32
    "tpu.region"() ({
      %run_scoped3A = tpu.sem_alloc : memref<!tpu.dma_semaphore, #tpu.memory_space<semaphore_mem>>
      %dma_start3A = arith.constant 0 : i32
      %dma_start3A_71 = arith.constant 0 : i32
      %dma_start3A_72 = tpu.memref_slice %arg6[%add3A_70, %dma_start3A, %dma_start3A_71] : memref<32x625x128xf32, #tpu.memory_space<hbm>> -> memref<1x625x128xf32, #tpu.memory_space<hbm>>
      %dma_start3A_73 = tpu.memref_squeeze %dma_start3A_72 : memref<1x625x128xf32, #tpu.memory_space<hbm>> -> memref<625x128xf32, #tpu.memory_space<hbm>>
      %dma_start3A_74 = arith.constant 0 : i32
      %dma_start3A_75 = tpu.memref_slice %arg11[%mul3A_67, %dma_start3A_74] : memref<10000x128xf32, #tpu.memory_space<vmem_shared>> -> memref<625x128xf32, #tpu.memory_space<vmem_shared>>
      tpu.enqueue_dma source(%dma_start3A_75 : memref<625x128xf32, #tpu.memory_space<vmem_shared>>) target(%dma_start3A_73 : memref<625x128xf32, #tpu.memory_space<hbm>>) target_semaphore(%run_scoped3A : memref<!tpu.dma_semaphore, #tpu.memory_space<semaphore_mem>>)
      %dma_wait3A = arith.constant 0 : i32
      %dma_wait3A_76 = arith.constant 0 : i32
      %dma_wait3A_77 = tpu.memref_slice %arg6[%add3A_70, %dma_wait3A, %dma_wait3A_76] : memref<32x625x128xf32, #tpu.memory_space<hbm>> -> memref<1x625x128xf32, #tpu.memory_space<hbm>>
      %dma_wait3A_78 = tpu.memref_squeeze %dma_wait3A_77 : memref<1x625x128xf32, #tpu.memory_space<hbm>> -> memref<625x128xf32, #tpu.memory_space<hbm>>
      %dma_wait3A_79 = arith.constant 0 : i32
      %dma_wait3A_80 = tpu.memref_slice %arg11[%mul3A_67, %dma_wait3A_79] : memref<10000x128xf32, #tpu.memory_space<vmem_shared>> -> memref<625x128xf32, #tpu.memory_space<vmem_shared>>
      tpu.wait_dma2 semaphore(%run_scoped3A : memref<!tpu.dma_semaphore, #tpu.memory_space<semaphore_mem>>) src(%dma_wait3A_80 : memref<625x128xf32, #tpu.memory_space<vmem_shared>>) dst(%dma_wait3A_78 : memref<625x128xf32, #tpu.memory_space<hbm>>)
      tpu.yield
    }) : () -> ()
    return
  }
}

#map = affine_map<(d0, d1) -> (0, 0)>
#map1 = affine_map<(d0, d1) -> (0, 0, 0, 0)>
#map2 = affine_map<(d0, d1) -> (0, 0, 0)>
module attributes {stable_mosaic.version = 14 : i64} {
  func.func @_sc_agg_body(%arg0: i32, %arg1: i32, %arg2: memref<20000x128xf32, #tpu.memory_space<hbm>>, %arg3: memref<16x5x25x80xi32, #tpu.memory_space<hbm>>, %arg4: memref<16x5x25x80xi32, #tpu.memory_space<hbm>>, %arg5: memref<32x625x128xf32, #tpu.memory_space<hbm>>, %arg6: memref<32x625x128xf32, #tpu.memory_space<hbm>>, %arg7: memref<25x80xi32, #tpu.memory_space<vmem>>, %arg8: memref<25x80xi32, #tpu.memory_space<vmem>>, %arg9: memref<80x128xf32, #tpu.memory_space<vmem>>, %arg10: memref<80x128xf32, #tpu.memory_space<vmem>>, %arg11: memref<10000x128xf32, #tpu.memory_space<vmem_shared>>, %arg12: memref<!tpu.dma_semaphore, #tpu.memory_space<semaphore_mem>>, %arg13: memref<!tpu.dma_semaphore, #tpu.memory_space<semaphore_mem>>, %arg14: memref<!tpu.dma_semaphore, #tpu.memory_space<semaphore_mem>>, %arg15: memref<!tpu.dma_semaphore, #tpu.memory_space<semaphore_mem>>) attributes {dimension_semantics = [#tpu.dimension_semantics<core_parallel>, #tpu.dimension_semantics<subcore_parallel>], iteration_bounds = array<i64: 2, 16>, scalar_prefetch = 0 : i64, scratch_operands = 9 : i64, tpu.core_type = #tpu.core_type<sc_vector_subcore>, window_params = [{transform_indices = #map}, {transform_indices = #map1}, {transform_indices = #map1}, {transform_indices = #map2}, {transform_indices = #map2}]} {
    %broadcast_in_dim3A = arith.constant 0.000000e+00 : f32
    %broadcast_in_dim3A_0 = vector.broadcast %broadcast_in_dim3A : f32 to vector<16xf32>
    %broadcast_in_dim3A_1 = arith.constant 1.000000e+00 : f32
    %broadcast_in_dim3A_2 = vector.broadcast %broadcast_in_dim3A_1 : f32 to vector<16xf32>
    %scan3A = arith.constant 0 : i32
    %scan3A_3 = arith.constant 0 : i32
    %scan3A_4 = arith.constant 80 : i32
    %scan3A_5 = arith.addi %scan3A_3, %scan3A_4 : i32
    %scan3A_6 = arith.constant 1 : i32
    %scan3A_7 = scf.for %scan3A_71 = %scan3A_3 to %scan3A_5 step %scan3A_6 iter_args(%scan3A_72 = %scan3A) -> (i32)  : i32 {
      %swap3A = arith.index_cast %scan3A_71 : i32 to index
      %swap3A_73 = arith.constant 0 : index
      %swap3A_74 = tpu.vector_load %arg9[%swap3A, %swap3A_73] {strides = array<i32>} : memref<80x128xf32, #tpu.memory_space<vmem>>, vector<1x16xf32>,
      %swap3A_75 = vector.shape_cast %swap3A_74 : vector<1x16xf32> to vector<16xf32>
      %swap3A_76 = vector.shape_cast %broadcast_in_dim3A_0 : vector<16xf32> to vector<1x16xf32>
      tpu.vector_store %arg9[%swap3A, %swap3A_73], %swap3A_76 {strides = array<i32>} : memref<80x128xf32, #tpu.memory_space<vmem>>, vector<1x16xf32>,
      %swap3A_77 = arith.index_cast %scan3A_71 : i32 to index
      %swap3A_78 = arith.constant 16 : index
      %swap3A_79 = tpu.vector_load %arg9[%swap3A_77, %swap3A_78] {strides = array<i32>} : memref<80x128xf32, #tpu.memory_space<vmem>>, vector<1x16xf32>,
      %swap3A_80 = vector.shape_cast %swap3A_79 : vector<1x16xf32> to vector<16xf32>
      %swap3A_81 = vector.shape_cast %broadcast_in_dim3A_0 : vector<16xf32> to vector<1x16xf32>
      tpu.vector_store %arg9[%swap3A_77, %swap3A_78], %swap3A_81 {strides = array<i32>} : memref<80x128xf32, #tpu.memory_space<vmem>>, vector<1x16xf32>,
      %swap3A_82 = arith.index_cast %scan3A_71 : i32 to index
      %swap3A_83 = arith.constant 32 : index
      %swap3A_84 = tpu.vector_load %arg9[%swap3A_82, %swap3A_83] {strides = array<i32>} : memref<80x128xf32, #tpu.memory_space<vmem>>, vector<1x16xf32>,
      %swap3A_85 = vector.shape_cast %swap3A_84 : vector<1x16xf32> to vector<16xf32>
      %swap3A_86 = vector.shape_cast %broadcast_in_dim3A_0 : vector<16xf32> to vector<1x16xf32>
      tpu.vector_store %arg9[%swap3A_82, %swap3A_83], %swap3A_86 {strides = array<i32>} : memref<80x128xf32, #tpu.memory_space<vmem>>, vector<1x16xf32>,
      %swap3A_87 = arith.index_cast %scan3A_71 : i32 to index
      %swap3A_88 = arith.constant 48 : index
      %swap3A_89 = tpu.vector_load %arg9[%swap3A_87, %swap3A_88] {strides = array<i32>} : memref<80x128xf32, #tpu.memory_space<vmem>>, vector<1x16xf32>,
      %swap3A_90 = vector.shape_cast %swap3A_89 : vector<1x16xf32> to vector<16xf32>
      %swap3A_91 = vector.shape_cast %broadcast_in_dim3A_0 : vector<16xf32> to vector<1x16xf32>
      tpu.vector_store %arg9[%swap3A_87, %swap3A_88], %swap3A_91 {strides = array<i32>} : memref<80x128xf32, #tpu.memory_space<vmem>>, vector<1x16xf32>,
      %swap3A_92 = arith.index_cast %scan3A_71 : i32 to index
      %swap3A_93 = arith.constant 64 : index
      %swap3A_94 = tpu.vector_load %arg9[%swap3A_92, %swap3A_93] {strides = array<i32>} : memref<80x128xf32, #tpu.memory_space<vmem>>, vector<1x16xf32>,
      %swap3A_95 = vector.shape_cast %swap3A_94 : vector<1x16xf32> to vector<16xf32>
      %swap3A_96 = vector.shape_cast %broadcast_in_dim3A_0 : vector<16xf32> to vector<1x16xf32>
      tpu.vector_store %arg9[%swap3A_92, %swap3A_93], %swap3A_96 {strides = array<i32>} : memref<80x128xf32, #tpu.memory_space<vmem>>, vector<1x16xf32>,
      %swap3A_97 = arith.index_cast %scan3A_71 : i32 to index
      %swap3A_98 = arith.constant 80 : index
      %swap3A_99 = tpu.vector_load %arg9[%swap3A_97, %swap3A_98] {strides = array<i32>} : memref<80x128xf32, #tpu.memory_space<vmem>>, vector<1x16xf32>,
      %swap3A_100 = vector.shape_cast %swap3A_99 : vector<1x16xf32> to vector<16xf32>
      %swap3A_101 = vector.shape_cast %broadcast_in_dim3A_0 : vector<16xf32> to vector<1x16xf32>
      tpu.vector_store %arg9[%swap3A_97, %swap3A_98], %swap3A_101 {strides = array<i32>} : memref<80x128xf32, #tpu.memory_space<vmem>>, vector<1x16xf32>,
      %swap3A_102 = arith.index_cast %scan3A_71 : i32 to index
      %swap3A_103 = arith.constant 96 : index
      %swap3A_104 = tpu.vector_load %arg9[%swap3A_102, %swap3A_103] {strides = array<i32>} : memref<80x128xf32, #tpu.memory_space<vmem>>, vector<1x16xf32>,
      %swap3A_105 = vector.shape_cast %swap3A_104 : vector<1x16xf32> to vector<16xf32>
      %swap3A_106 = vector.shape_cast %broadcast_in_dim3A_0 : vector<16xf32> to vector<1x16xf32>
      tpu.vector_store %arg9[%swap3A_102, %swap3A_103], %swap3A_106 {strides = array<i32>} : memref<80x128xf32, #tpu.memory_space<vmem>>, vector<1x16xf32>,
      %swap3A_107 = arith.index_cast %scan3A_71 : i32 to index
      %swap3A_108 = arith.constant 112 : index
      %swap3A_109 = tpu.vector_load %arg9[%swap3A_107, %swap3A_108] {strides = array<i32>} : memref<80x128xf32, #tpu.memory_space<vmem>>, vector<1x16xf32>,
      %swap3A_110 = vector.shape_cast %swap3A_109 : vector<1x16xf32> to vector<16xf32>
      %swap3A_111 = vector.shape_cast %broadcast_in_dim3A_0 : vector<16xf32> to vector<1x16xf32>
      tpu.vector_store %arg9[%swap3A_107, %swap3A_108], %swap3A_111 {strides = array<i32>} : memref<80x128xf32, #tpu.memory_space<vmem>>, vector<1x16xf32>,
      %scan3A_112 = arith.constant 0 : i32
      scf.yield %scan3A_112 : i32
    }
    %scan3A_8 = arith.constant 80 : i32
    %scan3A_9 = arith.constant 0 : i32
    %scan3A_10 = arith.constant 0 : i32
    %scan3A_11 = arith.constant 7 : i32
    %scan3A_12 = arith.addi %scan3A_10, %scan3A_11 : i32
    %scan3A_13 = arith.constant 1 : i32
    %scan3A_14 = scf.for %scan3A_71 = %scan3A_10 to %scan3A_12 step %scan3A_13 iter_args(%scan3A_72 = %scan3A_9) -> (i32)  : i32 {
      %mul3A_73 = arith.constant 625 : i32
      %mul3A_74 = arith.muli %arg1, %mul3A_73 : i32
      %mul3A_75 = arith.constant 80 : i32
      %mul3A_76 = arith.muli %scan3A_71, %mul3A_75 : i32
      %add3A_77 = arith.addi %mul3A_74, %mul3A_76 : i32
      "tpu.region"() ({
        %run_scoped3A = tpu.sem_alloc : memref<!tpu.dma_semaphore, #tpu.memory_space<semaphore_mem>>
        %dma_start3A = arith.constant 0 : i32
        %dma_start3A_79 = tpu.memref_slice %arg11[%add3A_77, %dma_start3A] : memref<10000x128xf32, #tpu.memory_space<vmem_shared>> -> memref<80x128xf32, #tpu.memory_space<vmem_shared>>
        %dma_start3A_80 = arith.constant 0 : i32
        %dma_start3A_81 = tpu.memref_slice %arg11[%add3A_77, %dma_start3A_80] : memref<10000x128xf32, #tpu.memory_space<vmem_shared>> -> memref<80x128xf32, #tpu.memory_space<vmem_shared>>
        tpu.enqueue_dma source(%arg9 : memref<80x128xf32, #tpu.memory_space<vmem>>) target(%dma_start3A_81 : memref<80x128xf32, #tpu.memory_space<vmem_shared>>) target_semaphore(%run_scoped3A : memref<!tpu.dma_semaphore, #tpu.memory_space<semaphore_mem>>)
        %dma_wait3A = arith.constant 0 : i32
        %dma_wait3A_82 = tpu.memref_slice %arg11[%add3A_77, %dma_wait3A] : memref<10000x128xf32, #tpu.memory_space<vmem_shared>> -> memref<80x128xf32, #tpu.memory_space<vmem_shared>>
        %dma_wait3A_83 = arith.constant 0 : i32
        %dma_wait3A_84 = tpu.memref_slice %arg11[%add3A_77, %dma_wait3A_83] : memref<10000x128xf32, #tpu.memory_space<vmem_shared>> -> memref<80x128xf32, #tpu.memory_space<vmem_shared>>
        tpu.wait_dma2 semaphore(%run_scoped3A : memref<!tpu.dma_semaphore, #tpu.memory_space<semaphore_mem>>) src(%arg9 : memref<80x128xf32, #tpu.memory_space<vmem>>) dst(%dma_wait3A_84 : memref<80x128xf32, #tpu.memory_space<vmem_shared>>)
        tpu.yield
      }) : () -> ()
      %scan3A_78 = arith.constant 0 : i32
      scf.yield %scan3A_78 : i32
    }
    %scan3A_15 = arith.constant 7 : i32
    %mul3A = arith.constant 625 : i32
    %mul3A_16 = arith.muli %arg1, %mul3A : i32
    %add3A = arith.constant 560 : i32
    %add3A_17 = arith.addi %mul3A_16, %add3A : i32
    "tpu.region"() ({
      %run_scoped3A = tpu.sem_alloc : memref<!tpu.dma_semaphore, #tpu.memory_space<semaphore_mem>>
      %dma_start3A = arith.constant 0 : i32
      %dma_start3A_71 = arith.constant 0 : i32
      %dma_start3A_72 = tpu.memref_slice %arg9[%dma_start3A, %dma_start3A_71] : memref<80x128xf32, #tpu.memory_space<vmem>> -> memref<65x128xf32, #tpu.memory_space<vmem>>
      %dma_start3A_73 = arith.constant 0 : i32
      %dma_start3A_74 = tpu.memref_slice %arg11[%add3A_17, %dma_start3A_73] : memref<10000x128xf32, #tpu.memory_space<vmem_shared>> -> memref<65x128xf32, #tpu.memory_space<vmem_shared>>
      %dma_start3A_75 = arith.constant 0 : i32
      %dma_start3A_76 = tpu.memref_slice %arg11[%add3A_17, %dma_start3A_75] : memref<10000x128xf32, #tpu.memory_space<vmem_shared>> -> memref<65x128xf32, #tpu.memory_space<vmem_shared>>
      %dma_start3A_77 = arith.constant 0 : i32
      %dma_start3A_78 = arith.constant 0 : i32
      %dma_start3A_79 = tpu.memref_slice %arg9[%dma_start3A_77, %dma_start3A_78] : memref<80x128xf32, #tpu.memory_space<vmem>> -> memref<65x128xf32, #tpu.memory_space<vmem>>
      tpu.enqueue_dma source(%dma_start3A_79 : memref<65x128xf32, #tpu.memory_space<vmem>>) target(%dma_start3A_76 : memref<65x128xf32, #tpu.memory_space<vmem_shared>>) target_semaphore(%run_scoped3A : memref<!tpu.dma_semaphore, #tpu.memory_space<semaphore_mem>>)
      %dma_wait3A = arith.constant 0 : i32
      %dma_wait3A_80 = arith.constant 0 : i32
      %dma_wait3A_81 = tpu.memref_slice %arg9[%dma_wait3A, %dma_wait3A_80] : memref<80x128xf32, #tpu.memory_space<vmem>> -> memref<65x128xf32, #tpu.memory_space<vmem>>
      %dma_wait3A_82 = arith.constant 0 : i32
      %dma_wait3A_83 = tpu.memref_slice %arg11[%add3A_17, %dma_wait3A_82] : memref<10000x128xf32, #tpu.memory_space<vmem_shared>> -> memref<65x128xf32, #tpu.memory_space<vmem_shared>>
      %dma_wait3A_84 = arith.constant 0 : i32
      %dma_wait3A_85 = tpu.memref_slice %arg11[%add3A_17, %dma_wait3A_84] : memref<10000x128xf32, #tpu.memory_space<vmem_shared>> -> memref<65x128xf32, #tpu.memory_space<vmem_shared>>
      %dma_wait3A_86 = arith.constant 0 : i32
      %dma_wait3A_87 = arith.constant 0 : i32
      %dma_wait3A_88 = tpu.memref_slice %arg9[%dma_wait3A_86, %dma_wait3A_87] : memref<80x128xf32, #tpu.memory_space<vmem>> -> memref<65x128xf32, #tpu.memory_space<vmem>>
      tpu.wait_dma2 semaphore(%run_scoped3A : memref<!tpu.dma_semaphore, #tpu.memory_space<semaphore_mem>>) src(%dma_wait3A_88 : memref<65x128xf32, #tpu.memory_space<vmem>>) dst(%dma_wait3A_85 : memref<65x128xf32, #tpu.memory_space<vmem_shared>>)
      tpu.yield
    }) : () -> ()
    %barrier3A = arith.constant 0 : index
    tpu.barrier barrier_id(%barrier3A)
    %scan3A_18 = arith.constant 0 : i32
    %scan3A_19 = arith.constant 0 : i32
    %scan3A_20 = arith.constant 5 : i32
    %scan3A_21 = arith.addi %scan3A_19, %scan3A_20 : i32
    %scan3A_22 = arith.constant 1 : i32
    %scan3A_23 = scf.for %scan3A_71 = %scan3A_19 to %scan3A_21 step %scan3A_22 iter_args(%scan3A_72 = %scan3A_18) -> (i32)  : i32 {
      "tpu.region"() ({
        %run_scoped3A = tpu.sem_alloc : memref<!tpu.dma_semaphore, #tpu.memory_space<semaphore_mem>>
        %dma_start3A = arith.constant 0 : i32
        %dma_start3A_99 = arith.constant 0 : i32
        %dma_start3A_100 = tpu.memref_slice %arg3[%arg1, %scan3A_71, %dma_start3A, %dma_start3A_99] : memref<16x5x25x80xi32, #tpu.memory_space<hbm>> -> memref<1x1x25x80xi32, #tpu.memory_space<hbm>>
        %dma_start3A_101 = tpu.memref_squeeze %dma_start3A_100 : memref<1x1x25x80xi32, #tpu.memory_space<hbm>> -> memref<25x80xi32, #tpu.memory_space<hbm>>
        %dma_start3A_102 = arith.constant 0 : i32
        %dma_start3A_103 = arith.constant 0 : i32
        %dma_start3A_104 = tpu.memref_slice %arg3[%arg1, %scan3A_71, %dma_start3A_102, %dma_start3A_103] : memref<16x5x25x80xi32, #tpu.memory_space<hbm>> -> memref<1x1x25x80xi32, #tpu.memory_space<hbm>>
        %dma_start3A_105 = tpu.memref_squeeze %dma_start3A_104 : memref<1x1x25x80xi32, #tpu.memory_space<hbm>> -> memref<25x80xi32, #tpu.memory_space<hbm>>
        tpu.enqueue_dma source(%dma_start3A_105 : memref<25x80xi32, #tpu.memory_space<hbm>>) target(%arg7 : memref<25x80xi32, #tpu.memory_space<vmem>>) target_semaphore(%run_scoped3A : memref<!tpu.dma_semaphore, #tpu.memory_space<semaphore_mem>>)
        %dma_wait3A_106 = arith.constant 0 : i32
        %dma_wait3A_107 = arith.constant 0 : i32
        %dma_wait3A_108 = tpu.memref_slice %arg3[%arg1, %scan3A_71, %dma_wait3A_106, %dma_wait3A_107] : memref<16x5x25x80xi32, #tpu.memory_space<hbm>> -> memref<1x1x25x80xi32, #tpu.memory_space<hbm>>
        %dma_wait3A_109 = tpu.memref_squeeze %dma_wait3A_108 : memref<1x1x25x80xi32, #tpu.memory_space<hbm>> -> memref<25x80xi32, #tpu.memory_space<hbm>>
        %dma_wait3A_110 = arith.constant 0 : i32
        %dma_wait3A_111 = arith.constant 0 : i32
        %dma_wait3A_112 = tpu.memref_slice %arg3[%arg1, %scan3A_71, %dma_wait3A_110, %dma_wait3A_111] : memref<16x5x25x80xi32, #tpu.memory_space<hbm>> -> memref<1x1x25x80xi32, #tpu.memory_space<hbm>>
        %dma_wait3A_113 = tpu.memref_squeeze %dma_wait3A_112 : memref<1x1x25x80xi32, #tpu.memory_space<hbm>> -> memref<25x80xi32, #tpu.memory_space<hbm>>
        tpu.wait_dma2 semaphore(%run_scoped3A : memref<!tpu.dma_semaphore, #tpu.memory_space<semaphore_mem>>) src(%dma_wait3A_113 : memref<25x80xi32, #tpu.memory_space<hbm>>) dst(%arg7 : memref<25x80xi32, #tpu.memory_space<vmem>>)
        tpu.yield
      }) : () -> ()
      "tpu.region"() ({
        %run_scoped3A = tpu.sem_alloc : memref<!tpu.dma_semaphore, #tpu.memory_space<semaphore_mem>>
        %dma_start3A = arith.constant 0 : i32
        %dma_start3A_99 = arith.constant 0 : i32
        %dma_start3A_100 = tpu.memref_slice %arg4[%arg1, %scan3A_71, %dma_start3A, %dma_start3A_99] : memref<16x5x25x80xi32, #tpu.memory_space<hbm>> -> memref<1x1x25x80xi32, #tpu.memory_space<hbm>>
        %dma_start3A_101 = tpu.memref_squeeze %dma_start3A_100 : memref<1x1x25x80xi32, #tpu.memory_space<hbm>> -> memref<25x80xi32, #tpu.memory_space<hbm>>
        %dma_start3A_102 = arith.constant 0 : i32
        %dma_start3A_103 = arith.constant 0 : i32
        %dma_start3A_104 = tpu.memref_slice %arg4[%arg1, %scan3A_71, %dma_start3A_102, %dma_start3A_103] : memref<16x5x25x80xi32, #tpu.memory_space<hbm>> -> memref<1x1x25x80xi32, #tpu.memory_space<hbm>>
        %dma_start3A_105 = tpu.memref_squeeze %dma_start3A_104 : memref<1x1x25x80xi32, #tpu.memory_space<hbm>> -> memref<25x80xi32, #tpu.memory_space<hbm>>
        tpu.enqueue_dma source(%dma_start3A_105 : memref<25x80xi32, #tpu.memory_space<hbm>>) target(%arg8 : memref<25x80xi32, #tpu.memory_space<vmem>>) target_semaphore(%run_scoped3A : memref<!tpu.dma_semaphore, #tpu.memory_space<semaphore_mem>>)
        %dma_wait3A_106 = arith.constant 0 : i32
        %dma_wait3A_107 = arith.constant 0 : i32
        %dma_wait3A_108 = tpu.memref_slice %arg4[%arg1, %scan3A_71, %dma_wait3A_106, %dma_wait3A_107] : memref<16x5x25x80xi32, #tpu.memory_space<hbm>> -> memref<1x1x25x80xi32, #tpu.memory_space<hbm>>
        %dma_wait3A_109 = tpu.memref_squeeze %dma_wait3A_108 : memref<1x1x25x80xi32, #tpu.memory_space<hbm>> -> memref<25x80xi32, #tpu.memory_space<hbm>>
        %dma_wait3A_110 = arith.constant 0 : i32
        %dma_wait3A_111 = arith.constant 0 : i32
        %dma_wait3A_112 = tpu.memref_slice %arg4[%arg1, %scan3A_71, %dma_wait3A_110, %dma_wait3A_111] : memref<16x5x25x80xi32, #tpu.memory_space<hbm>> -> memref<1x1x25x80xi32, #tpu.memory_space<hbm>>
        %dma_wait3A_113 = tpu.memref_squeeze %dma_wait3A_112 : memref<1x1x25x80xi32, #tpu.memory_space<hbm>> -> memref<25x80xi32, #tpu.memory_space<hbm>>
        tpu.wait_dma2 semaphore(%run_scoped3A : memref<!tpu.dma_semaphore, #tpu.memory_space<semaphore_mem>>) src(%dma_wait3A_113 : memref<25x80xi32, #tpu.memory_space<hbm>>) dst(%arg8 : memref<25x80xi32, #tpu.memory_space<vmem>>)
        tpu.yield
      }) : () -> ()
      %scan3A_73 = arith.constant 0 : i32
      %scan3A_74 = arith.constant 0 : i32
      %scan3A_75 = arith.constant 25 : i32
      %scan3A_76 = arith.addi %scan3A_74, %scan3A_75 : i32
      %scan3A_77 = arith.constant 1 : i32
      %scan3A_78 = scf.for %scan3A_99 = %scan3A_74 to %scan3A_76 step %scan3A_77 iter_args(%scan3A_100 = %scan3A_73) -> (i32)  : i32 {
        %get3A = arith.index_cast %scan3A_99 : i32 to index
        %get3A_101 = arith.constant 0 : index
        %get3A_102 = tpu.vector_load %arg7[%get3A, %get3A_101] {strides = array<i32>} : memref<25x80xi32, #tpu.memory_space<vmem>>, vector<1x16xi32>,
        %get3A_103 = vector.shape_cast %get3A_102 : vector<1x16xi32> to vector<16xi32>
        %mul3A_104 = arith.constant 2 : i32
        %mul3A_105 = vector.broadcast %mul3A_104 : i32 to vector<16xi32>
        %mul3A_106 = arith.muli %get3A_103, %mul3A_105 : vector<16xi32>
        %add3A_107 = vector.broadcast %arg0 : i32 to vector<16xi32>
        %add3A_108 = arith.addi %mul3A_106, %add3A_107 : vector<16xi32>
        %swap3A = arith.index_cast %scan3A_99 : i32 to index
        %swap3A_109 = arith.constant 0 : index
        %swap3A_110 = tpu.vector_load %arg7[%swap3A, %swap3A_109] {strides = array<i32>} : memref<25x80xi32, #tpu.memory_space<vmem>>, vector<1x16xi32>,
        %swap3A_111 = vector.shape_cast %swap3A_110 : vector<1x16xi32> to vector<16xi32>
        %swap3A_112 = vector.shape_cast %add3A_108 : vector<16xi32> to vector<1x16xi32>
        tpu.vector_store %arg7[%swap3A, %swap3A_109], %swap3A_112 {strides = array<i32>} : memref<25x80xi32, #tpu.memory_space<vmem>>, vector<1x16xi32>,
        %get3A_113 = arith.index_cast %scan3A_99 : i32 to index
        %get3A_114 = arith.constant 16 : index
        %get3A_115 = tpu.vector_load %arg7[%get3A_113, %get3A_114] {strides = array<i32>} : memref<25x80xi32, #tpu.memory_space<vmem>>, vector<1x16xi32>,
        %get3A_116 = vector.shape_cast %get3A_115 : vector<1x16xi32> to vector<16xi32>
        %mul3A_117 = arith.constant 2 : i32
        %mul3A_118 = vector.broadcast %mul3A_117 : i32 to vector<16xi32>
        %mul3A_119 = arith.muli %get3A_116, %mul3A_118 : vector<16xi32>
        %add3A_120 = vector.broadcast %arg0 : i32 to vector<16xi32>
        %add3A_121 = arith.addi %mul3A_119, %add3A_120 : vector<16xi32>
        %swap3A_122 = arith.index_cast %scan3A_99 : i32 to index
        %swap3A_123 = arith.constant 16 : index
        %swap3A_124 = tpu.vector_load %arg7[%swap3A_122, %swap3A_123] {strides = array<i32>} : memref<25x80xi32, #tpu.memory_space<vmem>>, vector<1x16xi32>,
        %swap3A_125 = vector.shape_cast %swap3A_124 : vector<1x16xi32> to vector<16xi32>
        %swap3A_126 = vector.shape_cast %add3A_121 : vector<16xi32> to vector<1x16xi32>
        tpu.vector_store %arg7[%swap3A_122, %swap3A_123], %swap3A_126 {strides = array<i32>} : memref<25x80xi32, #tpu.memory_space<vmem>>, vector<1x16xi32>,
        %get3A_127 = arith.index_cast %scan3A_99 : i32 to index
        %get3A_128 = arith.constant 32 : index
        %get3A_129 = tpu.vector_load %arg7[%get3A_127, %get3A_128] {strides = array<i32>} : memref<25x80xi32, #tpu.memory_space<vmem>>, vector<1x16xi32>,
        %get3A_130 = vector.shape_cast %get3A_129 : vector<1x16xi32> to vector<16xi32>
        %mul3A_131 = arith.constant 2 : i32
        %mul3A_132 = vector.broadcast %mul3A_131 : i32 to vector<16xi32>
        %mul3A_133 = arith.muli %get3A_130, %mul3A_132 : vector<16xi32>
        %add3A_134 = vector.broadcast %arg0 : i32 to vector<16xi32>
        %add3A_135 = arith.addi %mul3A_133, %add3A_134 : vector<16xi32>
        %swap3A_136 = arith.index_cast %scan3A_99 : i32 to index
        %swap3A_137 = arith.constant 32 : index
        %swap3A_138 = tpu.vector_load %arg7[%swap3A_136, %swap3A_137] {strides = array<i32>} : memref<25x80xi32, #tpu.memory_space<vmem>>, vector<1x16xi32>,
        %swap3A_139 = vector.shape_cast %swap3A_138 : vector<1x16xi32> to vector<16xi32>
        %swap3A_140 = vector.shape_cast %add3A_135 : vector<16xi32> to vector<1x16xi32>
        tpu.vector_store %arg7[%swap3A_136, %swap3A_137], %swap3A_140 {strides = array<i32>} : memref<25x80xi32, #tpu.memory_space<vmem>>, vector<1x16xi32>,
        %get3A_141 = arith.index_cast %scan3A_99 : i32 to index
        %get3A_142 = arith.constant 48 : index
        %get3A_143 = tpu.vector_load %arg7[%get3A_141, %get3A_142] {strides = array<i32>} : memref<25x80xi32, #tpu.memory_space<vmem>>, vector<1x16xi32>,
        %get3A_144 = vector.shape_cast %get3A_143 : vector<1x16xi32> to vector<16xi32>
        %mul3A_145 = arith.constant 2 : i32
        %mul3A_146 = vector.broadcast %mul3A_145 : i32 to vector<16xi32>
        %mul3A_147 = arith.muli %get3A_144, %mul3A_146 : vector<16xi32>
        %add3A_148 = vector.broadcast %arg0 : i32 to vector<16xi32>
        %add3A_149 = arith.addi %mul3A_147, %add3A_148 : vector<16xi32>
        %swap3A_150 = arith.index_cast %scan3A_99 : i32 to index
        %swap3A_151 = arith.constant 48 : index
        %swap3A_152 = tpu.vector_load %arg7[%swap3A_150, %swap3A_151] {strides = array<i32>} : memref<25x80xi32, #tpu.memory_space<vmem>>, vector<1x16xi32>,
        %swap3A_153 = vector.shape_cast %swap3A_152 : vector<1x16xi32> to vector<16xi32>
        %swap3A_154 = vector.shape_cast %add3A_149 : vector<16xi32> to vector<1x16xi32>
        tpu.vector_store %arg7[%swap3A_150, %swap3A_151], %swap3A_154 {strides = array<i32>} : memref<25x80xi32, #tpu.memory_space<vmem>>, vector<1x16xi32>,
        %get3A_155 = arith.index_cast %scan3A_99 : i32 to index
        %get3A_156 = arith.constant 64 : index
        %get3A_157 = tpu.vector_load %arg7[%get3A_155, %get3A_156] {strides = array<i32>} : memref<25x80xi32, #tpu.memory_space<vmem>>, vector<1x16xi32>,
        %get3A_158 = vector.shape_cast %get3A_157 : vector<1x16xi32> to vector<16xi32>
        %mul3A_159 = arith.constant 2 : i32
        %mul3A_160 = vector.broadcast %mul3A_159 : i32 to vector<16xi32>
        %mul3A_161 = arith.muli %get3A_158, %mul3A_160 : vector<16xi32>
        %add3A_162 = vector.broadcast %arg0 : i32 to vector<16xi32>
        %add3A_163 = arith.addi %mul3A_161, %add3A_162 : vector<16xi32>
        %swap3A_164 = arith.index_cast %scan3A_99 : i32 to index
        %swap3A_165 = arith.constant 64 : index
        %swap3A_166 = tpu.vector_load %arg7[%swap3A_164, %swap3A_165] {strides = array<i32>} : memref<25x80xi32, #tpu.memory_space<vmem>>, vector<1x16xi32>,
        %swap3A_167 = vector.shape_cast %swap3A_166 : vector<1x16xi32> to vector<16xi32>
        %swap3A_168 = vector.shape_cast %add3A_163 : vector<16xi32> to vector<1x16xi32>
        tpu.vector_store %arg7[%swap3A_164, %swap3A_165], %swap3A_168 {strides = array<i32>} : memref<25x80xi32, #tpu.memory_space<vmem>>, vector<1x16xi32>,
        %scan3A_169 = arith.constant 0 : i32
        scf.yield %scan3A_169 : i32
      }
      %scan3A_79 = arith.constant 25 : i32
      %scan3A_80 = arith.constant 0 : i32
      %scan3A_81 = arith.constant 0 : i32
      %scan3A_82 = arith.constant 25 : i32
      %scan3A_83 = arith.addi %scan3A_81, %scan3A_82 : i32
      %scan3A_84 = arith.constant 1 : i32
      %scan3A_85 = scf.for %scan3A_99 = %scan3A_81 to %scan3A_83 step %scan3A_84 iter_args(%scan3A_100 = %scan3A_80) -> (i32)  : i32 {
        %jit3A = arith.constant 2 : i32
        %eq3A = arith.constant 0 : i32
        %eq3A_101 = arith.cmpi eq, %jit3A, %eq3A : i32
        %jit3A_102 = arith.constant 1 : i32
        %select_n3A = arith.select %eq3A_101, %jit3A_102, %jit3A : i32
        %rem3A = arith.remsi %scan3A_99, %select_n3A : i32
        %ne3A = arith.constant 0 : i32
        %ne3A_103 = arith.cmpi ne, %rem3A, %ne3A : i32
        %lt3A = arith.constant 0 : i32
        %lt3A_104 = arith.cmpi slt, %rem3A, %lt3A : i32
        %lt3A_105 = arith.constant 0 : i32
        %lt3A_106 = arith.cmpi slt, %select_n3A, %lt3A_105 : i32
        %ne3A_107 = arith.xori %lt3A_104, %lt3A_106 : i1
        %and3A = arith.andi %ne3A_107, %ne3A_103 : i1
        %add3A_108 = arith.addi %rem3A, %select_n3A : i32
        %select_n3A_109 = arith.select %and3A, %add3A_108, %rem3A : i32
        %eq3A_110 = arith.constant 0 : i32
        %eq3A_111 = arith.cmpi eq, %select_n3A_109, %eq3A_110 : i32
        %eq3A_112 = arith.constant 0 : i32
        %eq3A_113 = arith.cmpi eq, %scan3A_99, %eq3A_112 : i32
        %convert_element_type3A = arith.extui %eq3A_113 : i1 to i32
        %cond3A = arith.constant 0 : i32
        %cond3A_114 = arith.cmpi ne, %convert_element_type3A, %cond3A : i32
        scf.if %cond3A_114 {
          %dma_start3A = arith.constant 0 : i32
          %dma_start3A_123 = tpu.memref_slice %arg7[%scan3A_99, %dma_start3A] : memref<25x80xi32, #tpu.memory_space<vmem>> -> memref<1x80xi32, #tpu.memory_space<vmem>>
          %dma_start3A_124 = tpu.memref_squeeze %dma_start3A_123 : memref<1x80xi32, #tpu.memory_space<vmem>> -> memref<80xi32, #tpu.memory_space<vmem>>
          %dma_start3A_125 = arith.constant 0 : i32
          %dma_start3A_126 = arith.constant 0 : i32
          %dma_start3A_127 = tpu.memref_slice %arg2[%dma_start3A_125, %dma_start3A_126] : memref<20000x128xf32, #tpu.memory_space<hbm>> -> memref<20000x128xf32, #tpu.memory_space<hbm>>
          tpu.enqueue_indirect_dma source(%dma_start3A_127 : memref<20000x128xf32, #tpu.memory_space<hbm>>) target(%arg9 : memref<80x128xf32, #tpu.memory_space<vmem>>) offsets(%dma_start3A_124 : memref<80xi32, #tpu.memory_space<vmem>>) semaphore(%arg12 : memref<!tpu.dma_semaphore, #tpu.memory_space<semaphore_mem>>)
        } else {
        }
        %convert_element_type3A_115 = arith.extui %eq3A_111 : i1 to i32
        %cond3A_116 = arith.constant 0 : i32
        %cond3A_117 = arith.cmpi ne, %convert_element_type3A_115, %cond3A_116 : i32
        scf.if %cond3A_117 {
          %dma_wait3A_123 = arith.constant 0 : i32
          %dma_wait3A_124 = arith.constant 0 : i32
          %dma_wait3A_125 = tpu.memref_slice %arg2[%dma_wait3A_123, %dma_wait3A_124] : memref<20000x128xf32, #tpu.memory_space<hbm>> -> memref<80x128xf32, #tpu.memory_space<hbm>>
          %dma_wait3A_126 = arith.constant 0 : i32
          %dma_wait3A_127 = arith.constant 0 : i32
          %dma_wait3A_128 = tpu.memref_slice %arg2[%dma_wait3A_126, %dma_wait3A_127] : memref<20000x128xf32, #tpu.memory_space<hbm>> -> memref<80x128xf32, #tpu.memory_space<hbm>>
          tpu.wait_dma2 semaphore(%arg12 : memref<!tpu.dma_semaphore, #tpu.memory_space<semaphore_mem>>) src(%dma_wait3A_128 : memref<80x128xf32, #tpu.memory_space<hbm>>) dst(%arg9 : memref<80x128xf32, #tpu.memory_space<vmem>>)
          %dma_start3A = arith.constant 0 : i32
          %dma_start3A_129 = tpu.memref_slice %arg8[%scan3A_99, %dma_start3A] : memref<25x80xi32, #tpu.memory_space<vmem>> -> memref<1x80xi32, #tpu.memory_space<vmem>>
          %dma_start3A_130 = tpu.memref_squeeze %dma_start3A_129 : memref<1x80xi32, #tpu.memory_space<vmem>> -> memref<80xi32, #tpu.memory_space<vmem>>
          %dma_start3A_131 = arith.constant 0 : i32
          %dma_start3A_132 = arith.constant 0 : i32
          %dma_start3A_133 = tpu.memref_slice %arg11[%dma_start3A_131, %dma_start3A_132] : memref<10000x128xf32, #tpu.memory_space<vmem_shared>> -> memref<10000x128xf32, #tpu.memory_space<vmem_shared>>
          tpu.enqueue_indirect_dma source(%arg9 : memref<80x128xf32, #tpu.memory_space<vmem>>) target(%dma_start3A_133 : memref<10000x128xf32, #tpu.memory_space<vmem_shared>>) offsets(%dma_start3A_130 : memref<80xi32, #tpu.memory_space<vmem>>) semaphore(%arg14 : memref<!tpu.dma_semaphore, #tpu.memory_space<semaphore_mem>>) {add = true}
          %add3A_134 = arith.constant 1 : i32
          %add3A_135 = arith.addi %scan3A_99, %add3A_134 : i32
          %lt3A_136 = arith.constant 25 : i32
          %lt3A_137 = arith.cmpi slt, %add3A_135, %lt3A_136 : i32
          %convert_element_type3A_138 = arith.extui %lt3A_137 : i1 to i32
          %cond3A_139 = arith.constant 0 : i32
          %cond3A_140 = arith.cmpi ne, %convert_element_type3A_138, %cond3A_139 : i32
          scf.if %cond3A_140 {
            %ge3A = arith.constant 1 : i32
            %ge3A_141 = arith.cmpi sge, %scan3A_99, %ge3A : i32
            %convert_element_type3A_142 = arith.extui %ge3A_141 : i1 to i32
            %cond3A_143 = arith.constant 0 : i32
            %cond3A_144 = arith.cmpi ne, %convert_element_type3A_142, %cond3A_143 : i32
            scf.if %cond3A_144 {
              %dma_wait3A_153 = arith.constant 0 : i32
              %dma_wait3A_154 = arith.constant 0 : i32
              %dma_wait3A_155 = tpu.memref_slice %arg11[%dma_wait3A_153, %dma_wait3A_154] : memref<10000x128xf32, #tpu.memory_space<vmem_shared>> -> memref<80x128xf32, #tpu.memory_space<vmem_shared>>
              %dma_wait3A_156 = arith.constant 0 : i32
              %dma_wait3A_157 = arith.constant 0 : i32
              %dma_wait3A_158 = tpu.memref_slice %arg11[%dma_wait3A_156, %dma_wait3A_157] : memref<10000x128xf32, #tpu.memory_space<vmem_shared>> -> memref<80x128xf32, #tpu.memory_space<vmem_shared>>
              tpu.wait_dma2 semaphore(%arg15 : memref<!tpu.dma_semaphore, #tpu.memory_space<semaphore_mem>>) src(%arg10 : memref<80x128xf32, #tpu.memory_space<vmem>>) dst(%dma_wait3A_158 : memref<80x128xf32, #tpu.memory_space<vmem_shared>>)
            } else {
            }
            %add3A_145 = arith.constant 1 : i32
            %add3A_146 = arith.addi %scan3A_99, %add3A_145 : i32
            %dma_start3A_147 = arith.constant 0 : i32
            %dma_start3A_148 = tpu.memref_slice %arg7[%add3A_146, %dma_start3A_147] : memref<25x80xi32, #tpu.memory_space<vmem>> -> memref<1x80xi32, #tpu.memory_space<vmem>>
            %dma_start3A_149 = tpu.memref_squeeze %dma_start3A_148 : memref<1x80xi32, #tpu.memory_space<vmem>> -> memref<80xi32, #tpu.memory_space<vmem>>
            %dma_start3A_150 = arith.constant 0 : i32
            %dma_start3A_151 = arith.constant 0 : i32
            %dma_start3A_152 = tpu.memref_slice %arg2[%dma_start3A_150, %dma_start3A_151] : memref<20000x128xf32, #tpu.memory_space<hbm>> -> memref<20000x128xf32, #tpu.memory_space<hbm>>
            tpu.enqueue_indirect_dma source(%dma_start3A_152 : memref<20000x128xf32, #tpu.memory_space<hbm>>) target(%arg10 : memref<80x128xf32, #tpu.memory_space<vmem>>) offsets(%dma_start3A_149 : memref<80xi32, #tpu.memory_space<vmem>>) semaphore(%arg13 : memref<!tpu.dma_semaphore, #tpu.memory_space<semaphore_mem>>)
          } else {
          }
        } else {
        }
        %not3A = arith.constant true
        %not3A_118 = arith.xori %eq3A_111, %not3A : i1
        %convert_element_type3A_119 = arith.extui %not3A_118 : i1 to i32
        %cond3A_120 = arith.constant 0 : i32
        %cond3A_121 = arith.cmpi ne, %convert_element_type3A_119, %cond3A_120 : i32
        scf.if %cond3A_121 {
          %dma_wait3A_123 = arith.constant 0 : i32
          %dma_wait3A_124 = arith.constant 0 : i32
          %dma_wait3A_125 = tpu.memref_slice %arg2[%dma_wait3A_123, %dma_wait3A_124] : memref<20000x128xf32, #tpu.memory_space<hbm>> -> memref<80x128xf32, #tpu.memory_space<hbm>>
          %dma_wait3A_126 = arith.constant 0 : i32
          %dma_wait3A_127 = arith.constant 0 : i32
          %dma_wait3A_128 = tpu.memref_slice %arg2[%dma_wait3A_126, %dma_wait3A_127] : memref<20000x128xf32, #tpu.memory_space<hbm>> -> memref<80x128xf32, #tpu.memory_space<hbm>>
          tpu.wait_dma2 semaphore(%arg13 : memref<!tpu.dma_semaphore, #tpu.memory_space<semaphore_mem>>) src(%dma_wait3A_128 : memref<80x128xf32, #tpu.memory_space<hbm>>) dst(%arg10 : memref<80x128xf32, #tpu.memory_space<vmem>>)
          %dma_start3A = arith.constant 0 : i32
          %dma_start3A_129 = tpu.memref_slice %arg8[%scan3A_99, %dma_start3A] : memref<25x80xi32, #tpu.memory_space<vmem>> -> memref<1x80xi32, #tpu.memory_space<vmem>>
          %dma_start3A_130 = tpu.memref_squeeze %dma_start3A_129 : memref<1x80xi32, #tpu.memory_space<vmem>> -> memref<80xi32, #tpu.memory_space<vmem>>
          %dma_start3A_131 = arith.constant 0 : i32
          %dma_start3A_132 = arith.constant 0 : i32
          %dma_start3A_133 = tpu.memref_slice %arg11[%dma_start3A_131, %dma_start3A_132] : memref<10000x128xf32, #tpu.memory_space<vmem_shared>> -> memref<10000x128xf32, #tpu.memory_space<vmem_shared>>
          tpu.enqueue_indirect_dma source(%arg10 : memref<80x128xf32, #tpu.memory_space<vmem>>) target(%dma_start3A_133 : memref<10000x128xf32, #tpu.memory_space<vmem_shared>>) offsets(%dma_start3A_130 : memref<80xi32, #tpu.memory_space<vmem>>) semaphore(%arg15 : memref<!tpu.dma_semaphore, #tpu.memory_space<semaphore_mem>>) {add = true}
          %add3A_134 = arith.constant 1 : i32
          %add3A_135 = arith.addi %scan3A_99, %add3A_134 : i32
          %lt3A_136 = arith.constant 25 : i32
          %lt3A_137 = arith.cmpi slt, %add3A_135, %lt3A_136 : i32
          %convert_element_type3A_138 = arith.extui %lt3A_137 : i1 to i32
          %cond3A_139 = arith.constant 0 : i32
          %cond3A_140 = arith.cmpi ne, %convert_element_type3A_138, %cond3A_139 : i32
          scf.if %cond3A_140 {
            %dma_wait3A_141 = arith.constant 0 : i32
            %dma_wait3A_142 = arith.constant 0 : i32
            %dma_wait3A_143 = tpu.memref_slice %arg11[%dma_wait3A_141, %dma_wait3A_142] : memref<10000x128xf32, #tpu.memory_space<vmem_shared>> -> memref<80x128xf32, #tpu.memory_space<vmem_shared>>
            %dma_wait3A_144 = arith.constant 0 : i32
            %dma_wait3A_145 = arith.constant 0 : i32
            %dma_wait3A_146 = tpu.memref_slice %arg11[%dma_wait3A_144, %dma_wait3A_145] : memref<10000x128xf32, #tpu.memory_space<vmem_shared>> -> memref<80x128xf32, #tpu.memory_space<vmem_shared>>
            tpu.wait_dma2 semaphore(%arg14 : memref<!tpu.dma_semaphore, #tpu.memory_space<semaphore_mem>>) src(%arg9 : memref<80x128xf32, #tpu.memory_space<vmem>>) dst(%dma_wait3A_146 : memref<80x128xf32, #tpu.memory_space<vmem_shared>>)
            %add3A_147 = arith.constant 1 : i32
            %add3A_148 = arith.addi %scan3A_99, %add3A_147 : i32
            %dma_start3A_149 = arith.constant 0 : i32
            %dma_start3A_150 = tpu.memref_slice %arg7[%add3A_148, %dma_start3A_149] : memref<25x80xi32, #tpu.memory_space<vmem>> -> memref<1x80xi32, #tpu.memory_space<vmem>>
            %dma_start3A_151 = tpu.memref_squeeze %dma_start3A_150 : memref<1x80xi32, #tpu.memory_space<vmem>> -> memref<80xi32, #tpu.memory_space<vmem>>
            %dma_start3A_152 = arith.constant 0 : i32
            %dma_start3A_153 = arith.constant 0 : i32
            %dma_start3A_154 = tpu.memref_slice %arg2[%dma_start3A_152, %dma_start3A_153] : memref<20000x128xf32, #tpu.memory_space<hbm>> -> memref<20000x128xf32, #tpu.memory_space<hbm>>
            tpu.enqueue_indirect_dma source(%dma_start3A_154 : memref<20000x128xf32, #tpu.memory_space<hbm>>) target(%arg9 : memref<80x128xf32, #tpu.memory_space<vmem>>) offsets(%dma_start3A_151 : memref<80xi32, #tpu.memory_space<vmem>>) semaphore(%arg12 : memref<!tpu.dma_semaphore, #tpu.memory_space<semaphore_mem>>)
          } else {
          }
        } else {
        }
        %scan3A_122 = arith.constant 0 : i32
        scf.yield %scan3A_122 : i32
      }
      %scan3A_86 = arith.constant 25 : i32
      %dma_wait3A = arith.constant 0 : i32
      %dma_wait3A_87 = arith.constant 0 : i32
      %dma_wait3A_88 = tpu.memref_slice %arg11[%dma_wait3A, %dma_wait3A_87] : memref<10000x128xf32, #tpu.memory_space<vmem_shared>> -> memref<80x128xf32, #tpu.memory_space<vmem_shared>>
      %dma_wait3A_89 = arith.constant 0 : i32
      %dma_wait3A_90 = arith.constant 0 : i32
      %dma_wait3A_91 = tpu.memref_slice %arg11[%dma_wait3A_89, %dma_wait3A_90] : memref<10000x128xf32, #tpu.memory_space<vmem_shared>> -> memref<80x128xf32, #tpu.memory_space<vmem_shared>>
      tpu.wait_dma2 semaphore(%arg14 : memref<!tpu.dma_semaphore, #tpu.memory_space<semaphore_mem>>) src(%arg9 : memref<80x128xf32, #tpu.memory_space<vmem>>) dst(%dma_wait3A_91 : memref<80x128xf32, #tpu.memory_space<vmem_shared>>)
      %dma_wait3A_92 = arith.constant 0 : i32
      %dma_wait3A_93 = arith.constant 0 : i32
      %dma_wait3A_94 = tpu.memref_slice %arg11[%dma_wait3A_92, %dma_wait3A_93] : memref<10000x128xf32, #tpu.memory_space<vmem_shared>> -> memref<80x128xf32, #tpu.memory_space<vmem_shared>>
      %dma_wait3A_95 = arith.constant 0 : i32
      %dma_wait3A_96 = arith.constant 0 : i32
      %dma_wait3A_97 = tpu.memref_slice %arg11[%dma_wait3A_95, %dma_wait3A_96] : memref<10000x128xf32, #tpu.memory_space<vmem_shared>> -> memref<80x128xf32, #tpu.memory_space<vmem_shared>>
      tpu.wait_dma2 semaphore(%arg15 : memref<!tpu.dma_semaphore, #tpu.memory_space<semaphore_mem>>) src(%arg10 : memref<80x128xf32, #tpu.memory_space<vmem>>) dst(%dma_wait3A_97 : memref<80x128xf32, #tpu.memory_space<vmem_shared>>)
      %scan3A_98 = arith.constant 0 : i32
      scf.yield %scan3A_98 : i32
    }
    %scan3A_24 = arith.constant 5 : i32
    %barrier3A_25 = arith.constant 0 : index
    tpu.barrier barrier_id(%barrier3A_25)
    %mul3A_26 = arith.constant 625 : i32
    %mul3A_27 = arith.muli %arg1, %mul3A_26 : i32
    %mul3A_28 = arith.constant 16 : i32
    %mul3A_29 = arith.muli %arg0, %mul3A_28 : i32
    %add3A_30 = arith.addi %mul3A_29, %arg1 : i32
    "tpu.region"() ({
      %run_scoped3A = tpu.sem_alloc : memref<!tpu.dma_semaphore, #tpu.memory_space<semaphore_mem>>
      %dma_start3A = arith.constant 0 : i32
      %dma_start3A_71 = arith.constant 0 : i32
      %dma_start3A_72 = tpu.memref_slice %arg5[%add3A_30, %dma_start3A, %dma_start3A_71] : memref<32x625x128xf32, #tpu.memory_space<hbm>> -> memref<1x625x128xf32, #tpu.memory_space<hbm>>
      %dma_start3A_73 = tpu.memref_squeeze %dma_start3A_72 : memref<1x625x128xf32, #tpu.memory_space<hbm>> -> memref<625x128xf32, #tpu.memory_space<hbm>>
      %dma_start3A_74 = arith.constant 0 : i32
      %dma_start3A_75 = tpu.memref_slice %arg11[%mul3A_27, %dma_start3A_74] : memref<10000x128xf32, #tpu.memory_space<vmem_shared>> -> memref<625x128xf32, #tpu.memory_space<vmem_shared>>
      tpu.enqueue_dma source(%dma_start3A_75 : memref<625x128xf32, #tpu.memory_space<vmem_shared>>) target(%dma_start3A_73 : memref<625x128xf32, #tpu.memory_space<hbm>>) target_semaphore(%run_scoped3A : memref<!tpu.dma_semaphore, #tpu.memory_space<semaphore_mem>>)
      %dma_wait3A = arith.constant 0 : i32
      %dma_wait3A_76 = arith.constant 0 : i32
      %dma_wait3A_77 = tpu.memref_slice %arg5[%add3A_30, %dma_wait3A, %dma_wait3A_76] : memref<32x625x128xf32, #tpu.memory_space<hbm>> -> memref<1x625x128xf32, #tpu.memory_space<hbm>>
      %dma_wait3A_78 = tpu.memref_squeeze %dma_wait3A_77 : memref<1x625x128xf32, #tpu.memory_space<hbm>> -> memref<625x128xf32, #tpu.memory_space<hbm>>
      %dma_wait3A_79 = arith.constant 0 : i32
      %dma_wait3A_80 = tpu.memref_slice %arg11[%mul3A_27, %dma_wait3A_79] : memref<10000x128xf32, #tpu.memory_space<vmem_shared>> -> memref<625x128xf32, #tpu.memory_space<vmem_shared>>
      tpu.wait_dma2 semaphore(%run_scoped3A : memref<!tpu.dma_semaphore, #tpu.memory_space<semaphore_mem>>) src(%dma_wait3A_80 : memref<625x128xf32, #tpu.memory_space<vmem_shared>>) dst(%dma_wait3A_78 : memref<625x128xf32, #tpu.memory_space<hbm>>)
      tpu.yield
    }) : () -> ()
    %barrier3A_31 = arith.constant 0 : index
    tpu.barrier barrier_id(%barrier3A_31)
    %scan3A_32 = arith.constant 0 : i32
    %scan3A_33 = arith.constant 0 : i32
    %scan3A_34 = arith.constant 80 : i32
    %scan3A_35 = arith.addi %scan3A_33, %scan3A_34 : i32
    %scan3A_36 = arith.constant 1 : i32
    %scan3A_37 = scf.for %scan3A_71 = %scan3A_33 to %scan3A_35 step %scan3A_36 iter_args(%scan3A_72 = %scan3A_32) -> (i32)  : i32 {
      %swap3A = arith.index_cast %scan3A_71 : i32 to index
      %swap3A_73 = arith.constant 0 : index
      %swap3A_74 = tpu.vector_load %arg9[%swap3A, %swap3A_73] {strides = array<i32>} : memref<80x128xf32, #tpu.memory_space<vmem>>, vector<1x16xf32>,
      %swap3A_75 = vector.shape_cast %swap3A_74 : vector<1x16xf32> to vector<16xf32>
      %swap3A_76 = vector.shape_cast %broadcast_in_dim3A_0 : vector<16xf32> to vector<1x16xf32>
      tpu.vector_store %arg9[%swap3A, %swap3A_73], %swap3A_76 {strides = array<i32>} : memref<80x128xf32, #tpu.memory_space<vmem>>, vector<1x16xf32>,
      %swap3A_77 = arith.index_cast %scan3A_71 : i32 to index
      %swap3A_78 = arith.constant 16 : index
      %swap3A_79 = tpu.vector_load %arg9[%swap3A_77, %swap3A_78] {strides = array<i32>} : memref<80x128xf32, #tpu.memory_space<vmem>>, vector<1x16xf32>,
      %swap3A_80 = vector.shape_cast %swap3A_79 : vector<1x16xf32> to vector<16xf32>
      %swap3A_81 = vector.shape_cast %broadcast_in_dim3A_0 : vector<16xf32> to vector<1x16xf32>
      tpu.vector_store %arg9[%swap3A_77, %swap3A_78], %swap3A_81 {strides = array<i32>} : memref<80x128xf32, #tpu.memory_space<vmem>>, vector<1x16xf32>,
      %swap3A_82 = arith.index_cast %scan3A_71 : i32 to index
      %swap3A_83 = arith.constant 32 : index
      %swap3A_84 = tpu.vector_load %arg9[%swap3A_82, %swap3A_83] {strides = array<i32>} : memref<80x128xf32, #tpu.memory_space<vmem>>, vector<1x16xf32>,
      %swap3A_85 = vector.shape_cast %swap3A_84 : vector<1x16xf32> to vector<16xf32>
      %swap3A_86 = vector.shape_cast %broadcast_in_dim3A_0 : vector<16xf32> to vector<1x16xf32>
      tpu.vector_store %arg9[%swap3A_82, %swap3A_83], %swap3A_86 {strides = array<i32>} : memref<80x128xf32, #tpu.memory_space<vmem>>, vector<1x16xf32>,
      %swap3A_87 = arith.index_cast %scan3A_71 : i32 to index
      %swap3A_88 = arith.constant 48 : index
      %swap3A_89 = tpu.vector_load %arg9[%swap3A_87, %swap3A_88] {strides = array<i32>} : memref<80x128xf32, #tpu.memory_space<vmem>>, vector<1x16xf32>,
      %swap3A_90 = vector.shape_cast %swap3A_89 : vector<1x16xf32> to vector<16xf32>
      %swap3A_91 = vector.shape_cast %broadcast_in_dim3A_0 : vector<16xf32> to vector<1x16xf32>
      tpu.vector_store %arg9[%swap3A_87, %swap3A_88], %swap3A_91 {strides = array<i32>} : memref<80x128xf32, #tpu.memory_space<vmem>>, vector<1x16xf32>,
      %swap3A_92 = arith.index_cast %scan3A_71 : i32 to index
      %swap3A_93 = arith.constant 64 : index
      %swap3A_94 = tpu.vector_load %arg9[%swap3A_92, %swap3A_93] {strides = array<i32>} : memref<80x128xf32, #tpu.memory_space<vmem>>, vector<1x16xf32>,
      %swap3A_95 = vector.shape_cast %swap3A_94 : vector<1x16xf32> to vector<16xf32>
      %swap3A_96 = vector.shape_cast %broadcast_in_dim3A_0 : vector<16xf32> to vector<1x16xf32>
      tpu.vector_store %arg9[%swap3A_92, %swap3A_93], %swap3A_96 {strides = array<i32>} : memref<80x128xf32, #tpu.memory_space<vmem>>, vector<1x16xf32>,
      %swap3A_97 = arith.index_cast %scan3A_71 : i32 to index
      %swap3A_98 = arith.constant 80 : index
      %swap3A_99 = tpu.vector_load %arg9[%swap3A_97, %swap3A_98] {strides = array<i32>} : memref<80x128xf32, #tpu.memory_space<vmem>>, vector<1x16xf32>,
      %swap3A_100 = vector.shape_cast %swap3A_99 : vector<1x16xf32> to vector<16xf32>
      %swap3A_101 = vector.shape_cast %broadcast_in_dim3A_0 : vector<16xf32> to vector<1x16xf32>
      tpu.vector_store %arg9[%swap3A_97, %swap3A_98], %swap3A_101 {strides = array<i32>} : memref<80x128xf32, #tpu.memory_space<vmem>>, vector<1x16xf32>,
      %swap3A_102 = arith.index_cast %scan3A_71 : i32 to index
      %swap3A_103 = arith.constant 96 : index
      %swap3A_104 = tpu.vector_load %arg9[%swap3A_102, %swap3A_103] {strides = array<i32>} : memref<80x128xf32, #tpu.memory_space<vmem>>, vector<1x16xf32>,
      %swap3A_105 = vector.shape_cast %swap3A_104 : vector<1x16xf32> to vector<16xf32>
      %swap3A_106 = vector.shape_cast %broadcast_in_dim3A_0 : vector<16xf32> to vector<1x16xf32>
      tpu.vector_store %arg9[%swap3A_102, %swap3A_103], %swap3A_106 {strides = array<i32>} : memref<80x128xf32, #tpu.memory_space<vmem>>, vector<1x16xf32>,
      %swap3A_107 = arith.index_cast %scan3A_71 : i32 to index
      %swap3A_108 = arith.constant 112 : index
      %swap3A_109 = tpu.vector_load %arg9[%swap3A_107, %swap3A_108] {strides = array<i32>} : memref<80x128xf32, #tpu.memory_space<vmem>>, vector<1x16xf32>,
      %swap3A_110 = vector.shape_cast %swap3A_109 : vector<1x16xf32> to vector<16xf32>
      %swap3A_111 = vector.shape_cast %broadcast_in_dim3A_0 : vector<16xf32> to vector<1x16xf32>
      tpu.vector_store %arg9[%swap3A_107, %swap3A_108], %swap3A_111 {strides = array<i32>} : memref<80x128xf32, #tpu.memory_space<vmem>>, vector<1x16xf32>,
      %scan3A_112 = arith.constant 0 : i32
      scf.yield %scan3A_112 : i32
    }
    %scan3A_38 = arith.constant 80 : i32
    %scan3A_39 = arith.constant 0 : i32
    %scan3A_40 = arith.constant 0 : i32
    %scan3A_41 = arith.constant 7 : i32
    %scan3A_42 = arith.addi %scan3A_40, %scan3A_41 : i32
    %scan3A_43 = arith.constant 1 : i32
    %scan3A_44 = scf.for %scan3A_71 = %scan3A_40 to %scan3A_42 step %scan3A_43 iter_args(%scan3A_72 = %scan3A_39) -> (i32)  : i32 {
      %mul3A_73 = arith.constant 625 : i32
      %mul3A_74 = arith.muli %arg1, %mul3A_73 : i32
      %mul3A_75 = arith.constant 80 : i32
      %mul3A_76 = arith.muli %scan3A_71, %mul3A_75 : i32
      %add3A_77 = arith.addi %mul3A_74, %mul3A_76 : i32
      "tpu.region"() ({
        %run_scoped3A = tpu.sem_alloc : memref<!tpu.dma_semaphore, #tpu.memory_space<semaphore_mem>>
        %dma_start3A = arith.constant 0 : i32
        %dma_start3A_79 = tpu.memref_slice %arg11[%add3A_77, %dma_start3A] : memref<10000x128xf32, #tpu.memory_space<vmem_shared>> -> memref<80x128xf32, #tpu.memory_space<vmem_shared>>
        %dma_start3A_80 = arith.constant 0 : i32
        %dma_start3A_81 = tpu.memref_slice %arg11[%add3A_77, %dma_start3A_80] : memref<10000x128xf32, #tpu.memory_space<vmem_shared>> -> memref<80x128xf32, #tpu.memory_space<vmem_shared>>
        tpu.enqueue_dma source(%arg9 : memref<80x128xf32, #tpu.memory_space<vmem>>) target(%dma_start3A_81 : memref<80x128xf32, #tpu.memory_space<vmem_shared>>) target_semaphore(%run_scoped3A : memref<!tpu.dma_semaphore, #tpu.memory_space<semaphore_mem>>)
        %dma_wait3A = arith.constant 0 : i32
        %dma_wait3A_82 = tpu.memref_slice %arg11[%add3A_77, %dma_wait3A] : memref<10000x128xf32, #tpu.memory_space<vmem_shared>> -> memref<80x128xf32, #tpu.memory_space<vmem_shared>>
        %dma_wait3A_83 = arith.constant 0 : i32
        %dma_wait3A_84 = tpu.memref_slice %arg11[%add3A_77, %dma_wait3A_83] : memref<10000x128xf32, #tpu.memory_space<vmem_shared>> -> memref<80x128xf32, #tpu.memory_space<vmem_shared>>
        tpu.wait_dma2 semaphore(%run_scoped3A : memref<!tpu.dma_semaphore, #tpu.memory_space<semaphore_mem>>) src(%arg9 : memref<80x128xf32, #tpu.memory_space<vmem>>) dst(%dma_wait3A_84 : memref<80x128xf32, #tpu.memory_space<vmem_shared>>)
        tpu.yield
      }) : () -> ()
      %scan3A_78 = arith.constant 0 : i32
      scf.yield %scan3A_78 : i32
    }
    %scan3A_45 = arith.constant 7 : i32
    %mul3A_46 = arith.constant 625 : i32
    %mul3A_47 = arith.muli %arg1, %mul3A_46 : i32
    %add3A_48 = arith.constant 560 : i32
    %add3A_49 = arith.addi %mul3A_47, %add3A_48 : i32
    "tpu.region"() ({
      %run_scoped3A = tpu.sem_alloc : memref<!tpu.dma_semaphore, #tpu.memory_space<semaphore_mem>>
      %dma_start3A = arith.constant 0 : i32
      %dma_start3A_71 = arith.constant 0 : i32
      %dma_start3A_72 = tpu.memref_slice %arg9[%dma_start3A, %dma_start3A_71] : memref<80x128xf32, #tpu.memory_space<vmem>> -> memref<65x128xf32, #tpu.memory_space<vmem>>
      %dma_start3A_73 = arith.constant 0 : i32
      %dma_start3A_74 = tpu.memref_slice %arg11[%add3A_49, %dma_start3A_73] : memref<10000x128xf32, #tpu.memory_space<vmem_shared>> -> memref<65x128xf32, #tpu.memory_space<vmem_shared>>
      %dma_start3A_75 = arith.constant 0 : i32
      %dma_start3A_76 = tpu.memref_slice %arg11[%add3A_49, %dma_start3A_75] : memref<10000x128xf32, #tpu.memory_space<vmem_shared>> -> memref<65x128xf32, #tpu.memory_space<vmem_shared>>
      %dma_start3A_77 = arith.constant 0 : i32
      %dma_start3A_78 = arith.constant 0 : i32
      %dma_start3A_79 = tpu.memref_slice %arg9[%dma_start3A_77, %dma_start3A_78] : memref<80x128xf32, #tpu.memory_space<vmem>> -> memref<65x128xf32, #tpu.memory_space<vmem>>
      tpu.enqueue_dma source(%dma_start3A_79 : memref<65x128xf32, #tpu.memory_space<vmem>>) target(%dma_start3A_76 : memref<65x128xf32, #tpu.memory_space<vmem_shared>>) target_semaphore(%run_scoped3A : memref<!tpu.dma_semaphore, #tpu.memory_space<semaphore_mem>>)
      %dma_wait3A = arith.constant 0 : i32
      %dma_wait3A_80 = arith.constant 0 : i32
      %dma_wait3A_81 = tpu.memref_slice %arg9[%dma_wait3A, %dma_wait3A_80] : memref<80x128xf32, #tpu.memory_space<vmem>> -> memref<65x128xf32, #tpu.memory_space<vmem>>
      %dma_wait3A_82 = arith.constant 0 : i32
      %dma_wait3A_83 = tpu.memref_slice %arg11[%add3A_49, %dma_wait3A_82] : memref<10000x128xf32, #tpu.memory_space<vmem_shared>> -> memref<65x128xf32, #tpu.memory_space<vmem_shared>>
      %dma_wait3A_84 = arith.constant 0 : i32
      %dma_wait3A_85 = tpu.memref_slice %arg11[%add3A_49, %dma_wait3A_84] : memref<10000x128xf32, #tpu.memory_space<vmem_shared>> -> memref<65x128xf32, #tpu.memory_space<vmem_shared>>
      %dma_wait3A_86 = arith.constant 0 : i32
      %dma_wait3A_87 = arith.constant 0 : i32
      %dma_wait3A_88 = tpu.memref_slice %arg9[%dma_wait3A_86, %dma_wait3A_87] : memref<80x128xf32, #tpu.memory_space<vmem>> -> memref<65x128xf32, #tpu.memory_space<vmem>>
      tpu.wait_dma2 semaphore(%run_scoped3A : memref<!tpu.dma_semaphore, #tpu.memory_space<semaphore_mem>>) src(%dma_wait3A_88 : memref<65x128xf32, #tpu.memory_space<vmem>>) dst(%dma_wait3A_85 : memref<65x128xf32, #tpu.memory_space<vmem_shared>>)
      tpu.yield
    }) : () -> ()
    %scan3A_50 = arith.constant 0 : i32
    %scan3A_51 = arith.constant 0 : i32
    %scan3A_52 = arith.constant 80 : i32
    %scan3A_53 = arith.addi %scan3A_51, %scan3A_52 : i32
    %scan3A_54 = arith.constant 1 : i32
    %scan3A_55 = scf.for %scan3A_71 = %scan3A_51 to %scan3A_53 step %scan3A_54 iter_args(%scan3A_72 = %scan3A_50) -> (i32)  : i32 {
      %swap3A = arith.index_cast %scan3A_71 : i32 to index
      %swap3A_73 = arith.constant 0 : index
      %swap3A_74 = tpu.vector_load %arg9[%swap3A, %swap3A_73] {strides = array<i32>} : memref<80x128xf32, #tpu.memory_space<vmem>>, vector<1x16xf32>,
      %swap3A_75 = vector.shape_cast %swap3A_74 : vector<1x16xf32> to vector<16xf32>
      %swap3A_76 = vector.shape_cast %broadcast_in_dim3A_2 : vector<16xf32> to vector<1x16xf32>
      tpu.vector_store %arg9[%swap3A, %swap3A_73], %swap3A_76 {strides = array<i32>} : memref<80x128xf32, #tpu.memory_space<vmem>>, vector<1x16xf32>,
      %swap3A_77 = arith.index_cast %scan3A_71 : i32 to index
      %swap3A_78 = arith.constant 16 : index
      %swap3A_79 = tpu.vector_load %arg9[%swap3A_77, %swap3A_78] {strides = array<i32>} : memref<80x128xf32, #tpu.memory_space<vmem>>, vector<1x16xf32>,
      %swap3A_80 = vector.shape_cast %swap3A_79 : vector<1x16xf32> to vector<16xf32>
      %swap3A_81 = vector.shape_cast %broadcast_in_dim3A_2 : vector<16xf32> to vector<1x16xf32>
      tpu.vector_store %arg9[%swap3A_77, %swap3A_78], %swap3A_81 {strides = array<i32>} : memref<80x128xf32, #tpu.memory_space<vmem>>, vector<1x16xf32>,
      %swap3A_82 = arith.index_cast %scan3A_71 : i32 to index
      %swap3A_83 = arith.constant 32 : index
      %swap3A_84 = tpu.vector_load %arg9[%swap3A_82, %swap3A_83] {strides = array<i32>} : memref<80x128xf32, #tpu.memory_space<vmem>>, vector<1x16xf32>,
      %swap3A_85 = vector.shape_cast %swap3A_84 : vector<1x16xf32> to vector<16xf32>
      %swap3A_86 = vector.shape_cast %broadcast_in_dim3A_2 : vector<16xf32> to vector<1x16xf32>
      tpu.vector_store %arg9[%swap3A_82, %swap3A_83], %swap3A_86 {strides = array<i32>} : memref<80x128xf32, #tpu.memory_space<vmem>>, vector<1x16xf32>,
      %swap3A_87 = arith.index_cast %scan3A_71 : i32 to index
      %swap3A_88 = arith.constant 48 : index
      %swap3A_89 = tpu.vector_load %arg9[%swap3A_87, %swap3A_88] {strides = array<i32>} : memref<80x128xf32, #tpu.memory_space<vmem>>, vector<1x16xf32>,
      %swap3A_90 = vector.shape_cast %swap3A_89 : vector<1x16xf32> to vector<16xf32>
      %swap3A_91 = vector.shape_cast %broadcast_in_dim3A_2 : vector<16xf32> to vector<1x16xf32>
      tpu.vector_store %arg9[%swap3A_87, %swap3A_88], %swap3A_91 {strides = array<i32>} : memref<80x128xf32, #tpu.memory_space<vmem>>, vector<1x16xf32>,
      %swap3A_92 = arith.index_cast %scan3A_71 : i32 to index
      %swap3A_93 = arith.constant 64 : index
      %swap3A_94 = tpu.vector_load %arg9[%swap3A_92, %swap3A_93] {strides = array<i32>} : memref<80x128xf32, #tpu.memory_space<vmem>>, vector<1x16xf32>,
      %swap3A_95 = vector.shape_cast %swap3A_94 : vector<1x16xf32> to vector<16xf32>
      %swap3A_96 = vector.shape_cast %broadcast_in_dim3A_2 : vector<16xf32> to vector<1x16xf32>
      tpu.vector_store %arg9[%swap3A_92, %swap3A_93], %swap3A_96 {strides = array<i32>} : memref<80x128xf32, #tpu.memory_space<vmem>>, vector<1x16xf32>,
      %swap3A_97 = arith.index_cast %scan3A_71 : i32 to index
      %swap3A_98 = arith.constant 80 : index
      %swap3A_99 = tpu.vector_load %arg9[%swap3A_97, %swap3A_98] {strides = array<i32>} : memref<80x128xf32, #tpu.memory_space<vmem>>, vector<1x16xf32>,
      %swap3A_100 = vector.shape_cast %swap3A_99 : vector<1x16xf32> to vector<16xf32>
      %swap3A_101 = vector.shape_cast %broadcast_in_dim3A_2 : vector<16xf32> to vector<1x16xf32>
      tpu.vector_store %arg9[%swap3A_97, %swap3A_98], %swap3A_101 {strides = array<i32>} : memref<80x128xf32, #tpu.memory_space<vmem>>, vector<1x16xf32>,
      %swap3A_102 = arith.index_cast %scan3A_71 : i32 to index
      %swap3A_103 = arith.constant 96 : index
      %swap3A_104 = tpu.vector_load %arg9[%swap3A_102, %swap3A_103] {strides = array<i32>} : memref<80x128xf32, #tpu.memory_space<vmem>>, vector<1x16xf32>,
      %swap3A_105 = vector.shape_cast %swap3A_104 : vector<1x16xf32> to vector<16xf32>
      %swap3A_106 = vector.shape_cast %broadcast_in_dim3A_2 : vector<16xf32> to vector<1x16xf32>
      tpu.vector_store %arg9[%swap3A_102, %swap3A_103], %swap3A_106 {strides = array<i32>} : memref<80x128xf32, #tpu.memory_space<vmem>>, vector<1x16xf32>,
      %swap3A_107 = arith.index_cast %scan3A_71 : i32 to index
      %swap3A_108 = arith.constant 112 : index
      %swap3A_109 = tpu.vector_load %arg9[%swap3A_107, %swap3A_108] {strides = array<i32>} : memref<80x128xf32, #tpu.memory_space<vmem>>, vector<1x16xf32>,
      %swap3A_110 = vector.shape_cast %swap3A_109 : vector<1x16xf32> to vector<16xf32>
      %swap3A_111 = vector.shape_cast %broadcast_in_dim3A_2 : vector<16xf32> to vector<1x16xf32>
      tpu.vector_store %arg9[%swap3A_107, %swap3A_108], %swap3A_111 {strides = array<i32>} : memref<80x128xf32, #tpu.memory_space<vmem>>, vector<1x16xf32>,
      %scan3A_112 = arith.constant 0 : i32
      scf.yield %scan3A_112 : i32
    }
    %scan3A_56 = arith.constant 80 : i32
    %barrier3A_57 = arith.constant 0 : index
    tpu.barrier barrier_id(%barrier3A_57)
    %scan3A_58 = arith.constant 0 : i32
    %scan3A_59 = arith.constant 0 : i32
    %scan3A_60 = arith.constant 5 : i32
    %scan3A_61 = arith.addi %scan3A_59, %scan3A_60 : i32
    %scan3A_62 = arith.constant 1 : i32
    %scan3A_63 = scf.for %scan3A_71 = %scan3A_59 to %scan3A_61 step %scan3A_62 iter_args(%scan3A_72 = %scan3A_58) -> (i32)  : i32 {
      "tpu.region"() ({
        %run_scoped3A = tpu.sem_alloc : memref<!tpu.dma_semaphore, #tpu.memory_space<semaphore_mem>>
        %dma_start3A = arith.constant 0 : i32
        %dma_start3A_93 = arith.constant 0 : i32
        %dma_start3A_94 = tpu.memref_slice %arg4[%arg1, %scan3A_71, %dma_start3A, %dma_start3A_93] : memref<16x5x25x80xi32, #tpu.memory_space<hbm>> -> memref<1x1x25x80xi32, #tpu.memory_space<hbm>>
        %dma_start3A_95 = tpu.memref_squeeze %dma_start3A_94 : memref<1x1x25x80xi32, #tpu.memory_space<hbm>> -> memref<25x80xi32, #tpu.memory_space<hbm>>
        %dma_start3A_96 = arith.constant 0 : i32
        %dma_start3A_97 = arith.constant 0 : i32
        %dma_start3A_98 = tpu.memref_slice %arg4[%arg1, %scan3A_71, %dma_start3A_96, %dma_start3A_97] : memref<16x5x25x80xi32, #tpu.memory_space<hbm>> -> memref<1x1x25x80xi32, #tpu.memory_space<hbm>>
        %dma_start3A_99 = tpu.memref_squeeze %dma_start3A_98 : memref<1x1x25x80xi32, #tpu.memory_space<hbm>> -> memref<25x80xi32, #tpu.memory_space<hbm>>
        tpu.enqueue_dma source(%dma_start3A_99 : memref<25x80xi32, #tpu.memory_space<hbm>>) target(%arg8 : memref<25x80xi32, #tpu.memory_space<vmem>>) target_semaphore(%run_scoped3A : memref<!tpu.dma_semaphore, #tpu.memory_space<semaphore_mem>>)
        %dma_wait3A = arith.constant 0 : i32
        %dma_wait3A_100 = arith.constant 0 : i32
        %dma_wait3A_101 = tpu.memref_slice %arg4[%arg1, %scan3A_71, %dma_wait3A, %dma_wait3A_100] : memref<16x5x25x80xi32, #tpu.memory_space<hbm>> -> memref<1x1x25x80xi32, #tpu.memory_space<hbm>>
        %dma_wait3A_102 = tpu.memref_squeeze %dma_wait3A_101 : memref<1x1x25x80xi32, #tpu.memory_space<hbm>> -> memref<25x80xi32, #tpu.memory_space<hbm>>
        %dma_wait3A_103 = arith.constant 0 : i32
        %dma_wait3A_104 = arith.constant 0 : i32
        %dma_wait3A_105 = tpu.memref_slice %arg4[%arg1, %scan3A_71, %dma_wait3A_103, %dma_wait3A_104] : memref<16x5x25x80xi32, #tpu.memory_space<hbm>> -> memref<1x1x25x80xi32, #tpu.memory_space<hbm>>
        %dma_wait3A_106 = tpu.memref_squeeze %dma_wait3A_105 : memref<1x1x25x80xi32, #tpu.memory_space<hbm>> -> memref<25x80xi32, #tpu.memory_space<hbm>>
        tpu.wait_dma2 semaphore(%run_scoped3A : memref<!tpu.dma_semaphore, #tpu.memory_space<semaphore_mem>>) src(%dma_wait3A_106 : memref<25x80xi32, #tpu.memory_space<hbm>>) dst(%arg8 : memref<25x80xi32, #tpu.memory_space<vmem>>)
        tpu.yield
      }) : () -> ()
      %scan3A_73 = arith.constant 0 : i32
      %scan3A_74 = arith.constant 0 : i32
      %scan3A_75 = arith.constant 13 : i32
      %scan3A_76 = arith.addi %scan3A_74, %scan3A_75 : i32
      %scan3A_77 = arith.constant 1 : i32
      %scan3A_78 = scf.for %scan3A_93 = %scan3A_74 to %scan3A_76 step %scan3A_77 iter_args(%scan3A_94 = %scan3A_73) -> (i32)  : i32 {
        %mul3A_95 = arith.constant 2 : i32
        %mul3A_96 = arith.muli %mul3A_95, %scan3A_93 : i32
        %add3A_97 = arith.addi %mul3A_96, %arg0 : i32
        %lt3A = arith.constant 25 : i32
        %lt3A_98 = arith.cmpi slt, %add3A_97, %lt3A : i32
        %convert_element_type3A = arith.extui %lt3A_98 : i1 to i32
        %cond3A = arith.constant 0 : i32
        %cond3A_99 = arith.cmpi ne, %convert_element_type3A, %cond3A : i32
        scf.if %cond3A_99 {
          %dma_start3A = arith.constant 0 : i32
          %dma_start3A_101 = tpu.memref_slice %arg8[%add3A_97, %dma_start3A] : memref<25x80xi32, #tpu.memory_space<vmem>> -> memref<1x80xi32, #tpu.memory_space<vmem>>
          %dma_start3A_102 = tpu.memref_squeeze %dma_start3A_101 : memref<1x80xi32, #tpu.memory_space<vmem>> -> memref<80xi32, #tpu.memory_space<vmem>>
          %dma_start3A_103 = arith.constant 0 : i32
          %dma_start3A_104 = arith.constant 0 : i32
          %dma_start3A_105 = tpu.memref_slice %arg11[%dma_start3A_103, %dma_start3A_104] : memref<10000x128xf32, #tpu.memory_space<vmem_shared>> -> memref<10000x128xf32, #tpu.memory_space<vmem_shared>>
          tpu.enqueue_indirect_dma source(%arg9 : memref<80x128xf32, #tpu.memory_space<vmem>>) target(%dma_start3A_105 : memref<10000x128xf32, #tpu.memory_space<vmem_shared>>) offsets(%dma_start3A_102 : memref<80xi32, #tpu.memory_space<vmem>>) semaphore(%arg14 : memref<!tpu.dma_semaphore, #tpu.memory_space<semaphore_mem>>) {add = true}
        } else {
        }
        %scan3A_100 = arith.constant 0 : i32
        scf.yield %scan3A_100 : i32
      }
      %scan3A_79 = arith.constant 13 : i32
      %sub3A = arith.constant 13 : i32
      %sub3A_80 = arith.subi %sub3A, %arg0 : i32
      %while3A = arith.constant 0 : i32
      %while3A_81 = arith.constant 0 : i32
      %while3A_82 = arith.subi %sub3A_80, %while3A : i32
      %while3A_83 = arith.addi %while3A, %while3A_82 : i32
      %while3A_84 = arith.constant 1 : i32
      %while3A_85 = arith.divsi %while3A_82, %while3A_84 : i32
      %while3A_86 = arith.muli %while3A_85, %while3A_84 : i32
      %while3A_87 = arith.addi %while3A, %while3A_86 : i32
      %while3A_88 = arith.constant 1 : i32
      %while3A_89 = scf.for %while3A_93 = %while3A to %while3A_87 step %while3A_88 iter_args(%while3A_94 = %while3A_81) -> (i32)  : i32 {
        %dma_wait3A = arith.constant 0 : i32
        %dma_wait3A_95 = arith.constant 0 : i32
        %dma_wait3A_96 = tpu.memref_slice %arg11[%dma_wait3A, %dma_wait3A_95] : memref<10000x128xf32, #tpu.memory_space<vmem_shared>> -> memref<80x128xf32, #tpu.memory_space<vmem_shared>>
        %dma_wait3A_97 = arith.constant 0 : i32
        %dma_wait3A_98 = arith.constant 0 : i32
        %dma_wait3A_99 = tpu.memref_slice %arg11[%dma_wait3A_97, %dma_wait3A_98] : memref<10000x128xf32, #tpu.memory_space<vmem_shared>> -> memref<80x128xf32, #tpu.memory_space<vmem_shared>>
        tpu.wait_dma2 semaphore(%arg14 : memref<!tpu.dma_semaphore, #tpu.memory_space<semaphore_mem>>) src(%arg9 : memref<80x128xf32, #tpu.memory_space<vmem>>) dst(%dma_wait3A_99 : memref<80x128xf32, #tpu.memory_space<vmem_shared>>)
        %while3A_100 = arith.constant 0 : i32
        scf.yield %while3A_100 : i32
      }
      %while3A_90 = arith.constant 1 : i32
      %while3A_91 = scf.for %while3A_93 = %while3A_87 to %while3A_83 step %while3A_90 iter_args(%while3A_94 = %while3A_89) -> (i32)  : i32 {
        %dma_wait3A = arith.constant 0 : i32
        %dma_wait3A_95 = arith.constant 0 : i32
        %dma_wait3A_96 = tpu.memref_slice %arg11[%dma_wait3A, %dma_wait3A_95] : memref<10000x128xf32, #tpu.memory_space<vmem_shared>> -> memref<80x128xf32, #tpu.memory_space<vmem_shared>>
        %dma_wait3A_97 = arith.constant 0 : i32
        %dma_wait3A_98 = arith.constant 0 : i32
        %dma_wait3A_99 = tpu.memref_slice %arg11[%dma_wait3A_97, %dma_wait3A_98] : memref<10000x128xf32, #tpu.memory_space<vmem_shared>> -> memref<80x128xf32, #tpu.memory_space<vmem_shared>>
        tpu.wait_dma2 semaphore(%arg14 : memref<!tpu.dma_semaphore, #tpu.memory_space<semaphore_mem>>) src(%arg9 : memref<80x128xf32, #tpu.memory_space<vmem>>) dst(%dma_wait3A_99 : memref<80x128xf32, #tpu.memory_space<vmem_shared>>)
        %while3A_100 = arith.constant 0 : i32
        scf.yield %while3A_100 : i32
      }
      %scan3A_92 = arith.constant 0 : i32
      scf.yield %scan3A_92 : i32
    }
    %scan3A_64 = arith.constant 5 : i32
    %barrier3A_65 = arith.constant 0 : index
    tpu.barrier barrier_id(%barrier3A_65)
    %mul3A_66 = arith.constant 625 : i32
    %mul3A_67 = arith.muli %arg1, %mul3A_66 : i32
    %mul3A_68 = arith.constant 16 : i32
    %mul3A_69 = arith.muli %arg0, %mul3A_68 : i32
    %add3A_70 = arith.addi %mul3A_69, %arg1 : i32
    "tpu.region"() ({
      %run_scoped3A = tpu.sem_alloc : memref<!tpu.dma_semaphore, #tpu.memory_space<semaphore_mem>>
      %dma_start3A = arith.constant 0 : i32
      %dma_start3A_71 = arith.constant 0 : i32
      %dma_start3A_72 = tpu.memref_slice %arg6[%add3A_70, %dma_start3A, %dma_start3A_71] : memref<32x625x128xf32, #tpu.memory_space<hbm>> -> memref<1x625x128xf32, #tpu.memory_space<hbm>>
      %dma_start3A_73 = tpu.memref_squeeze %dma_start3A_72 : memref<1x625x128xf32, #tpu.memory_space<hbm>> -> memref<625x128xf32, #tpu.memory_space<hbm>>
      %dma_start3A_74 = arith.constant 0 : i32
      %dma_start3A_75 = tpu.memref_slice %arg11[%mul3A_67, %dma_start3A_74] : memref<10000x128xf32, #tpu.memory_space<vmem_shared>> -> memref<625x128xf32, #tpu.memory_space<vmem_shared>>
      tpu.enqueue_dma source(%dma_start3A_75 : memref<625x128xf32, #tpu.memory_space<vmem_shared>>) target(%dma_start3A_73 : memref<625x128xf32, #tpu.memory_space<hbm>>) target_semaphore(%run_scoped3A : memref<!tpu.dma_semaphore, #tpu.memory_space<semaphore_mem>>)
      %dma_wait3A = arith.constant 0 : i32
      %dma_wait3A_76 = arith.constant 0 : i32
      %dma_wait3A_77 = tpu.memref_slice %arg6[%add3A_70, %dma_wait3A, %dma_wait3A_76] : memref<32x625x128xf32, #tpu.memory_space<hbm>> -> memref<1x625x128xf32, #tpu.memory_space<hbm>>
      %dma_wait3A_78 = tpu.memref_squeeze %dma_wait3A_77 : memref<1x625x128xf32, #tpu.memory_space<hbm>> -> memref<625x128xf32, #tpu.memory_space<hbm>>
      %dma_wait3A_79 = arith.constant 0 : i32
      %dma_wait3A_80 = tpu.memref_slice %arg11[%mul3A_67, %dma_wait3A_79] : memref<10000x128xf32, #tpu.memory_space<vmem_shared>> -> memref<625x128xf32, #tpu.memory_space<vmem_shared>>
      tpu.wait_dma2 semaphore(%run_scoped3A : memref<!tpu.dma_semaphore, #tpu.memory_space<semaphore_mem>>) src(%dma_wait3A_80 : memref<625x128xf32, #tpu.memory_space<vmem_shared>>) dst(%dma_wait3A_78 : memref<625x128xf32, #tpu.memory_space<hbm>>)
      tpu.yield
    }) : () -> ()
    return
  }
}

module attributes {stable_mosaic.version = 14 : i64} {
  func.func @_tc_body(%arg0: i32, %arg1: memref<1000x128xf32, #tpu.memory_space<vmem>>, %arg2: memref<1000x128xf32, #tpu.memory_space<vmem>>, %arg3: memref<1000x128xf32, #tpu.memory_space<vmem>>, %arg4: memref<1000x128xf32, #tpu.memory_space<vmem>>, %arg5: memref<1000x256xf32, #tpu.memory_space<vmem>>, %arg6: memref<128x256xf32, #tpu.memory_space<vmem>>, %arg7: memref<128x256xf32, #tpu.memory_space<vmem>>, %arg8: memref<256x256xf32, #tpu.memory_space<vmem>>, %arg9: memref<1x256xf32, #tpu.memory_space<vmem>>, %arg10: memref<1000x256xf32, #tpu.memory_space<vmem>>) attributes {dimension_semantics = [#tpu.dimension_semantics<arbitrary>], iteration_bounds = array<i64: 10>, scalar_prefetch = 0 : i64, scratch_operands = 0 : i64, tpu.core_type = #tpu.core_type<tc>, window_params = [{transform_indices = @transform_0, window_bounds = array<i64: 1000, 128>}, {transform_indices = @transform_1, window_bounds = array<i64: 1000, 128>}, {transform_indices = @transform_2, window_bounds = array<i64: 1000, 128>}, {transform_indices = @transform_3, window_bounds = array<i64: 1000, 128>}, {transform_indices = @transform_4, window_bounds = array<i64: 1000, 256>}, {pipeline_mode = #tpu.pipeline_mode<synchronous>, transform_indices = @transform_5, window_bounds = array<i64: 128, 256>}, {pipeline_mode = #tpu.pipeline_mode<synchronous>, transform_indices = @transform_6, window_bounds = array<i64: 128, 256>}, {pipeline_mode = #tpu.pipeline_mode<synchronous>, transform_indices = @transform_7, window_bounds = array<i64: 256, 256>}, {pipeline_mode = #tpu.pipeline_mode<synchronous>, transform_indices = @transform_8, window_bounds = array<i64: 1, 256>}, {transform_indices = @transform_9, window_bounds = array<i64: 1000, 256>}]} {
    %get3A = arith.constant 0 : index
    %get3A_0 = arith.constant 0 : index
    %get3A_1 = vector.load %arg3[%get3A, %get3A_0] : memref<1000x128xf32, #tpu.memory_space<vmem>>, vector<1000x1xf32>
    %get3A_2 = arith.constant 0 : index
    %get3A_3 = arith.constant 0 : index
    %get3A_4 = vector.load %arg4[%get3A_2, %get3A_3] : memref<1000x128xf32, #tpu.memory_space<vmem>>, vector<1000x1xf32>
    %add3A = arith.addf %get3A_1, %get3A_4 : vector<1000x1xf32>
    %max3A = arith.constant 1.000000e+00 : f32
    %max3A_5 = vector.broadcast %max3A : f32 to vector<1000x1xf32>
    %max3A_6 = arith.maximumf %add3A, %max3A_5 : vector<1000x1xf32>
    %div3A = arith.constant 1.000000e+00 : f32
    %div3A_7 = vector.broadcast %div3A : f32 to vector<1000x1xf32>
    %div3A_8 = arith.divf %div3A_7, %max3A_6 : vector<1000x1xf32>
    %get3A_9 = arith.constant 0 : index
    %get3A_10 = arith.constant 0 : index
    %get3A_11 = vector.load %arg1[%get3A_9, %get3A_10] : memref<1000x128xf32, #tpu.memory_space<vmem>>, vector<1000x128xf32>
    %mul3A = vector.broadcast %div3A_8 : vector<1000x1xf32> to vector<1000x128xf32>
    %mul3A_12 = arith.mulf %get3A_11, %mul3A : vector<1000x128xf32>
    %get3A_13 = arith.constant 0 : index
    %get3A_14 = arith.constant 0 : index
    %get3A_15 = vector.load %arg6[%get3A_13, %get3A_14] : memref<128x256xf32, #tpu.memory_space<vmem>>, vector<128x256xf32>
    %dot_general3A = arith.constant dense<0.000000e+00> : vector<1000x256xf32>
    %dot_general3A_16 = tpu.matmul %mul3A_12, %get3A_15, %dot_general3A {dimension_numbers = #tpu.dot_dimension_numbers<[1], [0], [0], [1], [0, 0, 1, 1], [], []>, transpose_lhs_hint = false} : vector<1000x128xf32>, vector<128x256xf32>, vector<1000x256xf32> -> vector<1000x256xf32>
    %get3A_17 = arith.constant 0 : index
    %get3A_18 = arith.constant 0 : index
    %get3A_19 = vector.load %arg2[%get3A_17, %get3A_18] : memref<1000x128xf32, #tpu.memory_space<vmem>>, vector<1000x128xf32>
    %mul3A_20 = vector.broadcast %div3A_8 : vector<1000x1xf32> to vector<1000x128xf32>
    %mul3A_21 = arith.mulf %get3A_19, %mul3A_20 : vector<1000x128xf32>
    %get3A_22 = arith.constant 0 : index
    %get3A_23 = arith.constant 0 : index
    %get3A_24 = vector.load %arg7[%get3A_22, %get3A_23] : memref<128x256xf32, #tpu.memory_space<vmem>>, vector<128x256xf32>
    %dot_general3A_25 = arith.constant dense<0.000000e+00> : vector<1000x256xf32>
    %dot_general3A_26 = tpu.matmul %mul3A_21, %get3A_24, %dot_general3A_25 {dimension_numbers = #tpu.dot_dimension_numbers<[1], [0], [0], [1], [0, 0, 1, 1], [], []>, transpose_lhs_hint = false} : vector<1000x128xf32>, vector<128x256xf32>, vector<1000x256xf32> -> vector<1000x256xf32>
    %add3A_27 = arith.addf %dot_general3A_16, %dot_general3A_26 : vector<1000x256xf32>
    %get3A_28 = arith.constant 0 : index
    %get3A_29 = arith.constant 0 : index
    %get3A_30 = vector.load %arg5[%get3A_28, %get3A_29] : memref<1000x256xf32, #tpu.memory_space<vmem>>, vector<1000x256xf32>
    %get3A_31 = arith.constant 0 : index
    %get3A_32 = arith.constant 0 : index
    %get3A_33 = vector.load %arg8[%get3A_31, %get3A_32] : memref<256x256xf32, #tpu.memory_space<vmem>>, vector<256x256xf32>
    %dot_general3A_34 = arith.constant dense<0.000000e+00> : vector<1000x256xf32>
    %dot_general3A_35 = tpu.matmul %get3A_30, %get3A_33, %dot_general3A_34 {dimension_numbers = #tpu.dot_dimension_numbers<[1], [0], [0], [1], [0, 0, 1, 1], [], []>, transpose_lhs_hint = false} : vector<1000x256xf32>, vector<256x256xf32>, vector<1000x256xf32> -> vector<1000x256xf32>
    %add3A_36 = arith.addf %add3A_27, %dot_general3A_35 : vector<1000x256xf32>
    %get3A_37 = arith.constant 0 : index
    %get3A_38 = arith.constant 0 : index
    %get3A_39 = vector.load %arg9[%get3A_37, %get3A_38] : memref<1x256xf32, #tpu.memory_space<vmem>>, vector<1x256xf32>
    %add3A_40 = vector.broadcast %get3A_39 : vector<1x256xf32> to vector<1000x256xf32>
    %add3A_41 = arith.addf %add3A_36, %add3A_40 : vector<1000x256xf32>
    %swap3A = arith.constant 0 : index
    %swap3A_42 = arith.constant 0 : index
    %swap3A_43 = vector.load %arg10[%swap3A, %swap3A_42] : memref<1000x256xf32, #tpu.memory_space<vmem>>, vector<1000x256xf32>
    tpu.vector_store %arg10[%swap3A, %swap3A_42], %add3A_41 {strides = array<i32>} : memref<1000x256xf32, #tpu.memory_space<vmem>>, vector<1000x256xf32>,
    return
  }
  func.func @transform_0(%arg0: i32) -> (i32, i32) {
    %c0_i32 = arith.constant 0 : i32
    %c0_i32_0 = arith.constant 0 : i32
    return %arg0, %c0_i32 : i32, i32
  }
  func.func @transform_1(%arg0: i32) -> (i32, i32) {
    %add3A = arith.constant 10 : i32
    %add3A_0 = arith.addi %arg0, %add3A : i32
    %c0_i32 = arith.constant 0 : i32
    %c0_i32_1 = arith.constant 0 : i32
    return %add3A_0, %c0_i32 : i32, i32
  }
  func.func @transform_2(%arg0: i32) -> (i32, i32) {
    %c0_i32 = arith.constant 0 : i32
    %c0_i32_0 = arith.constant 0 : i32
    return %arg0, %c0_i32 : i32, i32
  }
  func.func @transform_3(%arg0: i32) -> (i32, i32) {
    %add3A = arith.constant 10 : i32
    %add3A_0 = arith.addi %arg0, %add3A : i32
    %c0_i32 = arith.constant 0 : i32
    %c0_i32_1 = arith.constant 0 : i32
    return %add3A_0, %c0_i32 : i32, i32
  }
  func.func @transform_4(%arg0: i32) -> (i32, i32) {
    %c0_i32 = arith.constant 0 : i32
    %c0_i32_0 = arith.constant 0 : i32
    return %arg0, %c0_i32 : i32, i32
  }
  func.func @transform_5(%arg0: i32) -> (i32, i32) {
    %c0_i32 = arith.constant 0 : i32
    %c0_i32_0 = arith.constant 0 : i32
    %c0_i32_1 = arith.constant 0 : i32
    return %c0_i32, %c0_i32_0 : i32, i32
  }
  func.func @transform_6(%arg0: i32) -> (i32, i32) {
    %c0_i32 = arith.constant 0 : i32
    %c0_i32_0 = arith.constant 0 : i32
    %c0_i32_1 = arith.constant 0 : i32
    return %c0_i32, %c0_i32_0 : i32, i32
  }
  func.func @transform_7(%arg0: i32) -> (i32, i32) {
    %c0_i32 = arith.constant 0 : i32
    %c0_i32_0 = arith.constant 0 : i32
    %c0_i32_1 = arith.constant 0 : i32
    return %c0_i32, %c0_i32_0 : i32, i32
  }
  func.func @transform_8(%arg0: i32) -> (i32, i32) {
    %c0_i32 = arith.constant 0 : i32
    %c0_i32_0 = arith.constant 0 : i32
    %c0_i32_1 = arith.constant 0 : i32
    return %c0_i32, %c0_i32_0 : i32, i32
  }
  func.func @transform_9(%arg0: i32) -> (i32, i32) {
    %c0_i32 = arith.constant 0 : i32
    %c0_i32_0 = arith.constant 0 : i32
    return %arg0, %c0_i32 : i32, i32
  }
}

</mosaic_0001>

<sc_bundles>
// kernel: kernel.6.cloned.1.call-start
scs
__scs_entry_jumppad:
0x0: {  	(pc) =	sbr.rel $0x88, $3  }
0x1: {  	(tag) =	ssettag $0x0;
	lr =	simm.s32 $0x1  }
0x2: {  	[smem:$0x3F97] =	sst lr;
	_ =	strace $0xD0000000  }
0x3: {  	_ = 	snop  }
0x4: {  	_ = 	snop  }
0x5: {  	_ = 	snop  }
0x6: {  	_ = 	snop  }
0x7: {  	_ = 	snop  }
__scs_overlays_trampoline_lowered:
0x8: {  	[smem:$0x3FA6] =	sst s0  }
0x9: {  	[smem:$0x3FA7] =	sst s1  }
0xa: {  	[smem:$0x3FA8] =	sst s2  }
0xb: {  	[smem:$0x3FA9] =	sst s3  }
0xc: {  	[smem:$0x3FAA] =	sst s4  }
0xd: {  	[smem:$0x3FAB] =	sst s5  }
0xe: {  	[smem:$0x3FAC] =	sst s6  }
0xf: {  	[smem:$0x3FAD] =	sst s7  }
0x10: {  	[smem:$0x3FAE] =	sst s8  }
0x11: {  	[smem:$0x3FAF] =	sst s9;
	s0 =	simm.s32 @!p0 $0x0  }
0x12: {  	s1 =	sld [smem:$0x3F95];
	s0 =	simm.s32 @p0 $0x1  }
0x13: {  	[smem:$0x3FB0] =	sst s0;
	s0 =	simm.s32 @!p1 $0x0  }
0x14: {  	s2 =	sld [smem:$0x3F94];
	s0 =	simm.s32 @p1 $0x1  }
0x15: {  	[smem:$0x3FB1] =	sst s0;
	s0 =	simm.s32 @!p2 $0x0  }
0x16: {  	s3 =	sld [smem:$0x3FDB];
	s0 =	simm.s32 @p2 $0x1  }
0x17: {  	s4 =	simm.s32 $0x1BF5;
	[smem:$0x3FB3] =	sst s0  }
0x18: {  	s0 =	sld [smem:$0x3F96];
	_ =	swait.ge [sflag:s4], $0x0  }
0x19: {  	s7 =	sld [smem:$0x3F97]  }
0x1a: {  	s8 =	sadd.s32 $0xFFFFE003, lr  }
0x1b: {  	s9 =	sadd.s32 $0xFFFFFEF7, lr;
	s5 =	simm.s32 $0xFFFFFFFF;
	p2 =	slt.u32 s8, $0xFFFFF086  }
0x1c: {  	p1 =	slt.u32 s9, $0xF7A;
	s5 =	simm.s32 @!p2 $0x0  }
0x1d: {  	s5 =	simm.s32 @p1 $0x1;
	p0 =	seq.s32 s7, s2  }
0x1e: {  	s7 =	smul.u32 @!p0 $0xF7A, s2;
	p2 =	seq.s32 @!p0 s5, $0x0  }
0x1f: {  	s9 =	smul.u32 $0xF7A, s1;
	s8 =	simm.s32 @!p0 $0x1BF5;
	p2 =	por !p2, p0  }
0x20: {  	[sflag:s8] =	ssyncset.s32 @!p0 $0xFFFFF086;
	s6 =	sadd.s32 @!p0 s3, s7;
	s7 =	simm.s32 @!p0 $0x108  }
0x21: {  	s3 =	sadd.s32 s3, s9;
	s6 =	sadd.s32 @!p0 $0x88, s6;
	s7 =	simm.s32 @p2 $0x1082  }
0x22: {  	[simem:s7], [sflag:s8] =	dma.local @!p0 [hbm:s6], $0xF7A  }
0x23: {  	s9 =	sor.u32 $0xD0000000, s2;
	s6 =	simm.s32 $0x108;
	_ =	swait.ge @!p0 [sflag:s8], $0x0  }
0x24: {  	s3 =	sadd.s32 $0x88, s3;
	s6 =	simm.s32 @!p1 $0x1082;
	[sflag:s4] =	ssyncset.s32 $0xFFFFF086  }
0x25: {  	[simem:s6], [sflag:s4] =	dma.local [hbm:s3], $0xF7A  }
0x26: {  	[smem:$0x3F97] =	sst s1;
	(tag) =	ssettag s2;
	_ =	strace s9  }
0x27: {  	s1 =	sld [smem:$0x3FA7]  }
0x28: {  	s2 =	sld [smem:$0x3FA8]  }
0x29: {  	s4 =	sld [smem:$0x3FAA]  }
0x2a: {  	p0 =	seq.s32 s5, $0x0;
	s5 =	sld [smem:$0x3FAB]  }
0x2b: {  	s6 =	sld [smem:$0x3FAC]  }
0x2c: {  	s7 =	sld [smem:$0x3FAD]  }
0x2d: {  	s3 =	simm.s32 $0x108;
	s8 =	sld [smem:$0x3FAE]  }
0x2e: {  	s3 =	simm.s32 @!p0 $0x1082;
	s9 =	sld [smem:$0x3FAF]  }
0x2f: {  	lr =	sadd.s32 s0, s3;
	s0 =	sld [smem:$0x3FA6]  }
0x30: {  	s3 =	sld [smem:$0x3FA9]  }
0x31: {  	[smem:$0x3FB2] =	sst s10  }
0x32: {  	s10 =	sld [smem:$0x3FB0];
	_ =	sdelay $0x3  }
0x33: {  	p0 =	seq.s32 s10, $0x1;
	s10 =	sld [smem:$0x3FB2];
	_ =	sdelay $0x3  }
0x34: {  	[smem:$0x3FB2] =	sst s10  }
0x35: {  	s10 =	sld [smem:$0x3FB1];
	_ =	sdelay $0x3  }
0x36: {  	p1 =	seq.s32 s10, $0x1;
	s10 =	sld [smem:$0x3FB2];
	_ =	sdelay $0x3  }
0x37: {  	[smem:$0x3FB2] =	sst s10  }
0x38: {  	s10 =	sld [smem:$0x3FB3]  }
0x39: {  	_ = 	snop;
	(pc) =	sbr.ind lr, $3  }
0x3a: {  	_ = 	snop  }
0x3b: {  	_ = 	snop  }
0x3c: {  	p2 =	seq.s32 s10, $0x1;
	s10 =	sld [smem:$0x3FB2]  }
0x3d: {  	_ =	shalt  }
0x3e: {  	_ =	shalt  }
0x3f: {  	_ =	shalt  }
0x40: {  	_ =	shalt  }
0x41: {  	_ =	shalt  }
0x42: {  	_ =	shalt  }
0x43: {  	_ =	shalt  }
0x44: {  	_ =	shalt  }
0x45: {  	_ =	shalt  }
0x46: {  	_ =	shalt  }
0x47: {  	_ =	shalt  }
0x48: {  	_ =	shalt  }
0x49: {  	_ =	shalt  }
0x4a: {  	_ =	shalt  }
0x4b: {  	_ =	shalt  }
0x4c: {  	_ =	shalt  }
0x4d: {  	_ =	shalt  }
0x4e: {  	_ =	shalt  }
0x4f: {  	_ =	shalt  }
0x50: {  	_ =	shalt  }
0x51: {  	_ =	shalt  }
0x52: {  	_ =	shalt  }
0x53: {  	_ =	shalt  }
0x54: {  	_ =	shalt  }
0x55: {  	_ =	shalt  }
0x56: {  	_ =	shalt  }
0x57: {  	_ =	shalt  }
0x58: {  	_ =	shalt  }
0x59: {  	_ =	shalt  }
0x5a: {  	_ =	shalt  }
0x5b: {  	_ =	shalt  }
0x5c: {  	_ =	shalt  }
0x5d: {  	_ =	shalt  }
0x5e: {  	_ =	shalt  }
0x5f: {  	_ =	shalt  }
0x60: {  	_ =	shalt  }
0x61: {  	_ =	shalt  }
0x62: {  	_ =	shalt  }
0x63: {  	_ =	shalt  }
0x64: {  	_ =	shalt  }
0x65: {  	_ =	shalt  }
0x66: {  	_ =	shalt  }
0x67: {  	_ =	shalt  }
0x68: {  	_ =	shalt  }
0x69: {  	_ =	shalt  }
0x6a: {  	_ =	shalt  }
0x6b: {  	_ =	shalt  }
0x6c: {  	_ =	shalt  }
0x6d: {  	_ =	shalt  }
0x6e: {  	_ =	shalt  }
0x6f: {  	_ =	shalt  }
0x70: {  	_ =	shalt  }
0x71: {  	_ =	shalt  }
0x72: {  	_ =	shalt  }
0x73: {  	_ =	shalt  }
0x74: {  	_ =	shalt  }
0x75: {  	_ =	shalt  }
0x76: {  	_ =	shalt  }
0x77: {  	_ =	shalt  }
0x78: {  	_ =	shalt  }
0x79: {  	_ =	shalt  }
0x7a: {  	_ =	shalt  }
0x7b: {  	_ =	shalt  }
0x7c: {  	_ =	shalt  }
0x7d: {  	_ =	shalt  }
0x7e: {  	_ =	shalt  }
0x7f: {  	_ =	shalt  }
0x80: {  	_ =	shalt  }
0x81: {  	_ =	shalt  }
0x82: {  	_ =	shalt  }
0x83: {  	_ =	shalt  }
0x84: {  	_ =	shalt  }
0x85: {  	_ =	shalt  }
0x86: {  	_ =	shalt  }
0x87: {  	_ =	shalt  }
.Lfunc_end0:
.L_simem_size_0:
called_computation_lowered:
.L_overlay_start_0:
0x88: {  	s2 =	sld [smem:$0x3FD9]  }
0x89: {  	s3 =	sld [smem:$0x3FFE];
	_ =	sdelay $0x1  }
0x8a: {  	s1 =	srdreg.scid  }
0x8b: {  	s0 =	sand.u32 $0x1, s1  }
0x8c: {  	s14 =	sshll.u32 s0, $0xA;
	s2 =	sadd.s32 s3, s2  }
0x8d: {  	s2 =	sadd.s32 s2, s14  }
0x8e: {  	[smem:$0x3FBE] =	sst s2  }
0x8f: {  	_ = 	snop  }
0x90: {  	s2 =	sld [smem:$0x3FD0];
	_ =	sdelay $0x2  }
0x91: {  	s15 =	simm.s32 $0xB;
	s4 =	simm.s32 $0x10  }
0x92: {  	[smem:s4], [sflag:s15] =	dma.local [hbm:s2], $0x1  }
0x93: {  	_ =	swait.eq [sflag:s15], $0x1  }
0x94: {  	[sflag:s15] =	ssyncset.done $0x0  }
0x95: {  	[sflag:s15] =	ssyncadd.s32 $0xFFFFFFFF  }
0x96: {  	s16 =	sld [smem:$0x10];
	(tm) =	ssettm $0x1  }
0x97: {  	s17 =	sld [smem:$0x3FFB];
	_ =	sdelay $0x3  }
0x98: {  	_ =	strace s17  }
0x99: {  	s3 =	sld [smem:$0x3FFC];
	_ =	sdelay $0x3  }
0x9a: {  	_ =	strace s3  }
0x9b: {  	s3 =	sld [smem:$0x3FFD];
	_ =	sdelay $0x3  }
0x9c: {  	_ =	strace s3  }
0x9d: {  	_ =	strace $0x8FFFFFFF  }
0x9e: {  	s18 =	sld [smem:$0x3FDB];
	_ =	sdelay $0x1  }
0x9f: {  	s19 =	simm.s32 $_scs_section_size  }
0xa0: {  	s5 =	simm.s32 $_size__tile_overlayer_lowered;
	s6 =	simm.s32 $_tile_overlayer_lowered  }
0xa1: {  	s22 =	simm.s32 $0x1BFF;
	s21 =	sshll.u32 s6, $0x1;
	s3 =	sadd.s32 s19, s18  }
0xa2: {  	s7 =	simm.s32 $0x0;
	s20 =	sshll.u32 s5, $0x1;
	s5 =	sadd.s32 s21, s3  }
0xa3: {  	[timem:s7], [sflag:s22] =	dma.local [hbm:s5], s20  }
0xa4: {  	_ =	swait.ge [sflag:s22], s20  }
0xa5: {  	s4 =	ssub.s32 $0x0, s20;
	[sflag:s22] =	ssyncset.done $0x0  }
0xa6: {  	[sflag:s22] =	ssyncadd.s32 s4;
	_ =	sdelay $0x1  }
0xa7: {  	s23 =	simm.s32 $0x1B8B  }
0xa8: {  	_ =	swait.ge [sflag:s23], $0x1  }
0xa9: {  	[sflag:s23] =	ssyncset.done $0x0  }
0xaa: {  	s25 =	simm.s32 $0x1B8E;
	s24 =	sld [smem:$0x3FFE];
	[sflag:s23] =	ssyncadd.s32 $0xFFFFFFFF  }
0xab: {  	s26 =	simm.s32 $execute0_lowered;
	[smem:$0x3FD2] =	sst s25  }
0xac: {  	s5 =	sshll.u32 s26, $0x1;
	_ =	strace $0x80000046;
	[dreg:$0x1] =	wrdreg $0xFFFFFFFF  }
0xad: {  	s28 =	simm.s32 $_size_execute0_lowered;
	s3 =	sadd.s32 s3, s5;
	[dreg:$0x0] =	wrdreg $0x0  }
0xae: {  	s5 =	sshll.u32 s28, $0x1;
	[dreg:$0x2] =	wrdreg s3  }
0xaf: {  	[dreg:$0x3] =	wrdreg s5  }
0xb0: {  	[dreg:$0x4] =	wrdreg $0xC0  }
0xb1: {  	_ =	task [dreg:s7], $0x5FFFF  }
0xb2: {  	[dreg:$0x1] =	wrdreg $0xFFFFFFFF  }
0xb3: {  	[dreg:$0x0] =	wrdreg $0x60  }
0xb4: {  	[dreg:$0x2] =	wrdreg s16  }
0xb5: {  	[dreg:$0x3] =	wrdreg s24  }
0xb6: {  	[dreg:$0x4] =	wrdreg $0x70000  }
0xb7: {  	[dreg:$0x5] =	wrdreg $0x9  }
0xb8: {  	_ =	task.clear_ibuf [dreg:s7], $0x6FFFF;
	_ =	strace $0x90000046  }
0xb9: {  	s29 =	simm.s32 $0x9;
	_ =	strace $0x80000048  }
0xba: {  	_ =	swait.ge [sflag:s29], $0x1  }
0xbb: {  	[sflag:s29] =	ssyncadd.s32 $0xFFFFFFFF  }
0xbc: {  	_ =	strace $0x90000048  }
0xbd: {  	_ =	sfence  }
0xbe: {  	s30 =	sld [smem:$0x0];
	_ =	sdelay $0x2  }
0xbf: {  	s31 =	sshll.u32 s1, $0xD;
	s1 =	sshrl.u32 s1, $0x2  }
0xc0: {  	s3 =	sand.u32 $0x4000, s31;
	s1 =	sadd.s32 s1, s30  }
0xc1: {  	s0 =	sor.u32 s3, s0;
	s1 =	sshll.u32 s1, $0x11  }
0xc2: {  	s0 =	sor.u32 s1, s0  }
0xc3: {  	s0 =	sadd.s32 $0x8F2B, s0  }
0xc4: {  	[sflag:s0] =	ssyncadd.remote.s32 $0x1  }
0xc5: {  	_ =	sfence.sel $0xFFFF  }
0xc6: {  	[dreg:$0x0] =	wrdreg $0xFFFFFFFF;
	(pc) =	sbr.abs _section_cstart, $3  }
0xc7: {  	[dreg:$0x1] =	wrdreg $0xFFFFFFFF  }
0xc8: {  	_ =	task.clear_ibuf [dreg:s7], $0x2FFFF;
	_ =	strace $0x9FFFFFFF  }
0xc9: {  	(tm) =	ssettm $0x7FFFFFFF  }
tec
execute0_lowered:
.L_overlay_start_1:
0x0: {  	(tag) =	ssettag $0x1  }
0x1: {  	s1 =	rddreg [dreg:$0x0]  }
0x2: {  	s0 =	rddreg [dreg:$0x1]  }
0x3: {  	s2 =	rddreg [dreg:$0x2]  }
0x4: {  	s3 =	srdreg.scid;
	s14 =	simm.s32 $0x0;
	s9 =	stileid.u32  }
0x5: {  	s28 =	simm.s32 $0x1;
	s30 =	simm.s32 $0x3;
	s31 =	simm.s32 $0x4  }
0x6: {  	s4 =	sand.u32 $0x1, s3;
	[smem:$0x7FF] =	sst s14;
	s5 =	smul.u32 $0x4E200, s9  }
0x7: {  	s6 =	sadd.s32 $0x2000, s0;
	s3 =	sshll.u32 s4, $0x4;
	_ =	strace $0x80000047  }
0x8: {  	[dreg:$0x4] =	wrdreg s6;
	s7 =	ssub.s32 $0x2, s4;
	s6 =	sadd.s32 $0xC000, s0  }
0x9: {  	s13 =	sshll.u32 s4, $0x7;
	p0 =	sne.s32 s4, $0x0;
	s3 =	sor.u32 s9, s3  }
0xa: {  	s5 =	sshrl.u32 s5, $0x2;
	s8 =	sshrl.u32 s7, $0x1;
	s25 =	sor.u32 $0x1300, s13  }
0xb: {  	s9 =	smul.u32 $0x5000, s9;
	s17 =	sor.u32 $0x1000, s13;
	[dreg:$0xd] =	wrdreg s25  }
0xc: {  	s26 =	sor.u32 $0x1100, s13;
	s29 =	sor.u32 $0x1200, s13;
	[dreg:$0xa] =	wrdreg s17  }
0xd: {  	s18 =	sor.u32 $0x1500, s13;
	s19 =	sor.u32 $0x1600, s13;
	[dreg:$0xb] =	wrdreg s26  }
0xe: {  	s15 =	sadd.s32 s5, s2;
	s11 =	ssub.s32 s7, s8;
	[dreg:$0xc] =	wrdreg s29  }
0xf: {  	s20 =	sor.u32 $0x1700, s13;
	s24 =	smax.u32 s11, $0x1;
	[dreg:$0x5] =	wrdreg s15  }
0x10: {  	s21 =	sor.u32 $0x1800, s13;
	s7 =	sadd.s32 $0x2800, s15;
	[dreg:$0x9] =	wrdreg s24  }
0x11: {  	s22 =	sor.u32 $0x1900, s13;
	s8 =	sadd.s32 $0x5000, s15;
	[dreg:$0xf] =	wrdreg s7  }
0x12: {  	s23 =	sor.u32 $0x1A00, s13;
	s10 =	sadd.s32 $0x7800, s15;
	[dreg:$0x10] =	wrdreg s8  }
0x13: {  	s3 =	smul.u32 $0x2780, s3;
	s11 =	sadd.s32 $0xA000, s15;
	[dreg:$0x11] =	wrdreg s10  }
0x14: {  	s25 =	sxor.u32 $0xD, s4;
	s16 =	sadd.s32 $0x11800, s15;
	[dreg:$0x12] =	wrdreg s11  }
0x15: {  	s0 =	sadd.s32 s3, s0;
	s3 =	sor.u32 $0x1400, s13;
	[dreg:$0x6] =	wrdreg s16  }
0x16: {  	s24 =	sor.u32 $0x1B00, s13;
	s13 =	sadd.s32 $0xF000, s15;
	[dreg:$0xe] =	wrdreg s3  }
0x17: {  	v0 =	vmov s4;
	s4 =	simm.s32 $0x0;
	s12 =	sadd.s32 $0x16000, s0;
	[dreg:$0x14] =	wrdreg s13  }
0x18: {  	s10 =	simm.s32 $0x5;
	s0 =	sadd.s32 $0x65000, s0;
	[dreg:$0x7] =	wrdreg s12  }
0x19: {  	s11 =	simm.s32 $0x1000;
	[dreg:$0x8] =	wrdreg s0;
	s12 =	sadd.s32 $0xC800, s15  }
0x1a: {  	v1 =	vimm.f32 $0.0e+00;
	v2 =	vimm.f32 $1.000000000e+00;
	s3 =	simm.s32 $0x2000;
	[dreg:$0x13] =	wrdreg s12;
	s12 =	simm.s32 $0x50  }
.LBB2_1:
0x1b: {  	[dreg:$0x15] =	wrdreg s4;
	s0 =	simm.s32 $0x0;
	s4 =	simm.s32 $0x200  }
.LBB2_2:
0x1c: {  	p1 =	sne.s32 s4, $0x9E00;
	[tilespmem:s0+$0x2070] =	vst v1  }
0x1d: {  	[tilespmem:s0+$0x2000] =	vst v1  }
0x1e: {  	[tilespmem:s0+$0x2010] =	vst v1  }
.Ltmp0:
0x1f: {  	[tilespmem:s0+$0x2020] =	vst v1;
	(pc) =	sbr.rel @p1 .LBB2_2-.Ltmp0, $4  }
0x20: {  	[tilespmem:s0+$0x2030] =	vst v1  }
0x21: {  	[tilespmem:s0+$0x2040] =	vst v1  }
0x22: {  	[tilespmem:s0+$0x2050] =	vst v1  }
0x23: {  	[tilespmem:s0+$0x2060] =	vst v1;
	s0 =	sshra.s32 s4, $0x2;
	s4 =	sadd.s32 $0x200, s4  }
0x24: {  	[tilespmem:s0+$0x2070] =	vst v1  }
0x25: {  	[tilespmem:s0+$0x2000] =	vst v1  }
0x26: {  	[tilespmem:s0+$0x2010] =	vst v1  }
0x27: {  	[tilespmem:s0+$0x2020] =	vst v1  }
0x28: {  	[tilespmem:s0+$0x2030] =	vst v1  }
0x29: {  	[tilespmem:s0+$0x2040] =	vst v1  }
0x2a: {  	[tilespmem:s0+$0x2050] =	vst v1  }
0x2b: {  	[tilespmem:s0+$0x2060] =	vst v1  }
0x2c: {  	[spmem:s15] =	stream.linear.scatter [tilespmem:s3], [sflag:$0x5], $0x2800, $0x38;
	[tilespmem:$0x1A880] =	vst v63  }
0x2d: {  	_ =	swait.ge [sflag:s10], $0x2800  }
0x2e: {  	[sflag:s10] =	ssyncset.done $0x0  }
0x2f: {  	s8 =	rddreg [dreg:$0xf];
	[sflag:s10] =	ssyncadd.s32 $0xFFFFD800  }
0x30: {  	[spmem:s8] =	stream.linear.scatter [tilespmem:s3], [sflag:$0x5], $0x2800, $0x38;
	[tilespmem:$0x1A880] =	vst v63  }
0x31: {  	_ =	swait.ge [sflag:s10], $0x2800  }
0x32: {  	[sflag:s10] =	ssyncset.done $0x0  }
0x33: {  	s13 =	rddreg [dreg:$0x10];
	[sflag:s10] =	ssyncadd.s32 $0xFFFFD800  }
0x34: {  	[spmem:s13] =	stream.linear.scatter [tilespmem:s3], [sflag:$0x5], $0x2800, $0x38;
	[tilespmem:$0x1A880] =	vst v63  }
0x35: {  	_ =	swait.ge [sflag:s10], $0x2800  }
0x36: {  	[sflag:s10] =	ssyncset.done $0x0  }
0x37: {  	s15 =	rddreg [dreg:$0x11];
	[sflag:s10] =	ssyncadd.s32 $0xFFFFD800  }
0x38: {  	[spmem:s15] =	stream.linear.scatter [tilespmem:s3], [sflag:$0x5], $0x2800, $0x38;
	[tilespmem:$0x1A880] =	vst v63  }
0x39: {  	_ =	swait.ge [sflag:s10], $0x2800  }
0x3a: {  	[sflag:s10] =	ssyncset.done $0x0  }
0x3b: {  	s17 =	rddreg [dreg:$0x12];
	[sflag:s10] =	ssyncadd.s32 $0xFFFFD800  }
0x3c: {  	[spmem:s17] =	stream.linear.scatter [tilespmem:s3], [sflag:$0x5], $0x2800, $0x38;
	[tilespmem:$0x1A880] =	vst v63  }
0x3d: {  	_ =	swait.ge [sflag:s10], $0x2800  }
0x3e: {  	[sflag:s10] =	ssyncset.done $0x0  }
0x3f: {  	s26 =	rddreg [dreg:$0x13];
	[sflag:s10] =	ssyncadd.s32 $0xFFFFD800  }
0x40: {  	[spmem:s26] =	stream.linear.scatter [tilespmem:s3], [sflag:$0x5], $0x2800, $0x38;
	[tilespmem:$0x1A880] =	vst v63  }
0x41: {  	_ =	swait.ge [sflag:s10], $0x2800  }
0x42: {  	[sflag:s10] =	ssyncset.done $0x0  }
0x43: {  	s29 =	rddreg [dreg:$0x14];
	[sflag:s10] =	ssyncadd.s32 $0xFFFFD800  }
0x44: {  	[spmem:s29] =	stream.linear.scatter [tilespmem:s3], [sflag:$0x5], $0x2800, $0x38;
	[tilespmem:$0x1A880] =	vst v63  }
0x45: {  	_ =	swait.ge [sflag:s10], $0x2800  }
0x46: {  	[sflag:s10] =	ssyncset.done $0x0  }
0x47: {  	[sflag:s10] =	ssyncadd.s32 $0xFFFFD800  }
0x48: {  	[spmem:s16] =	stream.linear.scatter [tilespmem:s3], [sflag:$0x5], $0x2080, $0x38;
	[tilespmem:$0x1A880] =	vst v63  }
0x49: {  	_ =	swait.ge [sflag:s10], $0x2080  }
0x4a: {  	[sflag:s10] =	ssyncset.done $0x0  }
0x4b: {  	[sflag:s10] =	ssyncadd.s32 $0xFFFFDF80  }
0x4c: {  	s7 =	simm.s32 $0x0;
	s0 =	simm.s32 $0x0;
	[bflag:$0x0] =	sbarrier.arrive $0xFFFF  }
.LBB2_4:
0x4d: {  	s4 =	sshll.u32 s0, $0xC  }
0x4e: {  	s4 =	sadd.s32 s9, s4  }
0x4f: {  	s5 =	rddreg [dreg:$0x4];
	s4 =	sshrl.u32 s4, $0x3  }
0x50: {  	s5 =	sadd.s32 s5, s4  }
0x51: {  	[tilespmem:s7], [sflag:$0x5] =	stream.linear.gather [hbm4b:s5+s7], $0xC80, $0x38;
	[tilespmem:$0x1A880] =	vst v63  }
0x52: {  	_ =	swait.ge [sflag:s10], $0xC80  }
0x53: {  	[sflag:s10] =	ssyncset.done $0x0  }
0x54: {  	s4 =	sadd.s32 s6, s4;
	[sflag:s10] =	ssyncadd.s32 $0xFFFFF380  }
0x55: {  	[tilespmem:s11], [sflag:$0x5] =	stream.linear.gather [hbm4b:s4+s7], $0xC80, $0x38;
	[tilespmem:$0x1A880] =	vst v63  }
0x56: {  	_ =	swait.ge [sflag:s10], $0xC80  }
0x57: {  	[sflag:s10] =	ssyncset.done $0x0  }
0x58: {  	s4 =	simm.s32 $0x0;
	[sflag:s10] =	ssyncadd.s32 $0xFFFFF380  }
0x59: {  	v5 =	vld [tilespmem:s4+$0x0]  }
0x5a: {  	v6 =	vld [tilespmem:s4+$0x10]  }
0x5b: {  	v4 =	vld [tilespmem:s4+$0x20]  }
0x5c: {  	s8 =	simm.s32 $0x200;
	v3 =	vld [tilespmem:s4+$0x30]  }
.LBB2_5:
0x5d: {  	p1 =	sne.s32 s8, $0x3000;
	v7 =	vld [tilespmem:s4+$0x40]  }
0x5e: {  	v5 =	vshll.u32 v5, $0x1  }
0x5f: {  	v5 =	vor.u32 v0, v5;
	v6 =	vshll.u32 v6, $0x1  }
.Ltmp1:
0x60: {  	s5 =	sshra.s32 s8, $0x2;
	[tilespmem:s4+$0x0] =	vst v5;
	v6 =	vor.u32 v0, v6;
	v4 =	vshll.u32 v4, $0x1;
	(pc) =	sbr.rel @p1 .LBB2_5-.Ltmp1, $4  }
0x61: {  	v5 =	vld [tilespmem:s5+$0x0];
	[tilespmem:s4+$0x10] =	vst v6;
	v4 =	vor.u32 v0, v4;
	v3 =	vshll.u32 v3, $0x1  }
0x62: {  	v6 =	vld [tilespmem:s5+$0x10];
	[tilespmem:s4+$0x20] =	vst v4;
	v3 =	vor.u32 v0, v3;
	v7 =	vshll.u32 v7, $0x1  }
0x63: {  	v4 =	vld [tilespmem:s5+$0x20];
	[tilespmem:s4+$0x30] =	vst v3;
	v7 =	vor.u32 v0, v7  }
0x64: {  	s8 =	sadd.s32 $0x200, s8;
	v3 =	vld [tilespmem:s5+$0x30];
	[tilespmem:s4+$0x40] =	vst v7;
	s4 =	smov.u32 s5  }
0x65: {  	v7 =	vld [tilespmem:s4+$0x40]  }
0x66: {  	v5 =	vshll.u32 v5, $0x1  }
0x67: {  	v5 =	vor.u32 v0, v5;
	v6 =	vshll.u32 v6, $0x1  }
0x68: {  	[tilespmem:s4+$0x0] =	vst v5;
	v62 =	vor.u32 v0, v6;
	v4 =	vshll.u32 v4, $0x1  }
0x69: {  	[tilespmem:s4+$0x10] =	vst v62;
	v4 =	vor.u32 v0, v4;
	v3 =	vshll.u32 v3, $0x1  }
0x6a: {  	[tilespmem:s4+$0x20] =	vst v4;
	v3 =	vor.u32 v0, v3;
	v63 =	vshll.u32 v7, $0x1  }
0x6b: {  	[tilespmem:s4+$0x30] =	vst v3;
	v3 =	vor.u32 v0, v63  }
0x6c: {  	s16 =	simm.s32 $0x1;
	[tilespmem:s4+$0x40] =	vst v3  }
0x6d: {  	[tilespmem:s3], [sflag:$0x1] =	stream.indirect.gather [hbm4b:s1+s12], $0x80, s14, s12, $0xb8;
	[tilespmem:$0x1A880] =	vst v63  }
0x6e: {  	_ =	swait.ge [sflag:s16], $0x2800  }
0x6f: {  	s4 =	sand.u32 $0x1, s16;
	[sflag:s16] =	ssyncset.done $0x0  }
0x70: {  	p1 =	seq.s32 s4, $0x1;
	[sflag:s16] =	ssyncadd.s32 $0xFFFFD800  }
0x71: {  	[spmem:s2] =	stream.indirect.scatter.add.f32 [tilespmem:s3], [sflag:$0x3], $0x80, s11, s12, $0xb8;
	[tilespmem:$0x1A880] =	vst v63  }
0x72: {  	s5 =	simm.s32 $0x80;
	s8 =	simm.s32 $0x4800;
	s4 =	simm.s32 @p1 $0x2  }
0x73: {  	[tilespmem:s8], [sflag:$0x2] =	stream.indirect.gather [hbm4b:s1+s12], $0x80, s5, s12, $0xb8;
	[tilespmem:$0x1A880] =	vst v63  }
0x74: {  	s14 =	simm.s32 $0x1080;
	_ =	swait.ge @p1 [sflag:s4], $0x2800  }
0x75: {  	s5 =	simm.s32 @p1 $0x3;
	[sflag:s4] =	ssyncset.done @p1 $0x0;
	p1 =	por p1, p1  }
0x76: {  	[sflag:s4] =	ssyncadd.s32 @p1 $0xFFFFD800;
	s4 =	simm.s32 @p1 $0x50;
	s8 =	simm.s32 @p1 $0x4800  }
0x77: {  	[spmem:s2] =	stream.indirect.scatter.add.f32 @p1 [tilespmem:s8], [sflag:$0x4], $0x80, s14, s4, $0xb8;
	[tilespmem:$0x1A880] =	vst v63  }
0x78: {  	_ =	swait.ge @p1 [sflag:s5], $0x2800  }
0x79: {  	s29 =	simm.s32 $0x100;
	s15 =	simm.s32 $0x2;
	[sflag:s5] =	ssyncset.done @p1 $0x0  }
0x7a: {  	s26 =	simm.s32 @!p1 $0x1;
	[sflag:s5] =	ssyncadd.s32 @p1 $0xFFFFD800;
	s5 =	simm.s32 @p1 $0x2000  }
0x7b: {  	[tilespmem:s5], [sflag:$0x1] =	stream.indirect.gather @p1 [hbm4b:s1+s4], $0x80, s29, s4, $0xb8;
	[tilespmem:$0x1A880] =	vst v63  }
0x7c: {  	s17 =	sand.u32 $0x1, s15;
	_ =	swait.ge @!p1 [sflag:s26], $0x2800  }
0x7d: {  	p3 =	seq.s32 s17, $0x1;
	s13 =	simm.s32 @!p1 $0x4;
	[sflag:s26] =	ssyncset.done @!p1 $0x0  }
0x7e: {  	s5 =	simm.s32 @!p1 $0x50;
	[sflag:s26] =	ssyncadd.s32 @!p1 $0xFFFFD800;
	s26 =	simm.s32 @!p1 $0x2000  }
0x7f: {  	[spmem:s2] =	stream.indirect.scatter.add.f32 @!p1 [tilespmem:s26], [sflag:$0x3], $0x80, s14, s5, $0xb8;
	[tilespmem:$0x1A880] =	vst v63  }
0x80: {  	s8 =	simm.s32 $0x1100;
	s4 =	simm.s32 $0x3;
	_ =	swait.ge @!p1 [sflag:s13], $0x2800  }
0x81: {  	s26 =	simm.s32 $0x180;
	s14 =	simm.s32 @!p1 $0x4800;
	[sflag:s13] =	ssyncset.done @!p1 $0x0  }
.LBB2_7:
0x82: {  	s15 =	simm.s32 @p3 $0x2;
	[sflag:s13] =	ssyncadd.s32 @!p1 $0xFFFFD800  }
0x83: {  	s16 =	smov.u32 s4;
	s4 =	sadd.s32 $0x1, s4;
	s17 =	smov.u32 s8  }
0x84: {  	[tilespmem:s14], [sflag:$0x2] =	stream.indirect.gather @!p1 [hbm4b:s1+s5], $0x80, s29, s5, $0xb8;
	[tilespmem:$0x1A880] =	vst v63  }
0x85: {  	p2 =	sne.s32 s4, $0x18;
	s29 =	smov.u32 s26;
	_ =	swait.ge @p3 [sflag:s15], $0x2800  }
0x86: {  	s5 =	simm.s32 @p3 $0x3;
	p1 =	por p3, p3;
	[sflag:s15] =	ssyncset.done @p3 $0x0  }
0x87: {  	s13 =	simm.s32 @p1 $0x50;
	s14 =	simm.s32 @p1 $0x4800;
	[sflag:s15] =	ssyncadd.s32 @p1 $0xFFFFD800  }
0x88: {  	[spmem:s2] =	stream.indirect.scatter.add.f32 @p1 [tilespmem:s14], [sflag:$0x4], $0x80, s8, s13, $0xb8;
	[tilespmem:$0x1A880] =	vst v63  }
0x89: {  	_ =	swait.ge @p1 [sflag:s5], $0x2800  }
0x8a: {  	[sflag:s5] =	ssyncset.done @p1 $0x0  }
0x8b: {  	s14 =	simm.s32 @!p1 $0x1;
	[sflag:s5] =	ssyncadd.s32 @p1 $0xFFFFD800;
	s5 =	simm.s32 @p1 $0x2000  }
0x8c: {  	[tilespmem:s5], [sflag:$0x1] =	stream.indirect.gather @p1 [hbm4b:s1+s13], $0x80, s26, s13, $0xb8;
	[tilespmem:$0x1A880] =	vst v63  }
0x8d: {  	s8 =	sadd.s32 $0x80, s8;
	_ =	swait.ge @!p1 [sflag:s14], $0x2800  }
.Ltmp2:
0x8e: {  	s13 =	simm.s32 @!p1 $0x4;
	[sflag:s14] =	ssyncset.done @!p1 $0x0;
	(pc) =	sbr.rel @p2 .LBB2_7-.Ltmp2, $4  }
0x8f: {  	s5 =	simm.s32 @!p1 $0x50;
	[sflag:s14] =	ssyncadd.s32 @!p1 $0xFFFFD800;
	s14 =	simm.s32 @!p1 $0x2000  }
0x90: {  	[spmem:s2] =	stream.indirect.scatter.add.f32 @!p1 [tilespmem:s14], [sflag:$0x3], $0x80, s17, s5, $0xb8;
	[tilespmem:$0x1A880] =	vst v63  }
0x91: {  	s26 =	sadd.s32 $0x80, s26;
	s14 =	sand.u32 $0x1, s16;
	_ =	swait.ge @!p1 [sflag:s13], $0x2800  }
0x92: {  	p3 =	seq.s32 s14, $0x1;
	s14 =	simm.s32 @!p1 $0x4800;
	[sflag:s13] =	ssyncset.done @!p1 $0x0  }
0x93: {  	s4 =	simm.s32 @p3 $0x2;
	[sflag:s13] =	ssyncadd.s32 @!p1 $0xFFFFD800  }
0x94: {  	[tilespmem:s14], [sflag:$0x2] =	stream.indirect.gather @!p1 [hbm4b:s1+s5], $0x80, s29, s5, $0xb8;
	[tilespmem:$0x1A880] =	vst v63  }
0x95: {  	_ =	swait.ge @p3 [sflag:s4], $0x2800  }
0x96: {  	s5 =	simm.s32 @p3 $0x3;
	p1 =	por p3, p3;
	[sflag:s4] =	ssyncset.done @p3 $0x0  }
0x97: {  	s13 =	simm.s32 @p1 $0x4800;
	[sflag:s4] =	ssyncadd.s32 @p1 $0xFFFFD800;
	s4 =	simm.s32 @p1 $0x50  }
0x98: {  	[spmem:s2] =	stream.indirect.scatter.add.f32 @p1 [tilespmem:s13], [sflag:$0x4], $0x80, s8, s4, $0xb8;
	[tilespmem:$0x1A880] =	vst v63  }
0x99: {  	_ =	swait.ge @p1 [sflag:s5], $0x2800  }
0x9a: {  	[sflag:s5] =	ssyncset.done @p1 $0x0  }
0x9b: {  	s13 =	simm.s32 @!p1 $0x1;
	[sflag:s5] =	ssyncadd.s32 @p1 $0xFFFFD800;
	s5 =	simm.s32 @p1 $0x2000  }
0x9c: {  	[tilespmem:s5], [sflag:$0x1] =	stream.indirect.gather @p1 [hbm4b:s1+s4], $0x80, s26, s4, $0xb8;
	[tilespmem:$0x1A880] =	vst v63  }
0x9d: {  	_ =	swait.ge @!p1 [sflag:s13], $0x2800  }
0x9e: {  	s4 =	simm.s32 @!p1 $0x4;
	[sflag:s13] =	ssyncset.done @!p1 $0x0  }
0x9f: {  	s5 =	simm.s32 @!p1 $0x50;
	[sflag:s13] =	ssyncadd.s32 @!p1 $0xFFFFD800;
	s13 =	simm.s32 @!p1 $0x2000  }
0xa0: {  	[spmem:s2] =	stream.indirect.scatter.add.f32 @!p1 [tilespmem:s13], [sflag:$0x3], $0x80, s8, s5, $0xb8;
	[tilespmem:$0x1A880] =	vst v63  }
0xa1: {  	_ =	swait.ge @!p1 [sflag:s4], $0x2800  }
0xa2: {  	[sflag:s4] =	ssyncset.done @!p1 $0x0  }
0xa3: {  	s8 =	simm.s32 @!p1 $0x4800;
	[sflag:s4] =	ssyncadd.s32 @!p1 $0xFFFFD800  }
0xa4: {  	[tilespmem:s8], [sflag:$0x2] =	stream.indirect.gather @!p1 [hbm4b:s1+s5], $0x80, s26, s5, $0xb8;
	[tilespmem:$0x1A880] =	vst v63  }
0xa5: {  	_ =	swait.ge [sflag:s28], $0x2800  }
0xa6: {  	[sflag:s28] =	ssyncset.done $0x0  }
0xa7: {  	s0 =	sadd.s32 $0x1, s0;
	s29 =	simm.s32 $0x1C00;
	[sflag:s28] =	ssyncadd.s32 $0xFFFFD800  }
0xa8: {  	[spmem:s2] =	stream.indirect.scatter.add.f32 [tilespmem:s3], [sflag:$0x3], $0x80, s29, s12, $0xb8;
	[tilespmem:$0x1A880] =	vst v63  }
0xa9: {  	p1 =	sne.s32 s0, $0x5;
	_ =	swait.ge [sflag:s30], $0x2800  }
.Ltmp3:
0xaa: {  	[sflag:s30] =	ssyncset.done $0x0;
	(pc) =	sbr.rel @p1 .LBB2_4-.Ltmp3, $4  }
0xab: {  	[sflag:s30] =	ssyncadd.s32 $0xFFFFD800  }
0xac: {  	_ =	swait.ge [sflag:s31], $0x2800  }
0xad: {  	[sflag:s31] =	ssyncset.done $0x0  }
0xae: {  	s14 =	simm.s32 $0x0;
	[sflag:s31] =	ssyncadd.s32 $0xFFFFD800  }
0xaf: {  	s0 =	stileid.u32;
	[bflag:$0x0] =	sbarrier.arrive $0xFFFF  }
0xb0: {  	s0 =	sshll.u32 s0, $0x6;
	s15 =	rddreg [dreg:$0x5]  }
0xb1: {  	s4 =	rddreg [dreg:$0x7];
	s0 =	sor.u32 $0x1C05, s0;
	s7 =	sshrl.u32 s15, $0x3  }
0xb2: {  	[hbm:s4], [sflag:s0] =	dma.local [spmem:s7], $0x2710  }
0xb3: {  	_ =	swait.ge [sflag:s10], $0x2710  }
0xb4: {  	[sflag:s10] =	ssyncset.done $0x0  }
0xb5: {  	[sflag:s10] =	ssyncadd.s32 $0xFFFFD8F0  }
0xb6: {  	s5 =	simm.s32 $0x200;
	s4 =	simm.s32 $0x0;
	[bflag:$0x0] =	sbarrier.arrive $0xFFFF  }
.LBB2_10:
0xb7: {  	p1 =	sne.s32 s5, $0x9E00;
	[tilespmem:s4+$0x2070] =	vst v1  }
0xb8: {  	[tilespmem:s4+$0x2000] =	vst v1  }
0xb9: {  	[tilespmem:s4+$0x2010] =	vst v1  }
.Ltmp4:
0xba: {  	[tilespmem:s4+$0x2020] =	vst v1;
	(pc) =	sbr.rel @p1 .LBB2_10-.Ltmp4, $4  }
0xbb: {  	[tilespmem:s4+$0x2030] =	vst v1  }
0xbc: {  	[tilespmem:s4+$0x2040] =	vst v1  }
0xbd: {  	[tilespmem:s4+$0x2050] =	vst v1  }
0xbe: {  	[tilespmem:s4+$0x2060] =	vst v1;
	s4 =	sshra.s32 s5, $0x2;
	s5 =	sadd.s32 $0x200, s5  }
0xbf: {  	[tilespmem:s4+$0x2070] =	vst v1  }
0xc0: {  	[tilespmem:s4+$0x2000] =	vst v1  }
0xc1: {  	[tilespmem:s4+$0x2010] =	vst v1  }
0xc2: {  	[tilespmem:s4+$0x2020] =	vst v1  }
0xc3: {  	[tilespmem:s4+$0x2030] =	vst v1  }
0xc4: {  	[tilespmem:s4+$0x2040] =	vst v1  }
0xc5: {  	[tilespmem:s4+$0x2050] =	vst v1  }
0xc6: {  	[tilespmem:s4+$0x2060] =	vst v1  }
0xc7: {  	[spmem:s15] =	stream.linear.scatter [tilespmem:s3], [sflag:$0x5], $0x2800, $0x38;
	[tilespmem:$0x1A880] =	vst v63  }
0xc8: {  	_ =	swait.ge [sflag:s10], $0x2800  }
0xc9: {  	[sflag:s10] =	ssyncset.done $0x0  }
0xca: {  	s5 =	rddreg [dreg:$0xf];
	[sflag:s10] =	ssyncadd.s32 $0xFFFFD800  }
0xcb: {  	[spmem:s5] =	stream.linear.scatter [tilespmem:s3], [sflag:$0x5], $0x2800, $0x38;
	[tilespmem:$0x1A880] =	vst v63  }
0xcc: {  	_ =	swait.ge [sflag:s10], $0x2800  }
0xcd: {  	[sflag:s10] =	ssyncset.done $0x0  }
0xce: {  	s8 =	rddreg [dreg:$0x10];
	[sflag:s10] =	ssyncadd.s32 $0xFFFFD800  }
0xcf: {  	[spmem:s8] =	stream.linear.scatter [tilespmem:s3], [sflag:$0x5], $0x2800, $0x38;
	[tilespmem:$0x1A880] =	vst v63  }
0xd0: {  	_ =	swait.ge [sflag:s10], $0x2800  }
0xd1: {  	[sflag:s10] =	ssyncset.done $0x0  }
0xd2: {  	s13 =	rddreg [dreg:$0x11];
	[sflag:s10] =	ssyncadd.s32 $0xFFFFD800  }
0xd3: {  	[spmem:s13] =	stream.linear.scatter [tilespmem:s3], [sflag:$0x5], $0x2800, $0x38;
	[tilespmem:$0x1A880] =	vst v63  }
0xd4: {  	_ =	swait.ge [sflag:s10], $0x2800  }
0xd5: {  	[sflag:s10] =	ssyncset.done $0x0  }
0xd6: {  	s16 =	rddreg [dreg:$0x12];
	[sflag:s10] =	ssyncadd.s32 $0xFFFFD800  }
0xd7: {  	[spmem:s16] =	stream.linear.scatter [tilespmem:s3], [sflag:$0x5], $0x2800, $0x38;
	[tilespmem:$0x1A880] =	vst v63  }
0xd8: {  	_ =	swait.ge [sflag:s10], $0x2800  }
0xd9: {  	[sflag:s10] =	ssyncset.done $0x0  }
0xda: {  	s17 =	rddreg [dreg:$0x13];
	[sflag:s10] =	ssyncadd.s32 $0xFFFFD800  }
0xdb: {  	[spmem:s17] =	stream.linear.scatter [tilespmem:s3], [sflag:$0x5], $0x2800, $0x38;
	[tilespmem:$0x1A880] =	vst v63  }
0xdc: {  	_ =	swait.ge [sflag:s10], $0x2800  }
0xdd: {  	[sflag:s10] =	ssyncset.done $0x0  }
0xde: {  	s26 =	rddreg [dreg:$0x14];
	[sflag:s10] =	ssyncadd.s32 $0xFFFFD800  }
0xdf: {  	[spmem:s26] =	stream.linear.scatter [tilespmem:s3], [sflag:$0x5], $0x2800, $0x38;
	[tilespmem:$0x1A880] =	vst v63  }
0xe0: {  	_ =	swait.ge [sflag:s10], $0x2800  }
0xe1: {  	[sflag:s10] =	ssyncset.done $0x0  }
0xe2: {  	s16 =	rddreg [dreg:$0x6];
	[sflag:s10] =	ssyncadd.s32 $0xFFFFD800  }
0xe3: {  	[spmem:s16] =	stream.linear.scatter [tilespmem:s3], [sflag:$0x5], $0x2080, $0x38;
	[tilespmem:$0x1A880] =	vst v63  }
0xe4: {  	_ =	swait.ge [sflag:s10], $0x2080  }
0xe5: {  	s17 =	rddreg [dreg:$0xa]  }
0xe6: {  	s4 =	simm.s32 $0x0;
	[sflag:s10] =	ssyncset.done $0x0;
	s26 =	rddreg [dreg:$0xb]  }
0xe7: {  	s5 =	simm.s32 $0x200;
	s29 =	rddreg [dreg:$0xc];
	[sflag:s10] =	ssyncadd.s32 $0xFFFFDF80  }
.LBB2_12:
0xe8: {  	p1 =	sne.s32 s5, $0x9E00;
	[tilespmem:s4+$0x2070] =	vst v2  }
0xe9: {  	[tilespmem:s4+$0x2000] =	vst v2  }
0xea: {  	[tilespmem:s4+$0x2010] =	vst v2  }
.Ltmp5:
0xeb: {  	[tilespmem:s4+$0x2020] =	vst v2;
	(pc) =	sbr.rel @p1 .LBB2_12-.Ltmp5, $4  }
0xec: {  	[tilespmem:s4+$0x2030] =	vst v2  }
0xed: {  	[tilespmem:s4+$0x2040] =	vst v2  }
0xee: {  	[tilespmem:s4+$0x2050] =	vst v2  }
0xef: {  	[tilespmem:s4+$0x2060] =	vst v2;
	s4 =	sshra.s32 s5, $0x2;
	s5 =	sadd.s32 $0x200, s5  }
0xf0: {  	[tilespmem:s4+$0x2070] =	vst v2  }
0xf1: {  	[tilespmem:s4+$0x2000] =	vst v2  }
0xf2: {  	[tilespmem:s4+$0x2010] =	vst v2  }
0xf3: {  	[tilespmem:s4+$0x2020] =	vst v2  }
0xf4: {  	[tilespmem:s4+$0x2030] =	vst v2  }
0xf5: {  	[tilespmem:s4+$0x2040] =	vst v2  }
0xf6: {  	[tilespmem:s4+$0x2050] =	vst v2  }
0xf7: {  	[tilespmem:s4+$0x2060] =	vst v2  }
0xf8: {  	s4 =	simm.s32 $0x0;
	[bflag:$0x0] =	sbarrier.arrive $0xFFFF  }
.LBB2_14:
0xf9: {  	s5 =	sshll.u32 s4, $0xC  }
0xfa: {  	s5 =	sadd.s32 s9, s5  }
0xfb: {  	s5 =	sshrl.u32 s5, $0x3  }
0xfc: {  	s5 =	sadd.s32 s6, s5  }
0xfd: {  	[tilespmem:s11], [sflag:$0x5] =	stream.linear.gather [hbm4b:s5+s14], $0xC80, $0x38;
	[tilespmem:$0x1A880] =	vst v63  }
0xfe: {  	_ =	swait.ge [sflag:s10], $0xC80  }
0xff: {  	[sflag:s10] =	ssyncset.done $0x0  }
0x100: {  	[sflag:s10] =	ssyncadd.s32 $0xFFFFF380  }
0x101: {  	[spmem:s2] =	stream.indirect.scatter.add.f32 [tilespmem:s3], [sflag:$0x3], $0x80, s17, s12, $0xb8;
	[tilespmem:$0x1A880] =	vst v63  }
0x102: {  	_ = 	snop  }
0x103: {  	[spmem:s2] =	stream.indirect.scatter.add.f32 [tilespmem:s3], [sflag:$0x3], $0x80, s26, s12, $0xb8;
	[tilespmem:$0x1A880] =	vst v63  }
0x104: {  	_ = 	snop  }
0x105: {  	[spmem:s2] =	stream.indirect.scatter.add.f32 [tilespmem:s3], [sflag:$0x3], $0x80, s29, s12, $0xb8;
	[tilespmem:$0x1A880] =	vst v63  }
0x106: {  	s8 =	rddreg [dreg:$0xd]  }
0x107: {  	[spmem:s2] =	stream.indirect.scatter.add.f32 [tilespmem:s3], [sflag:$0x3], $0x80, s8, s12, $0xb8;
	[tilespmem:$0x1A880] =	vst v63  }
0x108: {  	s13 =	rddreg [dreg:$0xe]  }
0x109: {  	[spmem:s2] =	stream.indirect.scatter.add.f32 [tilespmem:s3], [sflag:$0x3], $0x80, s13, s12, $0xb8;
	[tilespmem:$0x1A880] =	vst v63  }
0x10a: {  	_ = 	snop  }
0x10b: {  	[spmem:s2] =	stream.indirect.scatter.add.f32 [tilespmem:s3], [sflag:$0x3], $0x80, s18, s12, $0xb8;
	[tilespmem:$0x1A880] =	vst v63  }
0x10c: {  	_ = 	snop  }
0x10d: {  	[spmem:s2] =	stream.indirect.scatter.add.f32 [tilespmem:s3], [sflag:$0x3], $0x80, s19, s12, $0xb8;
	[tilespmem:$0x1A880] =	vst v63  }
0x10e: {  	_ = 	snop  }
0x10f: {  	[spmem:s2] =	stream.indirect.scatter.add.f32 [tilespmem:s3], [sflag:$0x3], $0x80, s20, s12, $0xb8;
	[tilespmem:$0x1A880] =	vst v63  }
0x110: {  	_ = 	snop  }
0x111: {  	[spmem:s2] =	stream.indirect.scatter.add.f32 [tilespmem:s3], [sflag:$0x3], $0x80, s21, s12, $0xb8;
	[tilespmem:$0x1A880] =	vst v63  }
0x112: {  	_ = 	snop  }
0x113: {  	[spmem:s2] =	stream.indirect.scatter.add.f32 [tilespmem:s3], [sflag:$0x3], $0x80, s22, s12, $0xb8;
	[tilespmem:$0x1A880] =	vst v63  }
0x114: {  	_ = 	snop  }
0x115: {  	[spmem:s2] =	stream.indirect.scatter.add.f32 [tilespmem:s3], [sflag:$0x3], $0x80, s23, s12, $0xb8;
	[tilespmem:$0x1A880] =	vst v63  }
0x116: {  	p1 =	sne.s32 s25, $0x1  }
0x117: {  	[spmem:s2] =	stream.indirect.scatter.add.f32 [tilespmem:s3], [sflag:$0x3], $0x80, s24, s12, $0xb8;
	[tilespmem:$0x1A880] =	vst v63  }
.Ltmp6:
0x118: {  	_ = 	snop;
	(pc) =	sbr.rel @!p1 .LBB2_16-.Ltmp6, $4  }
0x119: {  	s5 =	simm.s32 @!p0 $0x50;
	s8 =	simm.s32 @!p0 $0x1C00;
	s13 =	simm.s32 @!p0 $0x2000  }
0x11a: {  	[spmem:s2] =	stream.indirect.scatter.add.f32 @!p0 [tilespmem:s13], [sflag:$0x3], $0x80, s8, s5, $0xb8;
	[tilespmem:$0x1A880] =	vst v63  }
0x11b: {  	_ =	swait.ge [sflag:s30], $0x2800  }
0x11c: {  	s5 =	sadd.s32 $0xFFFFFFFF, s25;
	[sflag:s30] =	ssyncset.done $0x0  }
.LBB2_15:
0x11d: {  	p1 =	sne.s32 s5, $0x1;
	s5 =	sadd.s32 $0xFFFFFFFF, s5;
	[sflag:s30] =	ssyncadd.s32 $0xFFFFD800  }
.Ltmp7:
0x11e: {  	(pc) =	sbr.rel @p1 .LBB2_15-.Ltmp7, $3  }
0x11f: {  	_ =	sdelay $0x1  }
0x120: {  	_ =	swait.ge [sflag:s30], $0x2800  }
0x121: {  	[sflag:s30] =	ssyncset.done $0x0  }
.LBB2_16:
0x122: {  	s4 =	sadd.s32 $0x1, s4  }
0x123: {  	p1 =	sne.s32 s4, $0x5  }
.Ltmp8:
0x124: {  	_ = 	snop;
	(pc) =	sbr.rel @p1 .LBB2_14-.Ltmp8, $2  }
0x125: {  	_ =	sdelay $0x2  }
0x126: {  	[sflag:s30] =	ssyncadd.s32 $0xFFFFD800  }
0x127: {  	[bflag:$0x0] =	sbarrier.arrive $0xFFFF  }
0x128: {  	s4 =	rddreg [dreg:$0x8]  }
0x129: {  	[hbm:s4], [sflag:s0] =	dma.local [spmem:s7], $0x2710  }
0x12a: {  	_ =	swait.ge [sflag:s10], $0x2710  }
0x12b: {  	s26 =	rddreg [dreg:$0x15]  }
0x12c: {  	s29 =	rddreg [dreg:$0x9];
	s4 =	sadd.s32 $0x1, s26  }
0x12d: {  	p1 =	sne.s32 s4, s29  }
.Ltmp9:
0x12e: {  	_ = 	snop;
	(pc) =	sbr.rel @p1 .LBB2_1-.Ltmp9, $3  }
0x12f: {  	_ =	sdelay $0x1  }
0x130: {  	[sflag:s10] =	ssyncset.done $0x0  }
0x131: {  	[sflag:s10] =	ssyncadd.s32 $0xFFFFD8F0  }
0x132: {  	_ =	sfence.sel $0x180000  }
0x133: {  	[bflag:$0x0] =	sbarrier.arrive $0xFFFF  }
0x134: {  	_ =	strace $0x90000047  }
0x135: {  	s0 =	stileid.u32;
	[bflag:$0x2] =	sbarrier.arrive $0xFFFF  }
0x136: {  	p0 =	sne.s32 s0, $0x0;
	s0 =	rddreg [dreg:$0x3]  }
0x137: {  	s0 =	sadd.s32 @!p0 $0x100000, s0  }
0x138: {  	[sflag:s0] =	ssyncadd.tile.s32 @!p0 $0x1;
	_ =	shalt  }
.Lfunc_end2:
_tile_overlayer_lowered:
.L_overlay_start_2:
0x139: {  	(tag) =	ssettag $0x2  }
0x13a: {  	s0 =	rddreg [dreg:$0x0];
	s2 =	stileid.u32  }
0x13b: {  	s1 =	rddreg [dreg:$0x1];
	p0 =	sne.s32 s2, $0x0  }
0x13c: {  	s3 =	rddreg [dreg:$0x2];
	[bflag:$0x3] =	sbarrier.arrive $0xFFFF;
	s2 =	simm.s32 @!p0 $0x1C05  }
0x13d: {  	[timem:s3], [sflag:s2] =	dma.local @!p0 [hbm:s0], s1  }
0x13e: {  	s0 =	simm.s32 @!p0 $0x5  }
0x13f: {  	_ =	swait.ge @!p0 [sflag:s0], s1  }
0x140: {  	s1 =	ssub.s32 @!p0 $0x0, s1;
	[sflag:s0] =	ssyncset.done @!p0 $0x0  }
0x141: {  	[sflag:s0] =	ssyncadd.s32 @!p0 s1  }
0x142: {  	[bflag:$0x3] =	sbarrier.arrive $0xFFFF  }
0x143: {  	_ =	shalt  }

// kernel: kernel.9.cloned.1.call-start
scs
__scs_entry_jumppad:
0x0: {  	(pc) =	sbr.rel $0x88, $3  }
0x1: {  	(tag) =	ssettag $0x0;
	lr =	simm.s32 $0x1  }
0x2: {  	[smem:$0x3F97] =	sst lr;
	_ =	strace $0xD0000000  }
0x3: {  	_ = 	snop  }
0x4: {  	_ = 	snop  }
0x5: {  	_ = 	snop  }
0x6: {  	_ = 	snop  }
0x7: {  	_ = 	snop  }
__scs_overlays_trampoline_lowered:
0x8: {  	[smem:$0x3FA6] =	sst s0  }
0x9: {  	[smem:$0x3FA7] =	sst s1  }
0xa: {  	[smem:$0x3FA8] =	sst s2  }
0xb: {  	[smem:$0x3FA9] =	sst s3  }
0xc: {  	[smem:$0x3FAA] =	sst s4  }
0xd: {  	[smem:$0x3FAB] =	sst s5  }
0xe: {  	[smem:$0x3FAC] =	sst s6  }
0xf: {  	[smem:$0x3FAD] =	sst s7  }
0x10: {  	[smem:$0x3FAE] =	sst s8  }
0x11: {  	[smem:$0x3FAF] =	sst s9;
	s0 =	simm.s32 @!p0 $0x0  }
0x12: {  	s1 =	sld [smem:$0x3F95];
	s0 =	simm.s32 @p0 $0x1  }
0x13: {  	[smem:$0x3FB0] =	sst s0;
	s0 =	simm.s32 @!p1 $0x0  }
0x14: {  	s2 =	sld [smem:$0x3F94];
	s0 =	simm.s32 @p1 $0x1  }
0x15: {  	[smem:$0x3FB1] =	sst s0;
	s0 =	simm.s32 @!p2 $0x0  }
0x16: {  	s3 =	sld [smem:$0x3FDB];
	s0 =	simm.s32 @p2 $0x1  }
0x17: {  	s4 =	simm.s32 $0x1BF5;
	[smem:$0x3FB3] =	sst s0  }
0x18: {  	s0 =	sld [smem:$0x3F96];
	_ =	swait.ge [sflag:s4], $0x0  }
0x19: {  	s7 =	sld [smem:$0x3F97]  }
0x1a: {  	s8 =	sadd.s32 $0xFFFFE003, lr  }
0x1b: {  	s9 =	sadd.s32 $0xFFFFFEF7, lr;
	s5 =	simm.s32 $0xFFFFFFFF;
	p2 =	slt.u32 s8, $0xFFFFF086  }
0x1c: {  	p1 =	slt.u32 s9, $0xF7A;
	s5 =	simm.s32 @!p2 $0x0  }
0x1d: {  	s5 =	simm.s32 @p1 $0x1;
	p0 =	seq.s32 s7, s2  }
0x1e: {  	s7 =	smul.u32 @!p0 $0xF7A, s2;
	p2 =	seq.s32 @!p0 s5, $0x0  }
0x1f: {  	s9 =	smul.u32 $0xF7A, s1;
	s8 =	simm.s32 @!p0 $0x1BF5;
	p2 =	por !p2, p0  }
0x20: {  	[sflag:s8] =	ssyncset.s32 @!p0 $0xFFFFF086;
	s6 =	sadd.s32 @!p0 s3, s7;
	s7 =	simm.s32 @!p0 $0x108  }
0x21: {  	s3 =	sadd.s32 s3, s9;
	s6 =	sadd.s32 @!p0 $0x88, s6;
	s7 =	simm.s32 @p2 $0x1082  }
0x22: {  	[simem:s7], [sflag:s8] =	dma.local @!p0 [hbm:s6], $0xF7A  }
0x23: {  	s9 =	sor.u32 $0xD0000000, s2;
	s6 =	simm.s32 $0x108;
	_ =	swait.ge @!p0 [sflag:s8], $0x0  }
0x24: {  	s3 =	sadd.s32 $0x88, s3;
	s6 =	simm.s32 @!p1 $0x1082;
	[sflag:s4] =	ssyncset.s32 $0xFFFFF086  }
0x25: {  	[simem:s6], [sflag:s4] =	dma.local [hbm:s3], $0xF7A  }
0x26: {  	[smem:$0x3F97] =	sst s1;
	(tag) =	ssettag s2;
	_ =	strace s9  }
0x27: {  	s1 =	sld [smem:$0x3FA7]  }
0x28: {  	s2 =	sld [smem:$0x3FA8]  }
0x29: {  	s4 =	sld [smem:$0x3FAA]  }
0x2a: {  	p0 =	seq.s32 s5, $0x0;
	s5 =	sld [smem:$0x3FAB]  }
0x2b: {  	s6 =	sld [smem:$0x3FAC]  }
0x2c: {  	s7 =	sld [smem:$0x3FAD]  }
0x2d: {  	s3 =	simm.s32 $0x108;
	s8 =	sld [smem:$0x3FAE]  }
0x2e: {  	s3 =	simm.s32 @!p0 $0x1082;
	s9 =	sld [smem:$0x3FAF]  }
0x2f: {  	lr =	sadd.s32 s0, s3;
	s0 =	sld [smem:$0x3FA6]  }
0x30: {  	s3 =	sld [smem:$0x3FA9]  }
0x31: {  	[smem:$0x3FB2] =	sst s10  }
0x32: {  	s10 =	sld [smem:$0x3FB0];
	_ =	sdelay $0x3  }
0x33: {  	p0 =	seq.s32 s10, $0x1;
	s10 =	sld [smem:$0x3FB2];
	_ =	sdelay $0x3  }
0x34: {  	[smem:$0x3FB2] =	sst s10  }
0x35: {  	s10 =	sld [smem:$0x3FB1];
	_ =	sdelay $0x3  }
0x36: {  	p1 =	seq.s32 s10, $0x1;
	s10 =	sld [smem:$0x3FB2];
	_ =	sdelay $0x3  }
0x37: {  	[smem:$0x3FB2] =	sst s10  }
0x38: {  	s10 =	sld [smem:$0x3FB3]  }
0x39: {  	_ = 	snop;
	(pc) =	sbr.ind lr, $3  }
0x3a: {  	_ = 	snop  }
0x3b: {  	_ = 	snop  }
0x3c: {  	p2 =	seq.s32 s10, $0x1;
	s10 =	sld [smem:$0x3FB2]  }
0x3d: {  	_ =	shalt  }
0x3e: {  	_ =	shalt  }
0x3f: {  	_ =	shalt  }
0x40: {  	_ =	shalt  }
0x41: {  	_ =	shalt  }
0x42: {  	_ =	shalt  }
0x43: {  	_ =	shalt  }
0x44: {  	_ =	shalt  }
0x45: {  	_ =	shalt  }
0x46: {  	_ =	shalt  }
0x47: {  	_ =	shalt  }
0x48: {  	_ =	shalt  }
0x49: {  	_ =	shalt  }
0x4a: {  	_ =	shalt  }
0x4b: {  	_ =	shalt  }
0x4c: {  	_ =	shalt  }
0x4d: {  	_ =	shalt  }
0x4e: {  	_ =	shalt  }
0x4f: {  	_ =	shalt  }
0x50: {  	_ =	shalt  }
0x51: {  	_ =	shalt  }
0x52: {  	_ =	shalt  }
0x53: {  	_ =	shalt  }
0x54: {  	_ =	shalt  }
0x55: {  	_ =	shalt  }
0x56: {  	_ =	shalt  }
0x57: {  	_ =	shalt  }
0x58: {  	_ =	shalt  }
0x59: {  	_ =	shalt  }
0x5a: {  	_ =	shalt  }
0x5b: {  	_ =	shalt  }
0x5c: {  	_ =	shalt  }
0x5d: {  	_ =	shalt  }
0x5e: {  	_ =	shalt  }
0x5f: {  	_ =	shalt  }
0x60: {  	_ =	shalt  }
0x61: {  	_ =	shalt  }
0x62: {  	_ =	shalt  }
0x63: {  	_ =	shalt  }
0x64: {  	_ =	shalt  }
0x65: {  	_ =	shalt  }
0x66: {  	_ =	shalt  }
0x67: {  	_ =	shalt  }
0x68: {  	_ =	shalt  }
0x69: {  	_ =	shalt  }
0x6a: {  	_ =	shalt  }
0x6b: {  	_ =	shalt  }
0x6c: {  	_ =	shalt  }
0x6d: {  	_ =	shalt  }
0x6e: {  	_ =	shalt  }
0x6f: {  	_ =	shalt  }
0x70: {  	_ =	shalt  }
0x71: {  	_ =	shalt  }
0x72: {  	_ =	shalt  }
0x73: {  	_ =	shalt  }
0x74: {  	_ =	shalt  }
0x75: {  	_ =	shalt  }
0x76: {  	_ =	shalt  }
0x77: {  	_ =	shalt  }
0x78: {  	_ =	shalt  }
0x79: {  	_ =	shalt  }
0x7a: {  	_ =	shalt  }
0x7b: {  	_ =	shalt  }
0x7c: {  	_ =	shalt  }
0x7d: {  	_ =	shalt  }
0x7e: {  	_ =	shalt  }
0x7f: {  	_ =	shalt  }
0x80: {  	_ =	shalt  }
0x81: {  	_ =	shalt  }
0x82: {  	_ =	shalt  }
0x83: {  	_ =	shalt  }
0x84: {  	_ =	shalt  }
0x85: {  	_ =	shalt  }
0x86: {  	_ =	shalt  }
0x87: {  	_ =	shalt  }
.Lfunc_end0:
.L_simem_size_0:
called_computation.1_lowered:
.L_overlay_start_0:
0x88: {  	s2 =	sld [smem:$0x3FD9]  }
0x89: {  	s3 =	sld [smem:$0x3FFE];
	_ =	sdelay $0x1  }
0x8a: {  	s1 =	srdreg.scid  }
0x8b: {  	s0 =	sand.u32 $0x1, s1  }
0x8c: {  	s15 =	sshll.u32 s0, $0xA;
	s2 =	sadd.s32 s3, s2  }
0x8d: {  	s2 =	sadd.s32 s2, s15  }
0x8e: {  	[smem:$0x3FBE] =	sst s2  }
0x8f: {  	_ = 	snop  }
0x90: {  	s2 =	sld [smem:$0x3FD0];
	_ =	sdelay $0x2  }
0x91: {  	s16 =	simm.s32 $0xB;
	s4 =	simm.s32 $0x10  }
0x92: {  	[smem:s4], [sflag:s16] =	dma.local [hbm:s2], $0x1  }
0x93: {  	_ =	swait.eq [sflag:s16], $0x1  }
0x94: {  	[sflag:s16] =	ssyncset.done $0x0  }
0x95: {  	[sflag:s16] =	ssyncadd.s32 $0xFFFFFFFF  }
0x96: {  	s17 =	sld [smem:$0x11];
	(tm) =	ssettm $0x1  }
0x97: {  	s18 =	sld [smem:$0x3FFB];
	_ =	sdelay $0x3  }
0x98: {  	_ =	strace s18  }
0x99: {  	s2 =	sld [smem:$0x3FFC];
	_ =	sdelay $0x3  }
0x9a: {  	_ =	strace s2  }
0x9b: {  	s2 =	sld [smem:$0x3FFD];
	_ =	sdelay $0x3  }
0x9c: {  	_ =	strace s2  }
0x9d: {  	_ =	strace $0x8FFFFFFF  }
0x9e: {  	s19 =	sld [smem:$0x3FDB];
	_ =	sdelay $0x1  }
0x9f: {  	s20 =	simm.s32 $_scs_section_size  }
0xa0: {  	s5 =	simm.s32 $_size__tile_overlayer_lowered;
	s6 =	simm.s32 $_tile_overlayer_lowered  }
0xa1: {  	s7 =	simm.s32 $0x1BFF;
	s21 =	sshll.u32 s6, $0x1;
	s4 =	sadd.s32 s20, s19  }
0xa2: {  	s22 =	simm.s32 $0x0;
	s5 =	sshll.u32 s5, $0x1;
	s6 =	sadd.s32 s21, s4  }
0xa3: {  	[timem:s22], [sflag:s7] =	dma.local [hbm:s6], s5  }
0xa4: {  	_ =	swait.ge [sflag:s7], s5  }
0xa5: {  	s5 =	ssub.s32 $0x0, s5;
	[sflag:s7] =	ssyncset.done $0x0  }
0xa6: {  	[sflag:s7] =	ssyncadd.s32 s5;
	_ =	sdelay $0x1  }
0xa7: {  	s23 =	simm.s32 $0x1B8B  }
0xa8: {  	_ =	swait.ge [sflag:s23], $0x1  }
0xa9: {  	[sflag:s23] =	ssyncset.done $0x0  }
0xaa: {  	[sflag:s23] =	ssyncadd.s32 $0xFFFFFFFF  }
0xab: {  	s5 =	sld [smem:$0x0]  }
0xac: {  	s6 =	sand.u32 $0xFFFFFFFE, s1  }
0xad: {  	p0 =	sne.s32 s1, s6  }
0xae: {  	s6 =	sshll.u32 @p0 s6, $0xE  }
0xaf: {  	s6 =	sadd.s32 @p0 $0x11B8D, s6;
	s7 =	sshll.u32 @p0 s5, $0x11  }
0xb0: {  	s6 =	sor.u32 @p0 s7, s6  }
0xb1: {  	[sflag:s6] =	ssyncadd.remote.s32 @p0 $0x1;
	_ =	sdelay $0x1  }
0xb2: {  	s6 =	simm.s32 @p0 $0x1B8D  }
0xb3: {  	_ =	swait.eq @p0 [sflag:s6], $0x1  }
0xb4: {  	[sflag:s6] =	ssyncadd.s32 @p0 $0xFFFFFFFF  }
0xb5: {  	s7 =	sshll.u32 @!p0 s1, $0xE  }
0xb6: {  	s7 =	sor.u32 @!p0 $0x4000, s7;
	s6 =	simm.s32 @!p0 $0x1B8D  }
0xb7: {  	s5 =	sshll.u32 @!p0 s5, $0x11;
	s7 =	sadd.s32 @!p0 $0x11B8D, s7;
	_ =	swait.eq @!p0 [sflag:s6], $0x1  }
0xb8: {  	s5 =	sor.u32 @!p0 s5, s7;
	[sflag:s6] =	ssyncadd.s32 @!p0 $0xFFFFFFFF  }
0xb9: {  	s25 =	simm.s32 $0x1B8E;
	s24 =	sld [smem:$0x3FFE];
	[sflag:s5] =	ssyncadd.remote.s32 @!p0 $0x1  }
0xba: {  	s26 =	simm.s32 $execute0_lowered;
	[smem:$0x3FD2] =	sst s25  }
0xbb: {  	s6 =	sshll.u32 s26, $0x1;
	_ =	strace $0x80000049;
	[dreg:$0x1] =	wrdreg $0xFFFFFFFF  }
0xbc: {  	s28 =	simm.s32 $_size_execute0_lowered;
	s4 =	sadd.s32 s4, s6;
	[dreg:$0x0] =	wrdreg $0x0  }
0xbd: {  	s6 =	sshll.u32 s28, $0x1;
	[dreg:$0x2] =	wrdreg s4  }
0xbe: {  	[dreg:$0x3] =	wrdreg s6  }
0xbf: {  	[dreg:$0x4] =	wrdreg $0xC0  }
0xc0: {  	_ =	task [dreg:s22], $0x5FFFF  }
0xc1: {  	[dreg:$0x1] =	wrdreg $0xFFFFFFFF  }
0xc2: {  	[dreg:$0x0] =	wrdreg $0x60  }
0xc3: {  	[dreg:$0x2] =	wrdreg s17  }
0xc4: {  	[dreg:$0x3] =	wrdreg s24  }
0xc5: {  	[dreg:$0x4] =	wrdreg $0x70000  }
0xc6: {  	[dreg:$0x5] =	wrdreg $0xA  }
0xc7: {  	_ =	task.clear_ibuf [dreg:s22], $0x6FFFF;
	_ =	strace $0x90000049  }
0xc8: {  	s29 =	simm.s32 $0xA;
	_ =	strace $0x8000004B  }
0xc9: {  	_ =	swait.ge [sflag:s29], $0x1  }
0xca: {  	[sflag:s29] =	ssyncadd.s32 $0xFFFFFFFF  }
0xcb: {  	_ =	strace $0x9000004B  }
0xcc: {  	_ =	sfence  }
0xcd: {  	s30 =	sld [smem:$0x0];
	_ =	sdelay $0x2  }
0xce: {  	s31 =	sshll.u32 s1, $0xD;
	s1 =	sshrl.u32 s1, $0x2  }
0xcf: {  	s4 =	sand.u32 $0x4000, s31;
	s1 =	sadd.s32 s1, s30  }
0xd0: {  	s0 =	sor.u32 s4, s0;
	s1 =	sshll.u32 s1, $0x11  }
0xd1: {  	s0 =	sor.u32 s1, s0  }
0xd2: {  	s0 =	sadd.s32 $0x8F2B, s0  }
0xd3: {  	[sflag:s0] =	ssyncadd.remote.s32 $0x1  }
0xd4: {  	_ =	sfence.sel $0xFFFF  }
0xd5: {  	[dreg:$0x0] =	wrdreg $0xFFFFFFFF;
	(pc) =	sbr.abs _section_cstart, $3  }
0xd6: {  	[dreg:$0x1] =	wrdreg $0xFFFFFFFF  }
0xd7: {  	_ =	task.clear_ibuf [dreg:s22], $0x2FFFF;
	_ =	strace $0x9FFFFFFF  }
0xd8: {  	(tm) =	ssettm $0x7FFFFFFF  }
0xd9: {  	_ =	shalt  }
tec
execute0_lowered:
.L_overlay_start_1:
0x0: {  	(tag) =	ssettag $0x1  }
0x1: {  	s1 =	rddreg [dreg:$0x0]  }
0x2: {  	s0 =	rddreg [dreg:$0x1]  }
0x3: {  	s2 =	rddreg [dreg:$0x2]  }
0x4: {  	s3 =	srdreg.scid;
	s14 =	simm.s32 $0x0;
	s9 =	stileid.u32  }
0x5: {  	s28 =	simm.s32 $0x1;
	s30 =	simm.s32 $0x3;
	s31 =	simm.s32 $0x4  }
0x6: {  	s4 =	sand.u32 $0x1, s3;
	[smem:$0x7FF] =	sst s14;
	s5 =	smul.u32 $0x4E200, s9  }
0x7: {  	s6 =	sadd.s32 $0xB4000, s0;
	s3 =	sshll.u32 s4, $0x4;
	_ =	strace $0x8000004A  }
0x8: {  	[dreg:$0x4] =	wrdreg s6;
	s7 =	ssub.s32 $0x2, s4;
	s6 =	sadd.s32 $0xBE000, s0  }
0x9: {  	s13 =	sshll.u32 s4, $0x7;
	p0 =	sne.s32 s4, $0x0;
	s3 =	sor.u32 s9, s3  }
0xa: {  	s5 =	sshrl.u32 s5, $0x2;
	s8 =	sshrl.u32 s7, $0x1;
	s25 =	sor.u32 $0x1300, s13  }
0xb: {  	s9 =	smul.u32 $0x5000, s9;
	s17 =	sor.u32 $0x1000, s13;
	[dreg:$0xd] =	wrdreg s25  }
0xc: {  	s26 =	sor.u32 $0x1100, s13;
	s29 =	sor.u32 $0x1200, s13;
	[dreg:$0xa] =	wrdreg s17  }
0xd: {  	s18 =	sor.u32 $0x1500, s13;
	s19 =	sor.u32 $0x1600, s13;
	[dreg:$0xb] =	wrdreg s26  }
0xe: {  	s15 =	sadd.s32 s5, s2;
	s11 =	ssub.s32 s7, s8;
	[dreg:$0xc] =	wrdreg s29  }
0xf: {  	s20 =	sor.u32 $0x1700, s13;
	s24 =	smax.u32 s11, $0x1;
	[dreg:$0x5] =	wrdreg s15  }
0x10: {  	s21 =	sor.u32 $0x1800, s13;
	s7 =	sadd.s32 $0x2800, s15;
	[dreg:$0x9] =	wrdreg s24  }
0x11: {  	s22 =	sor.u32 $0x1900, s13;
	s8 =	sadd.s32 $0x5000, s15;
	[dreg:$0xf] =	wrdreg s7  }
0x12: {  	s23 =	sor.u32 $0x1A00, s13;
	s10 =	sadd.s32 $0x7800, s15;
	[dreg:$0x10] =	wrdreg s8  }
0x13: {  	s3 =	smul.u32 $0x2780, s3;
	s11 =	sadd.s32 $0xA000, s15;
	[dreg:$0x11] =	wrdreg s10  }
0x14: {  	s25 =	sxor.u32 $0xD, s4;
	s16 =	sadd.s32 $0x11800, s15;
	[dreg:$0x12] =	wrdreg s11  }
0x15: {  	s0 =	sadd.s32 s3, s0;
	s3 =	sor.u32 $0x1400, s13;
	[dreg:$0x6] =	wrdreg s16  }
0x16: {  	s24 =	sor.u32 $0x1B00, s13;
	s13 =	sadd.s32 $0xF000, s15;
	[dreg:$0xe] =	wrdreg s3  }
0x17: {  	v0 =	vmov s4;
	s4 =	simm.s32 $0x0;
	s12 =	sadd.s32 $0xC8000, s0;
	[dreg:$0x14] =	wrdreg s13  }
0x18: {  	s10 =	simm.s32 $0x5;
	s0 =	sadd.s32 $0x117000, s0;
	[dreg:$0x7] =	wrdreg s12  }
0x19: {  	s11 =	simm.s32 $0x1000;
	[dreg:$0x8] =	wrdreg s0;
	s12 =	sadd.s32 $0xC800, s15  }
0x1a: {  	v1 =	vimm.f32 $0.0e+00;
	v2 =	vimm.f32 $1.000000000e+00;
	s3 =	simm.s32 $0x2000;
	[dreg:$0x13] =	wrdreg s12;
	s12 =	simm.s32 $0x50  }
.LBB2_1:
0x1b: {  	[dreg:$0x15] =	wrdreg s4;
	s0 =	simm.s32 $0x0;
	s4 =	simm.s32 $0x200  }
.LBB2_2:
0x1c: {  	p1 =	sne.s32 s4, $0x9E00;
	[tilespmem:s0+$0x2070] =	vst v1  }
0x1d: {  	[tilespmem:s0+$0x2000] =	vst v1  }
0x1e: {  	[tilespmem:s0+$0x2010] =	vst v1  }
.Ltmp0:
0x1f: {  	[tilespmem:s0+$0x2020] =	vst v1;
	(pc) =	sbr.rel @p1 .LBB2_2-.Ltmp0, $4  }
0x20: {  	[tilespmem:s0+$0x2030] =	vst v1  }
0x21: {  	[tilespmem:s0+$0x2040] =	vst v1  }
0x22: {  	[tilespmem:s0+$0x2050] =	vst v1  }
0x23: {  	[tilespmem:s0+$0x2060] =	vst v1;
	s0 =	sshra.s32 s4, $0x2;
	s4 =	sadd.s32 $0x200, s4  }
0x24: {  	[tilespmem:s0+$0x2070] =	vst v1  }
0x25: {  	[tilespmem:s0+$0x2000] =	vst v1  }
0x26: {  	[tilespmem:s0+$0x2010] =	vst v1  }
0x27: {  	[tilespmem:s0+$0x2020] =	vst v1  }
0x28: {  	[tilespmem:s0+$0x2030] =	vst v1  }
0x29: {  	[tilespmem:s0+$0x2040] =	vst v1  }
0x2a: {  	[tilespmem:s0+$0x2050] =	vst v1  }
0x2b: {  	[tilespmem:s0+$0x2060] =	vst v1  }
0x2c: {  	[spmem:s15] =	stream.linear.scatter [tilespmem:s3], [sflag:$0x5], $0x2800, $0x38;
	[tilespmem:$0x1A880] =	vst v63  }
0x2d: {  	_ =	swait.ge [sflag:s10], $0x2800  }
0x2e: {  	[sflag:s10] =	ssyncset.done $0x0  }
0x2f: {  	s8 =	rddreg [dreg:$0xf];
	[sflag:s10] =	ssyncadd.s32 $0xFFFFD800  }
0x30: {  	[spmem:s8] =	stream.linear.scatter [tilespmem:s3], [sflag:$0x5], $0x2800, $0x38;
	[tilespmem:$0x1A880] =	vst v63  }
0x31: {  	_ =	swait.ge [sflag:s10], $0x2800  }
0x32: {  	[sflag:s10] =	ssyncset.done $0x0  }
0x33: {  	s13 =	rddreg [dreg:$0x10];
	[sflag:s10] =	ssyncadd.s32 $0xFFFFD800  }
0x34: {  	[spmem:s13] =	stream.linear.scatter [tilespmem:s3], [sflag:$0x5], $0x2800, $0x38;
	[tilespmem:$0x1A880] =	vst v63  }
0x35: {  	_ =	swait.ge [sflag:s10], $0x2800  }
0x36: {  	[sflag:s10] =	ssyncset.done $0x0  }
0x37: {  	s15 =	rddreg [dreg:$0x11];
	[sflag:s10] =	ssyncadd.s32 $0xFFFFD800  }
0x38: {  	[spmem:s15] =	stream.linear.scatter [tilespmem:s3], [sflag:$0x5], $0x2800, $0x38;
	[tilespmem:$0x1A880] =	vst v63  }
0x39: {  	_ =	swait.ge [sflag:s10], $0x2800  }
0x3a: {  	[sflag:s10] =	ssyncset.done $0x0  }
0x3b: {  	s17 =	rddreg [dreg:$0x12];
	[sflag:s10] =	ssyncadd.s32 $0xFFFFD800  }
0x3c: {  	[spmem:s17] =	stream.linear.scatter [tilespmem:s3], [sflag:$0x5], $0x2800, $0x38;
	[tilespmem:$0x1A880] =	vst v63  }
0x3d: {  	_ =	swait.ge [sflag:s10], $0x2800  }
0x3e: {  	[sflag:s10] =	ssyncset.done $0x0  }
0x3f: {  	s26 =	rddreg [dreg:$0x13];
	[sflag:s10] =	ssyncadd.s32 $0xFFFFD800  }
0x40: {  	[spmem:s26] =	stream.linear.scatter [tilespmem:s3], [sflag:$0x5], $0x2800, $0x38;
	[tilespmem:$0x1A880] =	vst v63  }
0x41: {  	_ =	swait.ge [sflag:s10], $0x2800  }
0x42: {  	[sflag:s10] =	ssyncset.done $0x0  }
0x43: {  	s29 =	rddreg [dreg:$0x14];
	[sflag:s10] =	ssyncadd.s32 $0xFFFFD800  }
0x44: {  	[spmem:s29] =	stream.linear.scatter [tilespmem:s3], [sflag:$0x5], $0x2800, $0x38;
	[tilespmem:$0x1A880] =	vst v63  }
0x45: {  	_ =	swait.ge [sflag:s10], $0x2800  }
0x46: {  	[sflag:s10] =	ssyncset.done $0x0  }
0x47: {  	[sflag:s10] =	ssyncadd.s32 $0xFFFFD800  }
0x48: {  	[spmem:s16] =	stream.linear.scatter [tilespmem:s3], [sflag:$0x5], $0x2080, $0x38;
	[tilespmem:$0x1A880] =	vst v63  }
0x49: {  	_ =	swait.ge [sflag:s10], $0x2080  }
0x4a: {  	[sflag:s10] =	ssyncset.done $0x0  }
0x4b: {  	[sflag:s10] =	ssyncadd.s32 $0xFFFFDF80  }
0x4c: {  	s7 =	simm.s32 $0x0;
	s0 =	simm.s32 $0x0;
	[bflag:$0x0] =	sbarrier.arrive $0xFFFF  }
.LBB2_4:
0x4d: {  	s4 =	sshll.u32 s0, $0xC  }
0x4e: {  	s4 =	sadd.s32 s9, s4  }
0x4f: {  	s5 =	rddreg [dreg:$0x4];
	s4 =	sshrl.u32 s4, $0x3  }
0x50: {  	s5 =	sadd.s32 s5, s4  }
0x51: {  	[tilespmem:s7], [sflag:$0x5] =	stream.linear.gather [hbm4b:s5+s7], $0xC80, $0x38;
	[tilespmem:$0x1A880] =	vst v63  }
0x52: {  	_ =	swait.ge [sflag:s10], $0xC80  }
0x53: {  	[sflag:s10] =	ssyncset.done $0x0  }
0x54: {  	s4 =	sadd.s32 s6, s4;
	[sflag:s10] =	ssyncadd.s32 $0xFFFFF380  }
0x55: {  	[tilespmem:s11], [sflag:$0x5] =	stream.linear.gather [hbm4b:s4+s7], $0xC80, $0x38;
	[tilespmem:$0x1A880] =	vst v63  }
0x56: {  	_ =	swait.ge [sflag:s10], $0xC80  }
0x57: {  	[sflag:s10] =	ssyncset.done $0x0  }
0x58: {  	s4 =	simm.s32 $0x0;
	[sflag:s10] =	ssyncadd.s32 $0xFFFFF380  }
0x59: {  	v5 =	vld [tilespmem:s4+$0x0]  }
0x5a: {  	v6 =	vld [tilespmem:s4+$0x10]  }
0x5b: {  	v4 =	vld [tilespmem:s4+$0x20]  }
0x5c: {  	s8 =	simm.s32 $0x200;
	v3 =	vld [tilespmem:s4+$0x30]  }
.LBB2_5:
0x5d: {  	p1 =	sne.s32 s8, $0x3000;
	v7 =	vld [tilespmem:s4+$0x40]  }
0x5e: {  	v5 =	vshll.u32 v5, $0x1  }
0x5f: {  	v5 =	vor.u32 v0, v5;
	v6 =	vshll.u32 v6, $0x1  }
.Ltmp1:
0x60: {  	s5 =	sshra.s32 s8, $0x2;
	[tilespmem:s4+$0x0] =	vst v5;
	v6 =	vor.u32 v0, v6;
	v4 =	vshll.u32 v4, $0x1;
	(pc) =	sbr.rel @p1 .LBB2_5-.Ltmp1, $4  }
0x61: {  	v5 =	vld [tilespmem:s5+$0x0];
	[tilespmem:s4+$0x10] =	vst v6;
	v4 =	vor.u32 v0, v4;
	v3 =	vshll.u32 v3, $0x1  }
0x62: {  	v6 =	vld [tilespmem:s5+$0x10];
	[tilespmem:s4+$0x20] =	vst v4;
	v3 =	vor.u32 v0, v3;
	v7 =	vshll.u32 v7, $0x1  }
0x63: {  	v4 =	vld [tilespmem:s5+$0x20];
	[tilespmem:s4+$0x30] =	vst v3;
	v7 =	vor.u32 v0, v7  }
0x64: {  	s8 =	sadd.s32 $0x200, s8;
	v3 =	vld [tilespmem:s5+$0x30];
	[tilespmem:s4+$0x40] =	vst v7;
	s4 =	smov.u32 s5  }
0x65: {  	v7 =	vld [tilespmem:s4+$0x40]  }
0x66: {  	v5 =	vshll.u32 v5, $0x1  }
0x67: {  	v5 =	vor.u32 v0, v5;
	v6 =	vshll.u32 v6, $0x1  }
0x68: {  	[tilespmem:s4+$0x0] =	vst v5;
	v62 =	vor.u32 v0, v6;
	v4 =	vshll.u32 v4, $0x1  }
0x69: {  	[tilespmem:s4+$0x10] =	vst v62;
	v4 =	vor.u32 v0, v4;
	v3 =	vshll.u32 v3, $0x1  }
0x6a: {  	[tilespmem:s4+$0x20] =	vst v4;
	v3 =	vor.u32 v0, v3;
	v63 =	vshll.u32 v7, $0x1  }
0x6b: {  	[tilespmem:s4+$0x30] =	vst v3;
	v3 =	vor.u32 v0, v63  }
0x6c: {  	s16 =	simm.s32 $0x1;
	[tilespmem:s4+$0x40] =	vst v3  }
0x6d: {  	[tilespmem:s3], [sflag:$0x1] =	stream.indirect.gather [hbm4b:s1+s12], $0x80, s14, s12, $0xb8;
	[tilespmem:$0x1A880] =	vst v63  }
0x6e: {  	_ =	swait.ge [sflag:s16], $0x2800  }
0x6f: {  	s4 =	sand.u32 $0x1, s16;
	[sflag:s16] =	ssyncset.done $0x0  }
0x70: {  	p1 =	seq.s32 s4, $0x1;
	[sflag:s16] =	ssyncadd.s32 $0xFFFFD800  }
0x71: {  	[spmem:s2] =	stream.indirect.scatter.add.f32 [tilespmem:s3], [sflag:$0x3], $0x80, s11, s12, $0xb8;
	[tilespmem:$0x1A880] =	vst v63  }
0x72: {  	s5 =	simm.s32 $0x80;
	s8 =	simm.s32 $0x4800;
	s4 =	simm.s32 @p1 $0x2  }
0x73: {  	[tilespmem:s8], [sflag:$0x2] =	stream.indirect.gather [hbm4b:s1+s12], $0x80, s5, s12, $0xb8;
	[tilespmem:$0x1A880] =	vst v63  }
0x74: {  	s14 =	simm.s32 $0x1080;
	_ =	swait.ge @p1 [sflag:s4], $0x2800  }
0x75: {  	s5 =	simm.s32 @p1 $0x3;
	[sflag:s4] =	ssyncset.done @p1 $0x0;
	p1 =	por p1, p1  }
0x76: {  	[sflag:s4] =	ssyncadd.s32 @p1 $0xFFFFD800;
	s4 =	simm.s32 @p1 $0x50;
	s8 =	simm.s32 @p1 $0x4800  }
0x77: {  	[spmem:s2] =	stream.indirect.scatter.add.f32 @p1 [tilespmem:s8], [sflag:$0x4], $0x80, s14, s4, $0xb8;
	[tilespmem:$0x1A880] =	vst v63  }
0x78: {  	_ =	swait.ge @p1 [sflag:s5], $0x2800  }
0x79: {  	s29 =	simm.s32 $0x100;
	s15 =	simm.s32 $0x2;
	[sflag:s5] =	ssyncset.done @p1 $0x0  }
0x7a: {  	s26 =	simm.s32 @!p1 $0x1;
	[sflag:s5] =	ssyncadd.s32 @p1 $0xFFFFD800;
	s5 =	simm.s32 @p1 $0x2000  }
0x7b: {  	[tilespmem:s5], [sflag:$0x1] =	stream.indirect.gather @p1 [hbm4b:s1+s4], $0x80, s29, s4, $0xb8;
	[tilespmem:$0x1A880] =	vst v63  }
0x7c: {  	s17 =	sand.u32 $0x1, s15;
	_ =	swait.ge @!p1 [sflag:s26], $0x2800  }
0x7d: {  	p3 =	seq.s32 s17, $0x1;
	s13 =	simm.s32 @!p1 $0x4;
	[sflag:s26] =	ssyncset.done @!p1 $0x0  }
0x7e: {  	s5 =	simm.s32 @!p1 $0x50;
	[sflag:s26] =	ssyncadd.s32 @!p1 $0xFFFFD800;
	s26 =	simm.s32 @!p1 $0x2000  }
0x7f: {  	[spmem:s2] =	stream.indirect.scatter.add.f32 @!p1 [tilespmem:s26], [sflag:$0x3], $0x80, s14, s5, $0xb8;
	[tilespmem:$0x1A880] =	vst v63  }
0x80: {  	s8 =	simm.s32 $0x1100;
	s4 =	simm.s32 $0x3;
	_ =	swait.ge @!p1 [sflag:s13], $0x2800  }
0x81: {  	s26 =	simm.s32 $0x180;
	s14 =	simm.s32 @!p1 $0x4800;
	[sflag:s13] =	ssyncset.done @!p1 $0x0  }
.LBB2_7:
0x82: {  	s15 =	simm.s32 @p3 $0x2;
	[sflag:s13] =	ssyncadd.s32 @!p1 $0xFFFFD800  }
0x83: {  	s16 =	smov.u32 s4;
	s4 =	sadd.s32 $0x1, s4;
	s17 =	smov.u32 s8  }
0x84: {  	[tilespmem:s14], [sflag:$0x2] =	stream.indirect.gather @!p1 [hbm4b:s1+s5], $0x80, s29, s5, $0xb8;
	[tilespmem:$0x1A880] =	vst v63  }
0x85: {  	p2 =	sne.s32 s4, $0x18;
	s29 =	smov.u32 s26;
	_ =	swait.ge @p3 [sflag:s15], $0x2800  }
0x86: {  	s5 =	simm.s32 @p3 $0x3;
	p1 =	por p3, p3;
	[sflag:s15] =	ssyncset.done @p3 $0x0  }
0x87: {  	s13 =	simm.s32 @p1 $0x50;
	s14 =	simm.s32 @p1 $0x4800;
	[sflag:s15] =	ssyncadd.s32 @p1 $0xFFFFD800  }
0x88: {  	[spmem:s2] =	stream.indirect.scatter.add.f32 @p1 [tilespmem:s14], [sflag:$0x4], $0x80, s8, s13, $0xb8;
	[tilespmem:$0x1A880] =	vst v63  }
0x89: {  	_ =	swait.ge @p1 [sflag:s5], $0x2800  }
0x8a: {  	[sflag:s5] =	ssyncset.done @p1 $0x0  }
0x8b: {  	s14 =	simm.s32 @!p1 $0x1;
	[sflag:s5] =	ssyncadd.s32 @p1 $0xFFFFD800;
	s5 =	simm.s32 @p1 $0x2000  }
0x8c: {  	[tilespmem:s5], [sflag:$0x1] =	stream.indirect.gather @p1 [hbm4b:s1+s13], $0x80, s26, s13, $0xb8;
	[tilespmem:$0x1A880] =	vst v63  }
0x8d: {  	s8 =	sadd.s32 $0x80, s8;
	_ =	swait.ge @!p1 [sflag:s14], $0x2800  }
.Ltmp2:
0x8e: {  	s13 =	simm.s32 @!p1 $0x4;
	[sflag:s14] =	ssyncset.done @!p1 $0x0;
	(pc) =	sbr.rel @p2 .LBB2_7-.Ltmp2, $4  }
0x8f: {  	s5 =	simm.s32 @!p1 $0x50;
	[sflag:s14] =	ssyncadd.s32 @!p1 $0xFFFFD800;
	s14 =	simm.s32 @!p1 $0x2000  }
0x90: {  	[spmem:s2] =	stream.indirect.scatter.add.f32 @!p1 [tilespmem:s14], [sflag:$0x3], $0x80, s17, s5, $0xb8;
	[tilespmem:$0x1A880] =	vst v63  }
0x91: {  	s26 =	sadd.s32 $0x80, s26;
	s14 =	sand.u32 $0x1, s16;
	_ =	swait.ge @!p1 [sflag:s13], $0x2800  }
0x92: {  	p3 =	seq.s32 s14, $0x1;
	s14 =	simm.s32 @!p1 $0x4800;
	[sflag:s13] =	ssyncset.done @!p1 $0x0  }
0x93: {  	s4 =	simm.s32 @p3 $0x2;
	[sflag:s13] =	ssyncadd.s32 @!p1 $0xFFFFD800  }
0x94: {  	[tilespmem:s14], [sflag:$0x2] =	stream.indirect.gather @!p1 [hbm4b:s1+s5], $0x80, s29, s5, $0xb8;
	[tilespmem:$0x1A880] =	vst v63  }
0x95: {  	_ =	swait.ge @p3 [sflag:s4], $0x2800  }
0x96: {  	s5 =	simm.s32 @p3 $0x3;
	p1 =	por p3, p3;
	[sflag:s4] =	ssyncset.done @p3 $0x0  }
0x97: {  	s13 =	simm.s32 @p1 $0x4800;
	[sflag:s4] =	ssyncadd.s32 @p1 $0xFFFFD800;
	s4 =	simm.s32 @p1 $0x50  }
0x98: {  	[spmem:s2] =	stream.indirect.scatter.add.f32 @p1 [tilespmem:s13], [sflag:$0x4], $0x80, s8, s4, $0xb8;
	[tilespmem:$0x1A880] =	vst v63  }
0x99: {  	_ =	swait.ge @p1 [sflag:s5], $0x2800  }
0x9a: {  	[sflag:s5] =	ssyncset.done @p1 $0x0  }
0x9b: {  	s13 =	simm.s32 @!p1 $0x1;
	[sflag:s5] =	ssyncadd.s32 @p1 $0xFFFFD800;
	s5 =	simm.s32 @p1 $0x2000  }
0x9c: {  	[tilespmem:s5], [sflag:$0x1] =	stream.indirect.gather @p1 [hbm4b:s1+s4], $0x80, s26, s4, $0xb8;
	[tilespmem:$0x1A880] =	vst v63  }
0x9d: {  	_ =	swait.ge @!p1 [sflag:s13], $0x2800  }
0x9e: {  	s4 =	simm.s32 @!p1 $0x4;
	[sflag:s13] =	ssyncset.done @!p1 $0x0  }
0x9f: {  	s5 =	simm.s32 @!p1 $0x50;
	[sflag:s13] =	ssyncadd.s32 @!p1 $0xFFFFD800;
	s13 =	simm.s32 @!p1 $0x2000  }
0xa0: {  	[spmem:s2] =	stream.indirect.scatter.add.f32 @!p1 [tilespmem:s13], [sflag:$0x3], $0x80, s8, s5, $0xb8;
	[tilespmem:$0x1A880] =	vst v63  }
0xa1: {  	_ =	swait.ge @!p1 [sflag:s4], $0x2800  }
0xa2: {  	[sflag:s4] =	ssyncset.done @!p1 $0x0  }
0xa3: {  	s8 =	simm.s32 @!p1 $0x4800;
	[sflag:s4] =	ssyncadd.s32 @!p1 $0xFFFFD800  }
0xa4: {  	[tilespmem:s8], [sflag:$0x2] =	stream.indirect.gather @!p1 [hbm4b:s1+s5], $0x80, s26, s5, $0xb8;
	[tilespmem:$0x1A880] =	vst v63  }
0xa5: {  	_ =	swait.ge [sflag:s28], $0x2800  }
0xa6: {  	[sflag:s28] =	ssyncset.done $0x0  }
0xa7: {  	s0 =	sadd.s32 $0x1, s0;
	s29 =	simm.s32 $0x1C00;
	[sflag:s28] =	ssyncadd.s32 $0xFFFFD800  }
0xa8: {  	[spmem:s2] =	stream.indirect.scatter.add.f32 [tilespmem:s3], [sflag:$0x3], $0x80, s29, s12, $0xb8;
	[tilespmem:$0x1A880] =	vst v63  }
0xa9: {  	p1 =	sne.s32 s0, $0x5;
	_ =	swait.ge [sflag:s30], $0x2800  }
.Ltmp3:
0xaa: {  	[sflag:s30] =	ssyncset.done $0x0;
	(pc) =	sbr.rel @p1 .LBB2_4-.Ltmp3, $4  }
0xab: {  	[sflag:s30] =	ssyncadd.s32 $0xFFFFD800  }
0xac: {  	_ =	swait.ge [sflag:s31], $0x2800  }
0xad: {  	[sflag:s31] =	ssyncset.done $0x0  }
0xae: {  	s14 =	simm.s32 $0x0;
	[sflag:s31] =	ssyncadd.s32 $0xFFFFD800  }
0xaf: {  	s0 =	stileid.u32;
	[bflag:$0x0] =	sbarrier.arrive $0xFFFF  }
0xb0: {  	s0 =	sshll.u32 s0, $0x6;
	s15 =	rddreg [dreg:$0x5]  }
0xb1: {  	s4 =	rddreg [dreg:$0x7];
	s0 =	sor.u32 $0x1C05, s0;
	s7 =	sshrl.u32 s15, $0x3  }
0xb2: {  	[hbm:s4], [sflag:s0] =	dma.local [spmem:s7], $0x2710  }
0xb3: {  	_ =	swait.ge [sflag:s10], $0x2710  }
0xb4: {  	[sflag:s10] =	ssyncset.done $0x0  }
0xb5: {  	[sflag:s10] =	ssyncadd.s32 $0xFFFFD8F0  }
0xb6: {  	s5 =	simm.s32 $0x200;
	s4 =	simm.s32 $0x0;
	[bflag:$0x0] =	sbarrier.arrive $0xFFFF  }
.LBB2_10:
0xb7: {  	p1 =	sne.s32 s5, $0x9E00;
	[tilespmem:s4+$0x2070] =	vst v1  }
0xb8: {  	[tilespmem:s4+$0x2000] =	vst v1  }
0xb9: {  	[tilespmem:s4+$0x2010] =	vst v1  }
.Ltmp4:
0xba: {  	[tilespmem:s4+$0x2020] =	vst v1;
	(pc) =	sbr.rel @p1 .LBB2_10-.Ltmp4, $4  }
0xbb: {  	[tilespmem:s4+$0x2030] =	vst v1  }
0xbc: {  	[tilespmem:s4+$0x2040] =	vst v1  }
0xbd: {  	[tilespmem:s4+$0x2050] =	vst v1  }
0xbe: {  	[tilespmem:s4+$0x2060] =	vst v1;
	s4 =	sshra.s32 s5, $0x2;
	s5 =	sadd.s32 $0x200, s5  }
0xbf: {  	[tilespmem:s4+$0x2070] =	vst v1  }
0xc0: {  	[tilespmem:s4+$0x2000] =	vst v1  }
0xc1: {  	[tilespmem:s4+$0x2010] =	vst v1  }
0xc2: {  	[tilespmem:s4+$0x2020] =	vst v1  }
0xc3: {  	[tilespmem:s4+$0x2030] =	vst v1  }
0xc4: {  	[tilespmem:s4+$0x2040] =	vst v1  }
0xc5: {  	[tilespmem:s4+$0x2050] =	vst v1  }
0xc6: {  	[tilespmem:s4+$0x2060] =	vst v1  }
0xc7: {  	[spmem:s15] =	stream.linear.scatter [tilespmem:s3], [sflag:$0x5], $0x2800, $0x38;
	[tilespmem:$0x1A880] =	vst v63  }
0xc8: {  	_ =	swait.ge [sflag:s10], $0x2800  }
0xc9: {  	[sflag:s10] =	ssyncset.done $0x0  }
0xca: {  	s5 =	rddreg [dreg:$0xf];
	[sflag:s10] =	ssyncadd.s32 $0xFFFFD800  }
0xcb: {  	[spmem:s5] =	stream.linear.scatter [tilespmem:s3], [sflag:$0x5], $0x2800, $0x38;
	[tilespmem:$0x1A880] =	vst v63  }
0xcc: {  	_ =	swait.ge [sflag:s10], $0x2800  }
0xcd: {  	[sflag:s10] =	ssyncset.done $0x0  }
0xce: {  	s8 =	rddreg [dreg:$0x10];
	[sflag:s10] =	ssyncadd.s32 $0xFFFFD800  }
0xcf: {  	[spmem:s8] =	stream.linear.scatter [tilespmem:s3], [sflag:$0x5], $0x2800, $0x38;
	[tilespmem:$0x1A880] =	vst v63  }
0xd0: {  	_ =	swait.ge [sflag:s10], $0x2800  }
0xd1: {  	[sflag:s10] =	ssyncset.done $0x0  }
0xd2: {  	s13 =	rddreg [dreg:$0x11];
	[sflag:s10] =	ssyncadd.s32 $0xFFFFD800  }
0xd3: {  	[spmem:s13] =	stream.linear.scatter [tilespmem:s3], [sflag:$0x5], $0x2800, $0x38;
	[tilespmem:$0x1A880] =	vst v63  }
0xd4: {  	_ =	swait.ge [sflag:s10], $0x2800  }
0xd5: {  	[sflag:s10] =	ssyncset.done $0x0  }
0xd6: {  	s16 =	rddreg [dreg:$0x12];
	[sflag:s10] =	ssyncadd.s32 $0xFFFFD800  }
0xd7: {  	[spmem:s16] =	stream.linear.scatter [tilespmem:s3], [sflag:$0x5], $0x2800, $0x38;
	[tilespmem:$0x1A880] =	vst v63  }
0xd8: {  	_ =	swait.ge [sflag:s10], $0x2800  }
0xd9: {  	[sflag:s10] =	ssyncset.done $0x0  }
0xda: {  	s17 =	rddreg [dreg:$0x13];
	[sflag:s10] =	ssyncadd.s32 $0xFFFFD800  }
0xdb: {  	[spmem:s17] =	stream.linear.scatter [tilespmem:s3], [sflag:$0x5], $0x2800, $0x38;
	[tilespmem:$0x1A880] =	vst v63  }
0xdc: {  	_ =	swait.ge [sflag:s10], $0x2800  }
0xdd: {  	[sflag:s10] =	ssyncset.done $0x0  }
0xde: {  	s26 =	rddreg [dreg:$0x14];
	[sflag:s10] =	ssyncadd.s32 $0xFFFFD800  }
0xdf: {  	[spmem:s26] =	stream.linear.scatter [tilespmem:s3], [sflag:$0x5], $0x2800, $0x38;
	[tilespmem:$0x1A880] =	vst v63  }
0xe0: {  	_ =	swait.ge [sflag:s10], $0x2800  }
0xe1: {  	[sflag:s10] =	ssyncset.done $0x0  }
0xe2: {  	s16 =	rddreg [dreg:$0x6];
	[sflag:s10] =	ssyncadd.s32 $0xFFFFD800  }
0xe3: {  	[spmem:s16] =	stream.linear.scatter [tilespmem:s3], [sflag:$0x5], $0x2080, $0x38;
	[tilespmem:$0x1A880] =	vst v63  }
0xe4: {  	_ =	swait.ge [sflag:s10], $0x2080  }
0xe5: {  	s17 =	rddreg [dreg:$0xa]  }
0xe6: {  	s4 =	simm.s32 $0x0;
	[sflag:s10] =	ssyncset.done $0x0;
	s26 =	rddreg [dreg:$0xb]  }
0xe7: {  	s5 =	simm.s32 $0x200;
	s29 =	rddreg [dreg:$0xc];
	[sflag:s10] =	ssyncadd.s32 $0xFFFFDF80  }
.LBB2_12:
0xe8: {  	p1 =	sne.s32 s5, $0x9E00;
	[tilespmem:s4+$0x2070] =	vst v2  }
0xe9: {  	[tilespmem:s4+$0x2000] =	vst v2  }
0xea: {  	[tilespmem:s4+$0x2010] =	vst v2  }
.Ltmp5:
0xeb: {  	[tilespmem:s4+$0x2020] =	vst v2;
	(pc) =	sbr.rel @p1 .LBB2_12-.Ltmp5, $4  }
0xec: {  	[tilespmem:s4+$0x2030] =	vst v2  }
0xed: {  	[tilespmem:s4+$0x2040] =	vst v2  }
0xee: {  	[tilespmem:s4+$0x2050] =	vst v2  }
0xef: {  	[tilespmem:s4+$0x2060] =	vst v2;
	s4 =	sshra.s32 s5, $0x2;
	s5 =	sadd.s32 $0x200, s5  }
0xf0: {  	[tilespmem:s4+$0x2070] =	vst v2  }
0xf1: {  	[tilespmem:s4+$0x2000] =	vst v2  }
0xf2: {  	[tilespmem:s4+$0x2010] =	vst v2  }
0xf3: {  	[tilespmem:s4+$0x2020] =	vst v2  }
0xf4: {  	[tilespmem:s4+$0x2030] =	vst v2  }
0xf5: {  	[tilespmem:s4+$0x2040] =	vst v2  }
0xf6: {  	[tilespmem:s4+$0x2050] =	vst v2  }
0xf7: {  	[tilespmem:s4+$0x2060] =	vst v2  }
0xf8: {  	s4 =	simm.s32 $0x0;
	[bflag:$0x0] =	sbarrier.arrive $0xFFFF  }
.LBB2_14:
0xf9: {  	s5 =	sshll.u32 s4, $0xC  }
0xfa: {  	s5 =	sadd.s32 s9, s5  }
0xfb: {  	s5 =	sshrl.u32 s5, $0x3  }
0xfc: {  	s5 =	sadd.s32 s6, s5  }
0xfd: {  	[tilespmem:s11], [sflag:$0x5] =	stream.linear.gather [hbm4b:s5+s14], $0xC80, $0x38;
	[tilespmem:$0x1A880] =	vst v63  }
0xfe: {  	_ =	swait.ge [sflag:s10], $0xC80  }
0xff: {  	[sflag:s10] =	ssyncset.done $0x0  }
0x100: {  	[sflag:s10] =	ssyncadd.s32 $0xFFFFF380  }
0x101: {  	[spmem:s2] =	stream.indirect.scatter.add.f32 [tilespmem:s3], [sflag:$0x3], $0x80, s17, s12, $0xb8;
	[tilespmem:$0x1A880] =	vst v63  }
0x102: {  	_ = 	snop  }
0x103: {  	[spmem:s2] =	stream.indirect.scatter.add.f32 [tilespmem:s3], [sflag:$0x3], $0x80, s26, s12, $0xb8;
	[tilespmem:$0x1A880] =	vst v63  }
0x104: {  	_ = 	snop  }
0x105: {  	[spmem:s2] =	stream.indirect.scatter.add.f32 [tilespmem:s3], [sflag:$0x3], $0x80, s29, s12, $0xb8;
	[tilespmem:$0x1A880] =	vst v63  }
0x106: {  	s8 =	rddreg [dreg:$0xd]  }
0x107: {  	[spmem:s2] =	stream.indirect.scatter.add.f32 [tilespmem:s3], [sflag:$0x3], $0x80, s8, s12, $0xb8;
	[tilespmem:$0x1A880] =	vst v63  }
0x108: {  	s13 =	rddreg [dreg:$0xe]  }
0x109: {  	[spmem:s2] =	stream.indirect.scatter.add.f32 [tilespmem:s3], [sflag:$0x3], $0x80, s13, s12, $0xb8;
	[tilespmem:$0x1A880] =	vst v63  }
0x10a: {  	_ = 	snop  }
0x10b: {  	[spmem:s2] =	stream.indirect.scatter.add.f32 [tilespmem:s3], [sflag:$0x3], $0x80, s18, s12, $0xb8;
	[tilespmem:$0x1A880] =	vst v63  }
0x10c: {  	_ = 	snop  }
0x10d: {  	[spmem:s2] =	stream.indirect.scatter.add.f32 [tilespmem:s3], [sflag:$0x3], $0x80, s19, s12, $0xb8;
	[tilespmem:$0x1A880] =	vst v63  }
0x10e: {  	_ = 	snop  }
0x10f: {  	[spmem:s2] =	stream.indirect.scatter.add.f32 [tilespmem:s3], [sflag:$0x3], $0x80, s20, s12, $0xb8;
	[tilespmem:$0x1A880] =	vst v63  }
0x110: {  	_ = 	snop  }
0x111: {  	[spmem:s2] =	stream.indirect.scatter.add.f32 [tilespmem:s3], [sflag:$0x3], $0x80, s21, s12, $0xb8;
	[tilespmem:$0x1A880] =	vst v63  }
0x112: {  	_ = 	snop  }
0x113: {  	[spmem:s2] =	stream.indirect.scatter.add.f32 [tilespmem:s3], [sflag:$0x3], $0x80, s22, s12, $0xb8;
	[tilespmem:$0x1A880] =	vst v63  }
0x114: {  	_ = 	snop  }
0x115: {  	[spmem:s2] =	stream.indirect.scatter.add.f32 [tilespmem:s3], [sflag:$0x3], $0x80, s23, s12, $0xb8;
	[tilespmem:$0x1A880] =	vst v63  }
0x116: {  	p1 =	sne.s32 s25, $0x1  }
0x117: {  	[spmem:s2] =	stream.indirect.scatter.add.f32 [tilespmem:s3], [sflag:$0x3], $0x80, s24, s12, $0xb8;
	[tilespmem:$0x1A880] =	vst v63  }
.Ltmp6:
0x118: {  	_ = 	snop;
	(pc) =	sbr.rel @!p1 .LBB2_16-.Ltmp6, $4  }
0x119: {  	s5 =	simm.s32 @!p0 $0x50;
	s8 =	simm.s32 @!p0 $0x1C00;
	s13 =	simm.s32 @!p0 $0x2000  }
0x11a: {  	[spmem:s2] =	stream.indirect.scatter.add.f32 @!p0 [tilespmem:s13], [sflag:$0x3], $0x80, s8, s5, $0xb8;
	[tilespmem:$0x1A880] =	vst v63  }
0x11b: {  	_ =	swait.ge [sflag:s30], $0x2800  }
0x11c: {  	s5 =	sadd.s32 $0xFFFFFFFF, s25;
	[sflag:s30] =	ssyncset.done $0x0  }
.LBB2_15:
0x11d: {  	p1 =	sne.s32 s5, $0x1;
	s5 =	sadd.s32 $0xFFFFFFFF, s5;
	[sflag:s30] =	ssyncadd.s32 $0xFFFFD800  }
.Ltmp7:
0x11e: {  	(pc) =	sbr.rel @p1 .LBB2_15-.Ltmp7, $3  }
0x11f: {  	_ =	sdelay $0x1  }
0x120: {  	_ =	swait.ge [sflag:s30], $0x2800  }
0x121: {  	[sflag:s30] =	ssyncset.done $0x0  }
.LBB2_16:
0x122: {  	s4 =	sadd.s32 $0x1, s4  }
0x123: {  	p1 =	sne.s32 s4, $0x5  }
.Ltmp8:
0x124: {  	_ = 	snop;
	(pc) =	sbr.rel @p1 .LBB2_14-.Ltmp8, $2  }
0x125: {  	_ =	sdelay $0x2  }
0x126: {  	[sflag:s30] =	ssyncadd.s32 $0xFFFFD800  }
0x127: {  	[bflag:$0x0] =	sbarrier.arrive $0xFFFF  }
0x128: {  	s4 =	rddreg [dreg:$0x8]  }
0x129: {  	[hbm:s4], [sflag:s0] =	dma.local [spmem:s7], $0x2710  }
0x12a: {  	_ =	swait.ge [sflag:s10], $0x2710  }
0x12b: {  	s26 =	rddreg [dreg:$0x15]  }
0x12c: {  	s29 =	rddreg [dreg:$0x9];
	s4 =	sadd.s32 $0x1, s26  }
0x12d: {  	p1 =	sne.s32 s4, s29  }
.Ltmp9:
0x12e: {  	_ = 	snop;
	(pc) =	sbr.rel @p1 .LBB2_1-.Ltmp9, $3  }
0x12f: {  	_ =	sdelay $0x1  }
0x130: {  	[sflag:s10] =	ssyncset.done $0x0  }
0x131: {  	[sflag:s10] =	ssyncadd.s32 $0xFFFFD8F0  }
0x132: {  	_ =	sfence.sel $0x180000  }
0x133: {  	[bflag:$0x0] =	sbarrier.arrive $0xFFFF  }
0x134: {  	_ =	strace $0x9000004A  }
0x135: {  	s0 =	stileid.u32;
	[bflag:$0x2] =	sbarrier.arrive $0xFFFF  }
0x136: {  	p0 =	sne.s32 s0, $0x0;
	s0 =	rddreg [dreg:$0x3]  }
0x137: {  	s0 =	sadd.s32 @!p0 $0x100000, s0  }
0x138: {  	[sflag:s0] =	ssyncadd.tile.s32 @!p0 $0x1;
	_ =	shalt  }
.Lfunc_end2:
_tile_overlayer_lowered:
.L_overlay_start_2:
0x139: {  	(tag) =	ssettag $0x2  }
0x13a: {  	s0 =	rddreg [dreg:$0x0];
	s2 =	stileid.u32  }
0x13b: {  	s1 =	rddreg [dreg:$0x1];
	p0 =	sne.s32 s2, $0x0  }
0x13c: {  	s3 =	rddreg [dreg:$0x2];
	[bflag:$0x3] =	sbarrier.arrive $0xFFFF;
	s2 =	simm.s32 @!p0 $0x1C05  }
0x13d: {  	[timem:s3], [sflag:s2] =	dma.local @!p0 [hbm:s0], s1  }
0x13e: {  	s0 =	simm.s32 @!p0 $0x5  }
0x13f: {  	_ =	swait.ge @!p0 [sflag:s0], s1  }
0x140: {  	s1 =	ssub.s32 @!p0 $0x0, s1;
	[sflag:s0] =	ssyncset.done @!p0 $0x0  }
0x141: {  	[sflag:s0] =	ssyncadd.s32 @!p0 s1  }
0x142: {  	[bflag:$0x3] =	sbarrier.arrive $0xFFFF  }
0x143: {  	_ =	shalt  }

</sc_bundles>
